<compile_context>
chip_gen: v7x
topology: tpu7x:2x2x1
jax: 0.10.2.dev20260603
libtpu: 0.0.44.dev20260713+nightly
codegen_flags: <defaults>
</compile_context>

<pallas_src>
import functools

import jax
import jax.numpy as jnp
from jax import lax
from jax.experimental import pallas as pl
from jax.experimental.pallas import tpu as pltpu
from jax.experimental.pallas import tpu_sc as plsc

_B, _H, _MAX, _NEW, _D = 8, 8, 4096, 16, 128
_HALF = _D // 2
_BF = jnp.bfloat16
_NC, _NS, _L = 2, 16, 16
_NW = _NC * _NS
_PPW = (_B * _H) // _NW



def _tc_body(pos_ref, kc_ref, vc_ref, kco_ref, vco_ref, mask_ref):
    i = pl.program_id(0)

    @pl.when(i == 0)
    def _():
        ids = lax.broadcasted_iota(jnp.int32, (_MAX, 1), 0)
        m = jnp.ones((_MAX, 1), jnp.float32)
        for j in range(_NEW):
            m = jnp.where(ids == pos_ref[j], 0.0, m)
        mask_ref[...] = m

    m = mask_ref[...]
    kco_ref[0] = (kc_ref[0] * m).astype(_BF)
    vco_ref[0] = (vc_ref[0] * m).astype(_BF)


def _tc_stream(cache_position, kc3, vc3):
    cache_spec = pl.BlockSpec((1, _MAX, _D), lambda i: (i, 0, 0))
    return pl.pallas_call(
        _tc_body,
        grid=(_B * _H,),
        in_specs=[
            pl.BlockSpec(memory_space=pltpu.SMEM),
            cache_spec,
            cache_spec,
        ],
        out_specs=[cache_spec, cache_spec],
        out_shape=[
            jax.ShapeDtypeStruct((_B * _H, _MAX, _D), _BF),
            jax.ShapeDtypeStruct((_B * _H, _MAX, _D), _BF),
        ],
        scratch_shapes=[pltpu.VMEM((_MAX, 1), jnp.float32)],
        compiler_params=pltpu.CompilerParams(
            dimension_semantics=("arbitrary",),
        ),
    )(cache_position, kc3, vc3)



def _sc_math_rows(gk_v, cos_v, sin_v, ks_v, out_v, accc_v, accs_v, first,
                  row_off):

    def row(r, carry):
        for c in range(4):
            cl = pl.ds(c * _L, _L)
            cr = pl.ds((c + 4) * _L, _L)
            a = gk_v[r, cl]
            bq = gk_v[r, cr]
            out_v[row_off + r, cl] = a * cos_v[r, cl] + bq * sin_v[r, cr]
            out_v[row_off + r, cr] = bq * cos_v[r, cr] - a * sin_v[r, cl]
            kl = ks_v[row_off + r, cl]
            kr = ks_v[row_off + r, cr]
            pc_l = a * kl
            pc_r = bq * kr
            ps_l = -(a * kr)
            ps_r = bq * kl
            if first:
                accc_v[r, cl] = pc_l
                accc_v[r, cr] = pc_r
                accs_v[r, cl] = ps_l
                accs_v[r, cr] = ps_r
            else:
                plsc.addupdate(accc_v.at[r, cl], pc_l)
                plsc.addupdate(accc_v.at[r, cr], pc_r)
                plsc.addupdate(accs_v.at[r, cl], ps_l)
                plsc.addupdate(accs_v.at[r, cr], ps_r)
        return carry

    lax.fori_loop(0, _NEW, row, 0)


def _sc_add_rows(dst_v, src_v):
    def row(r, carry):
        for c in range(8):
            sl = pl.ds(c * _L, _L)
            plsc.addupdate(dst_v.at[r, sl], src_v[r, sl])
        return carry

    lax.fori_loop(0, _NEW, row, 0)


def _sc_kernel_body(kc_hbm, vc_hbm, ks_hbm, cos_hbm, sin_hbm, pos_hbm,
                    gks_hbm, gvs_hbm, gcos_hbm, gsin_hbm,
                    idx2_v, gk0_v, gk1_v, gv0_v, gv1_v, ks2_v, cos_v, sin_v,
                    out2_v, accc_v, accs_v, tmp_v, sh_cos, sh_sin, sem):
    cid = lax.axis_index("c")
    sid = lax.axis_index("s")
    w = cid * _NS + sid
    b = w // 4
    p0 = w * _PPW

    pltpu.sync_copy(pos_hbm, idx2_v.at[0])
    idx2_v[1, :] = idx2_v[0, :] + (p0 + 1) * _MAX
    idx2_v[0, :] = idx2_v[0, :] + p0 * _MAX
    c0 = pltpu.async_copy(kc_hbm.at[idx2_v.at[0]], gk0_v, sem)
    c1 = pltpu.async_copy(vc_hbm.at[idx2_v.at[0]], gv0_v, sem)
    c2 = pltpu.async_copy(kc_hbm.at[idx2_v.at[1]], gk1_v, sem)
    c3 = pltpu.async_copy(vc_hbm.at[idx2_v.at[1]], gv1_v, sem)
    pltpu.sync_copy(ks_hbm.at[pl.ds(p0 * _NEW, _PPW * _NEW)], ks2_v)
    pltpu.sync_copy(cos_hbm.at[pl.ds(b * _NEW, _NEW)], cos_v)
    pltpu.sync_copy(sin_hbm.at[pl.ds(b * _NEW, _NEW)], sin_v)
    c0.wait()
    c1.wait()
    c2.wait()
    c3.wait()

    pltpu.sync_copy(gv0_v, gvs_hbm.at[pl.ds(p0 * _NEW, _NEW)])
    pltpu.sync_copy(gv1_v, gvs_hbm.at[pl.ds((p0 + 1) * _NEW, _NEW)])
    for q, gk_v in ((0, gk0_v), (1, gk1_v)):
        _sc_math_rows(gk_v, cos_v, sin_v, ks2_v, out2_v, accc_v, accs_v,
                      first=(q == 0), row_off=q * _NEW)
    pltpu.sync_copy(out2_v, gks_hbm.at[pl.ds(p0 * _NEW, _PPW * _NEW)])

    pltpu.sync_copy(accc_v, sh_cos.at[sid])
    pltpu.sync_copy(accs_v, sh_sin.at[sid])
    plsc.subcore_barrier()

    @pl.when(sid % 4 == 0)
    def _leader():
        for i in range(1, 4):
            pltpu.sync_copy(sh_cos.at[sid + i], tmp_v)
            _sc_add_rows(accc_v, tmp_v)
            pltpu.sync_copy(sh_sin.at[sid + i], tmp_v)
            _sc_add_rows(accs_v, tmp_v)
        pltpu.sync_copy(accc_v, gcos_hbm.at[pl.ds(b * _NEW, _NEW)])
        pltpu.sync_copy(accs_v, gsin_hbm.at[pl.ds(b * _NEW, _NEW)])


def _sc_small(kc_flat, vc_flat, ks_flat, cos_flat, sin_flat, pos):
    run = pl.kernel(
        _sc_kernel_body,
        out_type=[
            jax.ShapeDtypeStruct((_B * _H * _NEW, _D), jnp.float32),
            jax.ShapeDtypeStruct((_B * _H * _NEW, _D), jnp.float32),
            jax.ShapeDtypeStruct((_B * _NEW, _D), jnp.float32),
            jax.ShapeDtypeStruct((_B * _NEW, _D), jnp.float32),
        ],
        mesh=plsc.VectorSubcoreMesh(
            core_axis_name="c", subcore_axis_name="s",
            num_cores=_NC, num_subcores=_NS),
        scratch_types=[
            pltpu.VMEM((_PPW, _NEW), jnp.int32),
            pltpu.VMEM((_NEW, _D), jnp.float32),
            pltpu.VMEM((_NEW, _D), jnp.float32),
            pltpu.VMEM((_NEW, _D), jnp.float32),
            pltpu.VMEM((_NEW, _D), jnp.float32),
            pltpu.VMEM((_PPW * _NEW, _D), jnp.float32),
            pltpu.VMEM((_NEW, _D), jnp.float32),
            pltpu.VMEM((_NEW, _D), jnp.float32),
            pltpu.VMEM((_PPW * _NEW, _D), jnp.float32),
            pltpu.VMEM((_NEW, _D), jnp.float32),
            pltpu.VMEM((_NEW, _D), jnp.float32),
            pltpu.VMEM((_NEW, _D), jnp.float32),
            pltpu.VMEM_SHARED((_NS, _NEW, _D), jnp.float32),
            pltpu.VMEM_SHARED((_NS, _NEW, _D), jnp.float32),
            pltpu.SemaphoreType.DMA,
        ],
    )
    return run(kc_flat, vc_flat, ks_flat, cos_flat, sin_flat, pos)


@jax.jit
def kernel(grad_key_cache, grad_value_cache, key_states, cos, sin,
           cache_position):
    gks_f, gvs_f, gcos_f, gsin_f = _sc_small(
        grad_key_cache.reshape(_B * _H * _MAX, _D),
        grad_value_cache.reshape(_B * _H * _MAX, _D),
        key_states.reshape(_B * _H * _NEW, _D),
        cos.reshape(_B * _NEW, _D),
        sin.reshape(_B * _NEW, _D),
        cache_position.astype(jnp.int32),
    )

    kc3 = grad_key_cache.reshape(_B * _H, _MAX, _D)
    vc3 = grad_value_cache.reshape(_B * _H, _MAX, _D)
    kco, vco = _tc_stream(cache_position, kc3, vc3)

    return (
        gks_f.astype(_BF).reshape(_B, _H, _NEW, _D),
        gvs_f.astype(_BF).reshape(_B, _H, _NEW, _D),
        gcos_f.astype(_BF).reshape(_B, _NEW, _D),
        gsin_f.astype(_BF).reshape(_B, _NEW, _D),
        kco.reshape(_B, _H, _MAX, _D),
        vco.reshape(_B, _H, _MAX, _D),
    )

# --- scband reference (transcript-rebuilt; emitter-appended) ---
"""Pipeline reference for scband-model-51453708206388 (READ-ONLY COPY).

The authoritative reference and input builder live on the scoring server;
editing this copy changes nothing except your own understanding.
"""

import jax, jax.numpy as jnp
import numpy as np

B, H, MAX, NEW, D = 8, 8, 4096, 16, 128

def setup_inputs(seed: int = 0) -> dict:
    key = jax.random.key(seed)
    ks = jax.random.split(key, 6)
    return {
        "grad_key_cache": jax.random.normal(ks[0], (B, H, MAX, D), dtype=jnp.float32),
        "grad_value_cache": jax.random.normal(ks[1], (B, H, MAX, D), dtype=jnp.float32),
        "key_states": jax.random.normal(ks[2], (B, H, NEW, D), dtype=jnp.float32),
        "cos": jax.random.normal(ks[3], (B, NEW, D), dtype=jnp.float32),
        "sin": jax.random.normal(ks[4], (B, NEW, D), dtype=jnp.float32),
        "cache_position": jnp.sort(jax.random.randint(ks[5], (NEW,), 0, MAX)),
    }

def reference(grad_key_cache, grad_value_cache, key_states, cos, sin, cache_position):
    half = key_states.shape[-1] // 2
    k1 = key_states[..., :half]
    k2 = key_states[..., half:]
    k_rotated_half = jnp.concatenate((-k2, k1), axis=-1)
    cos_expanded = cos[:, None, :, :]
    sin_expanded = sin[:, None, :, :]
    grad_key_states_rotated = jnp.take(grad_key_cache, cache_position, axis=2)
    grad_value_states = jnp.take(grad_value_cache, cache_position, axis=2)
    grad_from_cos_term = grad_key_states_rotated * cos_expanded
    grad_k_rotated_half = grad_key_states_rotated * sin_expanded
    grad_k_rotated_half_1 = grad_k_rotated_half[..., :half]
    grad_k_rotated_half_2 = grad_k_rotated_half[..., half:]
    grad_k2_from_rotate = -grad_k_rotated_half_1
    grad_k1_from_rotate = grad_k_rotated_half_2
    grad_k1_total = grad_from_cos_term[..., :half] + grad_k1_from_rotate
    grad_k2_total = grad_from_cos_term[..., half:] + grad_k2_from_rotate
    grad_key_states = jnp.concatenate([grad_k1_total, grad_k2_total], axis=-1)
    grad_cos = (grad_key_states_rotated * key_states).sum(axis=1)
    grad_sin = (grad_key_states_rotated * k_rotated_half).sum(axis=1)
    grad_key_cache_input = grad_key_cache.at[:, :, cache_position].set(0.0)
    grad_value_cache_input = grad_value_cache.at[:, :, cache_position].set(0.0)
    bf = jnp.bfloat16
    return (grad_key_states.astype(bf), grad_value_states.astype(bf), grad_cos.astype(bf), grad_sin.astype(bf), grad_key_cache_input.astype(bf), grad_value_cache_input.astype(bf))

if __name__ == "__main__":
    import jax
    _d = setup_inputs()
    print(jax.jit(kernel)(*tuple(_d.values())))

</pallas_src>

<mosaic_0001>
#map = affine_map<(d0, d1) -> (0, 0)>
#map1 = affine_map<(d0, d1) -> (0)>
module attributes {stable_mosaic.version = 14 : i64} {
  func.func @_sc_kernel_body(%arg0: i32, %arg1: i32, %arg2: memref<262144x128xf32, #tpu.memory_space<hbm>>, %arg3: memref<262144x128xf32, #tpu.memory_space<hbm>>, %arg4: memref<1024x128xf32, #tpu.memory_space<hbm>>, %arg5: memref<128x128xf32, #tpu.memory_space<hbm>>, %arg6: memref<128x128xf32, #tpu.memory_space<hbm>>, %arg7: memref<16xi32, #tpu.memory_space<hbm>>, %arg8: memref<1024x128xf32, #tpu.memory_space<hbm>>, %arg9: memref<1024x128xf32, #tpu.memory_space<hbm>>, %arg10: memref<128x128xf32, #tpu.memory_space<hbm>>, %arg11: memref<128x128xf32, #tpu.memory_space<hbm>>, %arg12: memref<2x16xi32, #tpu.memory_space<vmem>>, %arg13: memref<16x128xf32, #tpu.memory_space<vmem>>, %arg14: memref<16x128xf32, #tpu.memory_space<vmem>>, %arg15: memref<16x128xf32, #tpu.memory_space<vmem>>, %arg16: memref<16x128xf32, #tpu.memory_space<vmem>>, %arg17: memref<32x128xf32, #tpu.memory_space<vmem>>, %arg18: memref<16x128xf32, #tpu.memory_space<vmem>>, %arg19: memref<16x128xf32, #tpu.memory_space<vmem>>, %arg20: memref<32x128xf32, #tpu.memory_space<vmem>>, %arg21: memref<16x128xf32, #tpu.memory_space<vmem>>, %arg22: memref<16x128xf32, #tpu.memory_space<vmem>>, %arg23: memref<16x128xf32, #tpu.memory_space<vmem>>, %arg24: memref<16x16x128xf32, #tpu.memory_space<vmem_shared>>, %arg25: memref<16x16x128xf32, #tpu.memory_space<vmem_shared>>, %arg26: memref<!tpu.dma_semaphore, #tpu.memory_space<semaphore_mem>>) attributes {dimension_semantics = [#tpu.dimension_semantics<core_parallel>, #tpu.dimension_semantics<subcore_parallel>], iteration_bounds = array<i64: 2, 16>, scalar_prefetch = 0 : i64, scratch_operands = 15 : i64, tpu.core_type = #tpu.core_type<sc_vector_subcore>, window_params = [{transform_indices = #map}, {transform_indices = #map}, {transform_indices = #map}, {transform_indices = #map}, {transform_indices = #map}, {transform_indices = #map1}, {transform_indices = #map}, {transform_indices = #map}, {transform_indices = #map}, {transform_indices = #map}]} {
    %mul3A = arith.constant 16 : i32
    %mul3A_0 = arith.muli %arg0, %mul3A : i32
    %add3A = arith.addi %mul3A_0, %arg1 : i32
    %jit3A = arith.constant 4 : i32
    %div3A = arith.divsi %add3A, %jit3A : i32
    %sign3A = arith.constant 0 : i32
    %sign3A_1 = arith.cmpi sgt, %add3A, %sign3A : i32
    %sign3A_2 = arith.extui %sign3A_1 : i1 to i32
    %sign3A_3 = arith.constant 0 : i32
    %sign3A_4 = arith.cmpi slt, %add3A, %sign3A_3 : i32
    %sign3A_5 = arith.extui %sign3A_4 : i1 to i32
    %sign3A_6 = arith.subi %sign3A_2, %sign3A_5 : i32
    %sign3A_7 = arith.constant 0 : i32
    %sign3A_8 = arith.cmpi sgt, %jit3A, %sign3A_7 : i32
    %sign3A_9 = arith.extui %sign3A_8 : i1 to i32
    %sign3A_10 = arith.constant 0 : i32
    %sign3A_11 = arith.cmpi slt, %jit3A, %sign3A_10 : i32
    %sign3A_12 = arith.extui %sign3A_11 : i1 to i32
    %sign3A_13 = arith.subi %sign3A_9, %sign3A_12 : i32
    %ne3A = arith.cmpi ne, %sign3A_6, %sign3A_13 : i32
    %rem3A = arith.remsi %add3A, %jit3A : i32
    %ne3A_14 = arith.constant 0 : i32
    %ne3A_15 = arith.cmpi ne, %rem3A, %ne3A_14 : i32
    %and3A = arith.andi %ne3A, %ne3A_15 : i1
    %sub3A = arith.constant 1 : i32
    %sub3A_16 = arith.subi %div3A, %sub3A : i32
    %select_n3A = arith.select %and3A, %sub3A_16, %div3A : i32
    %mul3A_17 = arith.constant 2 : i32
    %mul3A_18 = arith.muli %add3A, %mul3A_17 : i32
    %run_scoped3A = arith.constant 0 : i32
    "tpu.region"() ({
      %run_scoped3A_145 = tpu.sem_alloc : memref<!tpu.dma_semaphore, #tpu.memory_space<semaphore_mem>>
      %dma_start3A_146 = arith.constant 0 : i32
      %dma_start3A_147 = tpu.memref_slice %arg12[%run_scoped3A, %dma_start3A_146] : memref<2x16xi32, #tpu.memory_space<vmem>> -> memref<1x16xi32, #tpu.memory_space<vmem>>
      %dma_start3A_148 = tpu.memref_squeeze %dma_start3A_147 : memref<1x16xi32, #tpu.memory_space<vmem>> -> memref<16xi32, #tpu.memory_space<vmem>>
      %dma_start3A_149 = arith.constant 0 : i32
      %dma_start3A_150 = tpu.memref_slice %arg12[%run_scoped3A, %dma_start3A_149] : memref<2x16xi32, #tpu.memory_space<vmem>> -> memref<1x16xi32, #tpu.memory_space<vmem>>
      %dma_start3A_151 = tpu.memref_squeeze %dma_start3A_150 : memref<1x16xi32, #tpu.memory_space<vmem>> -> memref<16xi32, #tpu.memory_space<vmem>>
      tpu.enqueue_dma source(%arg7 : memref<16xi32, #tpu.memory_space<hbm>>) target(%dma_start3A_151 : memref<16xi32, #tpu.memory_space<vmem>>) target_semaphore(%run_scoped3A_145 : memref<!tpu.dma_semaphore, #tpu.memory_space<semaphore_mem>>)
      %dma_wait3A_152 = arith.constant 0 : i32
      %dma_wait3A_153 = tpu.memref_slice %arg12[%run_scoped3A, %dma_wait3A_152] : memref<2x16xi32, #tpu.memory_space<vmem>> -> memref<1x16xi32, #tpu.memory_space<vmem>>
      %dma_wait3A_154 = tpu.memref_squeeze %dma_wait3A_153 : memref<1x16xi32, #tpu.memory_space<vmem>> -> memref<16xi32, #tpu.memory_space<vmem>>
      %dma_wait3A_155 = arith.constant 0 : i32
      %dma_wait3A_156 = tpu.memref_slice %arg12[%run_scoped3A, %dma_wait3A_155] : memref<2x16xi32, #tpu.memory_space<vmem>> -> memref<1x16xi32, #tpu.memory_space<vmem>>
      %dma_wait3A_157 = tpu.memref_squeeze %dma_wait3A_156 : memref<1x16xi32, #tpu.memory_space<vmem>> -> memref<16xi32, #tpu.memory_space<vmem>>
      tpu.wait_dma2 semaphore(%run_scoped3A_145 : memref<!tpu.dma_semaphore, #tpu.memory_space<semaphore_mem>>) src(%arg7 : memref<16xi32, #tpu.memory_space<hbm>>) dst(%dma_wait3A_157 : memref<16xi32, #tpu.memory_space<vmem>>)
      tpu.yield
    }) : () -> ()
    %get3A = arith.constant 0 : i32
    %get3A_19 = arith.index_cast %get3A : i32 to index
    %get3A_20 = arith.constant 0 : index
    %get3A_21 = tpu.vector_load %arg12[%get3A_19, %get3A_20] {strides = array<i32>} : memref<2x16xi32, #tpu.memory_space<vmem>>, vector<1x16xi32>,
    %get3A_22 = vector.shape_cast %get3A_21 : vector<1x16xi32> to vector<16xi32>
    %add3A_23 = arith.constant 1 : i32
    %add3A_24 = arith.addi %mul3A_18, %add3A_23 : i32
    %mul3A_25 = arith.constant 4096 : i32
    %mul3A_26 = arith.muli %add3A_24, %mul3A_25 : i32
    %add3A_27 = vector.broadcast %mul3A_26 : i32 to vector<16xi32>
    %add3A_28 = arith.addi %get3A_22, %add3A_27 : vector<16xi32>
    %swap3A = arith.constant 1 : i32
    %swap3A_29 = arith.index_cast %swap3A : i32 to index
    %swap3A_30 = arith.constant 0 : index
    %swap3A_31 = tpu.vector_load %arg12[%swap3A_29, %swap3A_30] {strides = array<i32>} : memref<2x16xi32, #tpu.memory_space<vmem>>, vector<1x16xi32>,
    %swap3A_32 = vector.shape_cast %swap3A_31 : vector<1x16xi32> to vector<16xi32>
    %swap3A_33 = vector.shape_cast %add3A_28 : vector<16xi32> to vector<1x16xi32>
    tpu.vector_store %arg12[%swap3A_29, %swap3A_30], %swap3A_33 {strides = array<i32>} : memref<2x16xi32, #tpu.memory_space<vmem>>, vector<1x16xi32>,
    %get3A_34 = arith.constant 0 : i32
    %get3A_35 = arith.index_cast %get3A_34 : i32 to index
    %get3A_36 = arith.constant 0 : index
    %get3A_37 = tpu.vector_load %arg12[%get3A_35, %get3A_36] {strides = array<i32>} : memref<2x16xi32, #tpu.memory_space<vmem>>, vector<1x16xi32>,
    %get3A_38 = vector.shape_cast %get3A_37 : vector<1x16xi32> to vector<16xi32>
    %mul3A_39 = arith.constant 4096 : i32
    %mul3A_40 = arith.muli %mul3A_18, %mul3A_39 : i32
    %add3A_41 = vector.broadcast %mul3A_40 : i32 to vector<16xi32>
    %add3A_42 = arith.addi %get3A_38, %add3A_41 : vector<16xi32>
    %swap3A_43 = arith.constant 0 : i32
    %swap3A_44 = arith.index_cast %swap3A_43 : i32 to index
    %swap3A_45 = arith.constant 0 : index
    %swap3A_46 = tpu.vector_load %arg12[%swap3A_44, %swap3A_45] {strides = array<i32>} : memref<2x16xi32, #tpu.memory_space<vmem>>, vector<1x16xi32>,
    %swap3A_47 = vector.shape_cast %swap3A_46 : vector<1x16xi32> to vector<16xi32>
    %swap3A_48 = vector.shape_cast %add3A_42 : vector<16xi32> to vector<1x16xi32>
    tpu.vector_store %arg12[%swap3A_44, %swap3A_45], %swap3A_48 {strides = array<i32>} : memref<2x16xi32, #tpu.memory_space<vmem>>, vector<1x16xi32>,
    %dma_start3A = arith.constant 0 : i32
    %dma_start3A_49 = arith.constant 0 : i32
    %dma_start3A_50 = tpu.memref_slice %arg12[%dma_start3A, %dma_start3A_49] : memref<2x16xi32, #tpu.memory_space<vmem>> -> memref<1x16xi32, #tpu.memory_space<vmem>>
    %dma_start3A_51 = tpu.memref_squeeze %dma_start3A_50 : memref<1x16xi32, #tpu.memory_space<vmem>> -> memref<16xi32, #tpu.memory_space<vmem>>
    %dma_start3A_52 = arith.constant 0 : i32
    %dma_start3A_53 = arith.constant 0 : i32
    %dma_start3A_54 = tpu.memref_slice %arg2[%dma_start3A_52, %dma_start3A_53] : memref<262144x128xf32, #tpu.memory_space<hbm>> -> memref<262144x128xf32, #tpu.memory_space<hbm>>
    tpu.enqueue_indirect_dma source(%dma_start3A_54 : memref<262144x128xf32, #tpu.memory_space<hbm>>) target(%arg13 : memref<16x128xf32, #tpu.memory_space<vmem>>) offsets(%dma_start3A_51 : memref<16xi32, #tpu.memory_space<vmem>>) semaphore(%arg26 : memref<!tpu.dma_semaphore, #tpu.memory_space<semaphore_mem>>)
    %dma_start3A_55 = arith.constant 0 : i32
    %dma_start3A_56 = arith.constant 0 : i32
    %dma_start3A_57 = tpu.memref_slice %arg12[%dma_start3A_55, %dma_start3A_56] : memref<2x16xi32, #tpu.memory_space<vmem>> -> memref<1x16xi32, #tpu.memory_space<vmem>>
    %dma_start3A_58 = tpu.memref_squeeze %dma_start3A_57 : memref<1x16xi32, #tpu.memory_space<vmem>> -> memref<16xi32, #tpu.memory_space<vmem>>
    %dma_start3A_59 = arith.constant 0 : i32
    %dma_start3A_60 = arith.constant 0 : i32
    %dma_start3A_61 = tpu.memref_slice %arg3[%dma_start3A_59, %dma_start3A_60] : memref<262144x128xf32, #tpu.memory_space<hbm>> -> memref<262144x128xf32, #tpu.memory_space<hbm>>
    tpu.enqueue_indirect_dma source(%dma_start3A_61 : memref<262144x128xf32, #tpu.memory_space<hbm>>) target(%arg15 : memref<16x128xf32, #tpu.memory_space<vmem>>) offsets(%dma_start3A_58 : memref<16xi32, #tpu.memory_space<vmem>>) semaphore(%arg26 : memref<!tpu.dma_semaphore, #tpu.memory_space<semaphore_mem>>)
    %dma_start3A_62 = arith.constant 1 : i32
    %dma_start3A_63 = arith.constant 0 : i32
    %dma_start3A_64 = tpu.memref_slice %arg12[%dma_start3A_62, %dma_start3A_63] : memref<2x16xi32, #tpu.memory_space<vmem>> -> memref<1x16xi32, #tpu.memory_space<vmem>>
    %dma_start3A_65 = tpu.memref_squeeze %dma_start3A_64 : memref<1x16xi32, #tpu.memory_space<vmem>> -> memref<16xi32, #tpu.memory_space<vmem>>
    %dma_start3A_66 = arith.constant 0 : i32
    %dma_start3A_67 = arith.constant 0 : i32
    %dma_start3A_68 = tpu.memref_slice %arg2[%dma_start3A_66, %dma_start3A_67] : memref<262144x128xf32, #tpu.memory_space<hbm>> -> memref<262144x128xf32, #tpu.memory_space<hbm>>
    tpu.enqueue_indirect_dma source(%dma_start3A_68 : memref<262144x128xf32, #tpu.memory_space<hbm>>) target(%arg14 : memref<16x128xf32, #tpu.memory_space<vmem>>) offsets(%dma_start3A_65 : memref<16xi32, #tpu.memory_space<vmem>>) semaphore(%arg26 : memref<!tpu.dma_semaphore, #tpu.memory_space<semaphore_mem>>)
    %dma_start3A_69 = arith.constant 1 : i32
    %dma_start3A_70 = arith.constant 0 : i32
    %dma_start3A_71 = tpu.memref_slice %arg12[%dma_start3A_69, %dma_start3A_70] : memref<2x16xi32, #tpu.memory_space<vmem>> -> memref<1x16xi32, #tpu.memory_space<vmem>>
    %dma_start3A_72 = tpu.memref_squeeze %dma_start3A_71 : memref<1x16xi32, #tpu.memory_space<vmem>> -> memref<16xi32, #tpu.memory_space<vmem>>
    %dma_start3A_73 = arith.constant 0 : i32
    %dma_start3A_74 = arith.constant 0 : i32
    %dma_start3A_75 = tpu.memref_slice %arg3[%dma_start3A_73, %dma_start3A_74] : memref<262144x128xf32, #tpu.memory_space<hbm>> -> memref<262144x128xf32, #tpu.memory_space<hbm>>
    tpu.enqueue_indirect_dma source(%dma_start3A_75 : memref<262144x128xf32, #tpu.memory_space<hbm>>) target(%arg16 : memref<16x128xf32, #tpu.memory_space<vmem>>) offsets(%dma_start3A_72 : memref<16xi32, #tpu.memory_space<vmem>>) semaphore(%arg26 : memref<!tpu.dma_semaphore, #tpu.memory_space<semaphore_mem>>)
    %mul3A_76 = arith.constant 16 : i32
    %mul3A_77 = arith.muli %mul3A_18, %mul3A_76 : i32
    "tpu.region"() ({
      %run_scoped3A_145 = tpu.sem_alloc : memref<!tpu.dma_semaphore, #tpu.memory_space<semaphore_mem>>
      %dma_start3A_146 = arith.constant 0 : i32
      %dma_start3A_147 = tpu.memref_slice %arg4[%mul3A_77, %dma_start3A_146] : memref<1024x128xf32, #tpu.memory_space<hbm>> -> memref<32x128xf32, #tpu.memory_space<hbm>>
      %dma_start3A_148 = arith.constant 0 : i32
      %dma_start3A_149 = tpu.memref_slice %arg4[%mul3A_77, %dma_start3A_148] : memref<1024x128xf32, #tpu.memory_space<hbm>> -> memref<32x128xf32, #tpu.memory_space<hbm>>
      tpu.enqueue_dma source(%dma_start3A_149 : memref<32x128xf32, #tpu.memory_space<hbm>>) target(%arg17 : memref<32x128xf32, #tpu.memory_space<vmem>>) target_semaphore(%run_scoped3A_145 : memref<!tpu.dma_semaphore, #tpu.memory_space<semaphore_mem>>)
      %dma_wait3A_150 = arith.constant 0 : i32
      %dma_wait3A_151 = tpu.memref_slice %arg4[%mul3A_77, %dma_wait3A_150] : memref<1024x128xf32, #tpu.memory_space<hbm>> -> memref<32x128xf32, #tpu.memory_space<hbm>>
      %dma_wait3A_152 = arith.constant 0 : i32
      %dma_wait3A_153 = tpu.memref_slice %arg4[%mul3A_77, %dma_wait3A_152] : memref<1024x128xf32, #tpu.memory_space<hbm>> -> memref<32x128xf32, #tpu.memory_space<hbm>>
      tpu.wait_dma2 semaphore(%run_scoped3A_145 : memref<!tpu.dma_semaphore, #tpu.memory_space<semaphore_mem>>) src(%dma_wait3A_153 : memref<32x128xf32, #tpu.memory_space<hbm>>) dst(%arg17 : memref<32x128xf32, #tpu.memory_space<vmem>>)
      tpu.yield
    }) : () -> ()
    %mul3A_78 = arith.constant 16 : i32
    %mul3A_79 = arith.muli %select_n3A, %mul3A_78 : i32
    "tpu.region"() ({
      %run_scoped3A_145 = tpu.sem_alloc : memref<!tpu.dma_semaphore, #tpu.memory_space<semaphore_mem>>
      %dma_start3A_146 = arith.constant 0 : i32
      %dma_start3A_147 = tpu.memref_slice %arg5[%mul3A_79, %dma_start3A_146] : memref<128x128xf32, #tpu.memory_space<hbm>> -> memref<16x128xf32, #tpu.memory_space<hbm>>
      %dma_start3A_148 = arith.constant 0 : i32
      %dma_start3A_149 = tpu.memref_slice %arg5[%mul3A_79, %dma_start3A_148] : memref<128x128xf32, #tpu.memory_space<hbm>> -> memref<16x128xf32, #tpu.memory_space<hbm>>
      tpu.enqueue_dma source(%dma_start3A_149 : memref<16x128xf32, #tpu.memory_space<hbm>>) target(%arg18 : memref<16x128xf32, #tpu.memory_space<vmem>>) target_semaphore(%run_scoped3A_145 : memref<!tpu.dma_semaphore, #tpu.memory_space<semaphore_mem>>)
      %dma_wait3A_150 = arith.constant 0 : i32
      %dma_wait3A_151 = tpu.memref_slice %arg5[%mul3A_79, %dma_wait3A_150] : memref<128x128xf32, #tpu.memory_space<hbm>> -> memref<16x128xf32, #tpu.memory_space<hbm>>
      %dma_wait3A_152 = arith.constant 0 : i32
      %dma_wait3A_153 = tpu.memref_slice %arg5[%mul3A_79, %dma_wait3A_152] : memref<128x128xf32, #tpu.memory_space<hbm>> -> memref<16x128xf32, #tpu.memory_space<hbm>>
      tpu.wait_dma2 semaphore(%run_scoped3A_145 : memref<!tpu.dma_semaphore, #tpu.memory_space<semaphore_mem>>) src(%dma_wait3A_153 : memref<16x128xf32, #tpu.memory_space<hbm>>) dst(%arg18 : memref<16x128xf32, #tpu.memory_space<vmem>>)
      tpu.yield
    }) : () -> ()
    %mul3A_80 = arith.constant 16 : i32
    %mul3A_81 = arith.muli %select_n3A, %mul3A_80 : i32
    "tpu.region"() ({
      %run_scoped3A_145 = tpu.sem_alloc : memref<!tpu.dma_semaphore, #tpu.memory_space<semaphore_mem>>
      %dma_start3A_146 = arith.constant 0 : i32
      %dma_start3A_147 = tpu.memref_slice %arg6[%mul3A_81, %dma_start3A_146] : memref<128x128xf32, #tpu.memory_space<hbm>> -> memref<16x128xf32, #tpu.memory_space<hbm>>
      %dma_start3A_148 = arith.constant 0 : i32
      %dma_start3A_149 = tpu.memref_slice %arg6[%mul3A_81, %dma_start3A_148] : memref<128x128xf32, #tpu.memory_space<hbm>> -> memref<16x128xf32, #tpu.memory_space<hbm>>
      tpu.enqueue_dma source(%dma_start3A_149 : memref<16x128xf32, #tpu.memory_space<hbm>>) target(%arg19 : memref<16x128xf32, #tpu.memory_space<vmem>>) target_semaphore(%run_scoped3A_145 : memref<!tpu.dma_semaphore, #tpu.memory_space<semaphore_mem>>)
      %dma_wait3A_150 = arith.constant 0 : i32
      %dma_wait3A_151 = tpu.memref_slice %arg6[%mul3A_81, %dma_wait3A_150] : memref<128x128xf32, #tpu.memory_space<hbm>> -> memref<16x128xf32, #tpu.memory_space<hbm>>
      %dma_wait3A_152 = arith.constant 0 : i32
      %dma_wait3A_153 = tpu.memref_slice %arg6[%mul3A_81, %dma_wait3A_152] : memref<128x128xf32, #tpu.memory_space<hbm>> -> memref<16x128xf32, #tpu.memory_space<hbm>>
      tpu.wait_dma2 semaphore(%run_scoped3A_145 : memref<!tpu.dma_semaphore, #tpu.memory_space<semaphore_mem>>) src(%dma_wait3A_153 : memref<16x128xf32, #tpu.memory_space<hbm>>) dst(%arg19 : memref<16x128xf32, #tpu.memory_space<vmem>>)
      tpu.yield
    }) : () -> ()
    %dma_wait3A = arith.constant 0 : i32
    %dma_wait3A_82 = arith.constant 0 : i32
    %dma_wait3A_83 = tpu.memref_slice %arg12[%dma_wait3A, %dma_wait3A_82] : memref<2x16xi32, #tpu.memory_space<vmem>> -> memref<1x16xi32, #tpu.memory_space<vmem>>
    %dma_wait3A_84 = tpu.memref_squeeze %dma_wait3A_83 : memref<1x16xi32, #tpu.memory_space<vmem>> -> memref<16xi32, #tpu.memory_space<vmem>>
    %dma_wait3A_85 = arith.constant 0 : i32
    %dma_wait3A_86 = arith.constant 0 : i32
    %dma_wait3A_87 = tpu.memref_slice %arg2[%dma_wait3A_85, %dma_wait3A_86] : memref<262144x128xf32, #tpu.memory_space<hbm>> -> memref<262144x128xf32, #tpu.memory_space<hbm>>
    tpu.wait_indirect_dma semaphore(%arg26 : memref<!tpu.dma_semaphore, #tpu.memory_space<semaphore_mem>>) src(%dma_wait3A_87 : memref<262144x128xf32, #tpu.memory_space<hbm>>) dst(%arg13 : memref<16x128xf32, #tpu.memory_space<vmem>>)
    %dma_wait3A_88 = arith.constant 0 : i32
    %dma_wait3A_89 = arith.constant 0 : i32
    %dma_wait3A_90 = tpu.memref_slice %arg12[%dma_wait3A_88, %dma_wait3A_89] : memref<2x16xi32, #tpu.memory_space<vmem>> -> memref<1x16xi32, #tpu.memory_space<vmem>>
    %dma_wait3A_91 = tpu.memref_squeeze %dma_wait3A_90 : memref<1x16xi32, #tpu.memory_space<vmem>> -> memref<16xi32, #tpu.memory_space<vmem>>
    %dma_wait3A_92 = arith.constant 0 : i32
    %dma_wait3A_93 = arith.constant 0 : i32
    %dma_wait3A_94 = tpu.memref_slice %arg3[%dma_wait3A_92, %dma_wait3A_93] : memref<262144x128xf32, #tpu.memory_space<hbm>> -> memref<262144x128xf32, #tpu.memory_space<hbm>>
    tpu.wait_indirect_dma semaphore(%arg26 : memref<!tpu.dma_semaphore, #tpu.memory_space<semaphore_mem>>) src(%dma_wait3A_94 : memref<262144x128xf32, #tpu.memory_space<hbm>>) dst(%arg15 : memref<16x128xf32, #tpu.memory_space<vmem>>)
    %dma_wait3A_95 = arith.constant 1 : i32
    %dma_wait3A_96 = arith.constant 0 : i32
    %dma_wait3A_97 = tpu.memref_slice %arg12[%dma_wait3A_95, %dma_wait3A_96] : memref<2x16xi32, #tpu.memory_space<vmem>> -> memref<1x16xi32, #tpu.memory_space<vmem>>
    %dma_wait3A_98 = tpu.memref_squeeze %dma_wait3A_97 : memref<1x16xi32, #tpu.memory_space<vmem>> -> memref<16xi32, #tpu.memory_space<vmem>>
    %dma_wait3A_99 = arith.constant 0 : i32
    %dma_wait3A_100 = arith.constant 0 : i32
    %dma_wait3A_101 = tpu.memref_slice %arg2[%dma_wait3A_99, %dma_wait3A_100] : memref<262144x128xf32, #tpu.memory_space<hbm>> -> memref<262144x128xf32, #tpu.memory_space<hbm>>
    tpu.wait_indirect_dma semaphore(%arg26 : memref<!tpu.dma_semaphore, #tpu.memory_space<semaphore_mem>>) src(%dma_wait3A_101 : memref<262144x128xf32, #tpu.memory_space<hbm>>) dst(%arg14 : memref<16x128xf32, #tpu.memory_space<vmem>>)
    %dma_wait3A_102 = arith.constant 1 : i32
    %dma_wait3A_103 = arith.constant 0 : i32
    %dma_wait3A_104 = tpu.memref_slice %arg12[%dma_wait3A_102, %dma_wait3A_103] : memref<2x16xi32, #tpu.memory_space<vmem>> -> memref<1x16xi32, #tpu.memory_space<vmem>>
    %dma_wait3A_105 = tpu.memref_squeeze %dma_wait3A_104 : memref<1x16xi32, #tpu.memory_space<vmem>> -> memref<16xi32, #tpu.memory_space<vmem>>
    %dma_wait3A_106 = arith.constant 0 : i32
    %dma_wait3A_107 = arith.constant 0 : i32
    %dma_wait3A_108 = tpu.memref_slice %arg3[%dma_wait3A_106, %dma_wait3A_107] : memref<262144x128xf32, #tpu.memory_space<hbm>> -> memref<262144x128xf32, #tpu.memory_space<hbm>>
    tpu.wait_indirect_dma semaphore(%arg26 : memref<!tpu.dma_semaphore, #tpu.memory_space<semaphore_mem>>) src(%dma_wait3A_108 : memref<262144x128xf32, #tpu.memory_space<hbm>>) dst(%arg16 : memref<16x128xf32, #tpu.memory_space<vmem>>)
    %mul3A_109 = arith.constant 16 : i32
    %mul3A_110 = arith.muli %mul3A_18, %mul3A_109 : i32
    "tpu.region"() ({
      %run_scoped3A_145 = tpu.sem_alloc : memref<!tpu.dma_semaphore, #tpu.memory_space<semaphore_mem>>
      %dma_start3A_146 = arith.constant 0 : i32
      %dma_start3A_147 = tpu.memref_slice %arg9[%mul3A_110, %dma_start3A_146] : memref<1024x128xf32, #tpu.memory_space<hbm>> -> memref<16x128xf32, #tpu.memory_space<hbm>>
      %dma_start3A_148 = arith.constant 0 : i32
      %dma_start3A_149 = tpu.memref_slice %arg9[%mul3A_110, %dma_start3A_148] : memref<1024x128xf32, #tpu.memory_space<hbm>> -> memref<16x128xf32, #tpu.memory_space<hbm>>
      tpu.enqueue_dma source(%arg15 : memref<16x128xf32, #tpu.memory_space<vmem>>) target(%dma_start3A_149 : memref<16x128xf32, #tpu.memory_space<hbm>>) target_semaphore(%run_scoped3A_145 : memref<!tpu.dma_semaphore, #tpu.memory_space<semaphore_mem>>)
      %dma_wait3A_150 = arith.constant 0 : i32
      %dma_wait3A_151 = tpu.memref_slice %arg9[%mul3A_110, %dma_wait3A_150] : memref<1024x128xf32, #tpu.memory_space<hbm>> -> memref<16x128xf32, #tpu.memory_space<hbm>>
      %dma_wait3A_152 = arith.constant 0 : i32
      %dma_wait3A_153 = tpu.memref_slice %arg9[%mul3A_110, %dma_wait3A_152] : memref<1024x128xf32, #tpu.memory_space<hbm>> -> memref<16x128xf32, #tpu.memory_space<hbm>>
      tpu.wait_dma2 semaphore(%run_scoped3A_145 : memref<!tpu.dma_semaphore, #tpu.memory_space<semaphore_mem>>) src(%arg15 : memref<16x128xf32, #tpu.memory_space<vmem>>) dst(%dma_wait3A_153 : memref<16x128xf32, #tpu.memory_space<hbm>>)
      tpu.yield
    }) : () -> ()
    %add3A_111 = arith.constant 1 : i32
    %add3A_112 = arith.addi %mul3A_18, %add3A_111 : i32
    %mul3A_113 = arith.constant 16 : i32
    %mul3A_114 = arith.muli %add3A_112, %mul3A_113 : i32
    "tpu.region"() ({
      %run_scoped3A_145 = tpu.sem_alloc : memref<!tpu.dma_semaphore, #tpu.memory_space<semaphore_mem>>
      %dma_start3A_146 = arith.constant 0 : i32
      %dma_start3A_147 = tpu.memref_slice %arg9[%mul3A_114, %dma_start3A_146] : memref<1024x128xf32, #tpu.memory_space<hbm>> -> memref<16x128xf32, #tpu.memory_space<hbm>>
      %dma_start3A_148 = arith.constant 0 : i32
      %dma_start3A_149 = tpu.memref_slice %arg9[%mul3A_114, %dma_start3A_148] : memref<1024x128xf32, #tpu.memory_space<hbm>> -> memref<16x128xf32, #tpu.memory_space<hbm>>
      tpu.enqueue_dma source(%arg16 : memref<16x128xf32, #tpu.memory_space<vmem>>) target(%dma_start3A_149 : memref<16x128xf32, #tpu.memory_space<hbm>>) target_semaphore(%run_scoped3A_145 : memref<!tpu.dma_semaphore, #tpu.memory_space<semaphore_mem>>)
      %dma_wait3A_150 = arith.constant 0 : i32
      %dma_wait3A_151 = tpu.memref_slice %arg9[%mul3A_114, %dma_wait3A_150] : memref<1024x128xf32, #tpu.memory_space<hbm>> -> memref<16x128xf32, #tpu.memory_space<hbm>>
      %dma_wait3A_152 = arith.constant 0 : i32
      %dma_wait3A_153 = tpu.memref_slice %arg9[%mul3A_114, %dma_wait3A_152] : memref<1024x128xf32, #tpu.memory_space<hbm>> -> memref<16x128xf32, #tpu.memory_space<hbm>>
      tpu.wait_dma2 semaphore(%run_scoped3A_145 : memref<!tpu.dma_semaphore, #tpu.memory_space<semaphore_mem>>) src(%arg16 : memref<16x128xf32, #tpu.memory_space<vmem>>) dst(%dma_wait3A_153 : memref<16x128xf32, #tpu.memory_space<hbm>>)
      tpu.yield
    }) : () -> ()
    %scan3A = arith.constant 0 : i32
    %scan3A_115 = arith.constant 0 : i32
    %scan3A_116 = arith.constant 16 : i32
    %scan3A_117 = arith.addi %scan3A_115, %scan3A_116 : i32
    %scan3A_118 = arith.constant 1 : i32
    scf.for %scan3A_145 = %scan3A_115 to %scan3A_117 step %scan3A_118  : i32 {
      %get3A_146 = arith.index_cast %scan3A_145 : i32 to index
      %get3A_147 = arith.constant 0 : index
      %get3A_148 = tpu.vector_load %arg13[%get3A_146, %get3A_147] {strides = array<i32>} : memref<16x128xf32, #tpu.memory_space<vmem>>, vector<1x16xf32>,
      %get3A_149 = vector.shape_cast %get3A_148 : vector<1x16xf32> to vector<16xf32>
      %get3A_150 = arith.index_cast %scan3A_145 : i32 to index
      %get3A_151 = arith.constant 64 : index
      %get3A_152 = tpu.vector_load %arg13[%get3A_150, %get3A_151] {strides = array<i32>} : memref<16x128xf32, #tpu.memory_space<vmem>>, vector<1x16xf32>,
      %get3A_153 = vector.shape_cast %get3A_152 : vector<1x16xf32> to vector<16xf32>
      %get3A_154 = arith.index_cast %scan3A_145 : i32 to index
      %get3A_155 = arith.constant 0 : index
      %get3A_156 = tpu.vector_load %arg18[%get3A_154, %get3A_155] {strides = array<i32>} : memref<16x128xf32, #tpu.memory_space<vmem>>, vector<1x16xf32>,
      %get3A_157 = vector.shape_cast %get3A_156 : vector<1x16xf32> to vector<16xf32>
      %mul3A_158 = arith.mulf %get3A_149, %get3A_157 : vector<16xf32>
      %get3A_159 = arith.index_cast %scan3A_145 : i32 to index
      %get3A_160 = arith.constant 64 : index
      %get3A_161 = tpu.vector_load %arg19[%get3A_159, %get3A_160] {strides = array<i32>} : memref<16x128xf32, #tpu.memory_space<vmem>>, vector<1x16xf32>,
      %get3A_162 = vector.shape_cast %get3A_161 : vector<1x16xf32> to vector<16xf32>
      %mul3A_163 = arith.mulf %get3A_153, %get3A_162 : vector<16xf32>
      %add3A_164 = arith.addf %mul3A_158, %mul3A_163 : vector<16xf32>
      %add3A_165 = arith.constant 0 : i32
      %add3A_166 = arith.addi %add3A_165, %scan3A_145 : i32
      %swap3A_167 = arith.index_cast %add3A_166 : i32 to index
      %swap3A_168 = arith.constant 0 : index
      %swap3A_169 = tpu.vector_load %arg20[%swap3A_167, %swap3A_168] {strides = array<i32>} : memref<32x128xf32, #tpu.memory_space<vmem>>, vector<1x16xf32>,
      %swap3A_170 = vector.shape_cast %swap3A_169 : vector<1x16xf32> to vector<16xf32>
      %swap3A_171 = vector.shape_cast %add3A_164 : vector<16xf32> to vector<1x16xf32>
      tpu.vector_store %arg20[%swap3A_167, %swap3A_168], %swap3A_171 {strides = array<i32>} : memref<32x128xf32, #tpu.memory_space<vmem>>, vector<1x16xf32>,
      %get3A_172 = arith.index_cast %scan3A_145 : i32 to index
      %get3A_173 = arith.constant 64 : index
      %get3A_174 = tpu.vector_load %arg18[%get3A_172, %get3A_173] {strides = array<i32>} : memref<16x128xf32, #tpu.memory_space<vmem>>, vector<1x16xf32>,
      %get3A_175 = vector.shape_cast %get3A_174 : vector<1x16xf32> to vector<16xf32>
      %mul3A_176 = arith.mulf %get3A_153, %get3A_175 : vector<16xf32>
      %get3A_177 = arith.index_cast %scan3A_145 : i32 to index
      %get3A_178 = arith.constant 0 : index
      %get3A_179 = tpu.vector_load %arg19[%get3A_177, %get3A_178] {strides = array<i32>} : memref<16x128xf32, #tpu.memory_space<vmem>>, vector<1x16xf32>,
      %get3A_180 = vector.shape_cast %get3A_179 : vector<1x16xf32> to vector<16xf32>
      %mul3A_181 = arith.mulf %get3A_149, %get3A_180 : vector<16xf32>
      %sub3A_182 = arith.subf %mul3A_176, %mul3A_181 : vector<16xf32>
      %add3A_183 = arith.constant 0 : i32
      %add3A_184 = arith.addi %add3A_183, %scan3A_145 : i32
      %swap3A_185 = arith.index_cast %add3A_184 : i32 to index
      %swap3A_186 = arith.constant 64 : index
      %swap3A_187 = tpu.vector_load %arg20[%swap3A_185, %swap3A_186] {strides = array<i32>} : memref<32x128xf32, #tpu.memory_space<vmem>>, vector<1x16xf32>,
      %swap3A_188 = vector.shape_cast %swap3A_187 : vector<1x16xf32> to vector<16xf32>
      %swap3A_189 = vector.shape_cast %sub3A_182 : vector<16xf32> to vector<1x16xf32>
      tpu.vector_store %arg20[%swap3A_185, %swap3A_186], %swap3A_189 {strides = array<i32>} : memref<32x128xf32, #tpu.memory_space<vmem>>, vector<1x16xf32>,
      %add3A_190 = arith.constant 0 : i32
      %add3A_191 = arith.addi %add3A_190, %scan3A_145 : i32
      %get3A_192 = arith.index_cast %add3A_191 : i32 to index
      %get3A_193 = arith.constant 0 : index
      %get3A_194 = tpu.vector_load %arg17[%get3A_192, %get3A_193] {strides = array<i32>} : memref<32x128xf32, #tpu.memory_space<vmem>>, vector<1x16xf32>,
      %get3A_195 = vector.shape_cast %get3A_194 : vector<1x16xf32> to vector<16xf32>
      %add3A_196 = arith.constant 0 : i32
      %add3A_197 = arith.addi %add3A_196, %scan3A_145 : i32
      %get3A_198 = arith.index_cast %add3A_197 : i32 to index
      %get3A_199 = arith.constant 64 : index
      %get3A_200 = tpu.vector_load %arg17[%get3A_198, %get3A_199] {strides = array<i32>} : memref<32x128xf32, #tpu.memory_space<vmem>>, vector<1x16xf32>,
      %get3A_201 = vector.shape_cast %get3A_200 : vector<1x16xf32> to vector<16xf32>
      %mul3A_202 = arith.mulf %get3A_149, %get3A_195 : vector<16xf32>
      %mul3A_203 = arith.mulf %get3A_153, %get3A_201 : vector<16xf32>
      %mul3A_204 = arith.mulf %get3A_149, %get3A_201 : vector<16xf32>
      %neg3A = arith.constant 0.000000e+00 : f32
      %neg3A_205 = vector.broadcast %neg3A : f32 to vector<16xf32>
      %neg3A_206 = arith.subf %neg3A_205, %mul3A_204 : vector<16xf32>
      %mul3A_207 = arith.mulf %get3A_153, %get3A_195 : vector<16xf32>
      %swap3A_208 = arith.index_cast %scan3A_145 : i32 to index
      %swap3A_209 = arith.constant 0 : index
      %swap3A_210 = tpu.vector_load %arg21[%swap3A_208, %swap3A_209] {strides = array<i32>} : memref<16x128xf32, #tpu.memory_space<vmem>>, vector<1x16xf32>,
      %swap3A_211 = vector.shape_cast %swap3A_210 : vector<1x16xf32> to vector<16xf32>
      %swap3A_212 = vector.shape_cast %mul3A_202 : vector<16xf32> to vector<1x16xf32>
      tpu.vector_store %arg21[%swap3A_208, %swap3A_209], %swap3A_212 {strides = array<i32>} : memref<16x128xf32, #tpu.memory_space<vmem>>, vector<1x16xf32>,
      %swap3A_213 = arith.index_cast %scan3A_145 : i32 to index
      %swap3A_214 = arith.constant 64 : index
      %swap3A_215 = tpu.vector_load %arg21[%swap3A_213, %swap3A_214] {strides = array<i32>} : memref<16x128xf32, #tpu.memory_space<vmem>>, vector<1x16xf32>,
      %swap3A_216 = vector.shape_cast %swap3A_215 : vector<1x16xf32> to vector<16xf32>
      %swap3A_217 = vector.shape_cast %mul3A_203 : vector<16xf32> to vector<1x16xf32>
      tpu.vector_store %arg21[%swap3A_213, %swap3A_214], %swap3A_217 {strides = array<i32>} : memref<16x128xf32, #tpu.memory_space<vmem>>, vector<1x16xf32>,
      %swap3A_218 = arith.index_cast %scan3A_145 : i32 to index
      %swap3A_219 = arith.constant 0 : index
      %swap3A_220 = tpu.vector_load %arg22[%swap3A_218, %swap3A_219] {strides = array<i32>} : memref<16x128xf32, #tpu.memory_space<vmem>>, vector<1x16xf32>,
      %swap3A_221 = vector.shape_cast %swap3A_220 : vector<1x16xf32> to vector<16xf32>
      %swap3A_222 = vector.shape_cast %neg3A_206 : vector<16xf32> to vector<1x16xf32>
      tpu.vector_store %arg22[%swap3A_218, %swap3A_219], %swap3A_222 {strides = array<i32>} : memref<16x128xf32, #tpu.memory_space<vmem>>, vector<1x16xf32>,
      %swap3A_223 = arith.index_cast %scan3A_145 : i32 to index
      %swap3A_224 = arith.constant 64 : index
      %swap3A_225 = tpu.vector_load %arg22[%swap3A_223, %swap3A_224] {strides = array<i32>} : memref<16x128xf32, #tpu.memory_space<vmem>>, vector<1x16xf32>,
      %swap3A_226 = vector.shape_cast %swap3A_225 : vector<1x16xf32> to vector<16xf32>
      %swap3A_227 = vector.shape_cast %mul3A_207 : vector<16xf32> to vector<1x16xf32>
      tpu.vector_store %arg22[%swap3A_223, %swap3A_224], %swap3A_227 {strides = array<i32>} : memref<16x128xf32, #tpu.memory_space<vmem>>, vector<1x16xf32>,
      %get3A_228 = arith.index_cast %scan3A_145 : i32 to index
      %get3A_229 = arith.constant 16 : index
      %get3A_230 = tpu.vector_load %arg13[%get3A_228, %get3A_229] {strides = array<i32>} : memref<16x128xf32, #tpu.memory_space<vmem>>, vector<1x16xf32>,
      %get3A_231 = vector.shape_cast %get3A_230 : vector<1x16xf32> to vector<16xf32>
      %get3A_232 = arith.index_cast %scan3A_145 : i32 to index
      %get3A_233 = arith.constant 80 : index
      %get3A_234 = tpu.vector_load %arg13[%get3A_232, %get3A_233] {strides = array<i32>} : memref<16x128xf32, #tpu.memory_space<vmem>>, vector<1x16xf32>,
      %get3A_235 = vector.shape_cast %get3A_234 : vector<1x16xf32> to vector<16xf32>
      %get3A_236 = arith.index_cast %scan3A_145 : i32 to index
      %get3A_237 = arith.constant 16 : index
      %get3A_238 = tpu.vector_load %arg18[%get3A_236, %get3A_237] {strides = array<i32>} : memref<16x128xf32, #tpu.memory_space<vmem>>, vector<1x16xf32>,
      %get3A_239 = vector.shape_cast %get3A_238 : vector<1x16xf32> to vector<16xf32>
      %mul3A_240 = arith.mulf %get3A_231, %get3A_239 : vector<16xf32>
      %get3A_241 = arith.index_cast %scan3A_145 : i32 to index
      %get3A_242 = arith.constant 80 : index
      %get3A_243 = tpu.vector_load %arg19[%get3A_241, %get3A_242] {strides = array<i32>} : memref<16x128xf32, #tpu.memory_space<vmem>>, vector<1x16xf32>,
      %get3A_244 = vector.shape_cast %get3A_243 : vector<1x16xf32> to vector<16xf32>
      %mul3A_245 = arith.mulf %get3A_235, %get3A_244 : vector<16xf32>
      %add3A_246 = arith.addf %mul3A_240, %mul3A_245 : vector<16xf32>
      %add3A_247 = arith.constant 0 : i32
      %add3A_248 = arith.addi %add3A_247, %scan3A_145 : i32
      %swap3A_249 = arith.index_cast %add3A_248 : i32 to index
      %swap3A_250 = arith.constant 16 : index
      %swap3A_251 = tpu.vector_load %arg20[%swap3A_249, %swap3A_250] {strides = array<i32>} : memref<32x128xf32, #tpu.memory_space<vmem>>, vector<1x16xf32>,
      %swap3A_252 = vector.shape_cast %swap3A_251 : vector<1x16xf32> to vector<16xf32>
      %swap3A_253 = vector.shape_cast %add3A_246 : vector<16xf32> to vector<1x16xf32>
      tpu.vector_store %arg20[%swap3A_249, %swap3A_250], %swap3A_253 {strides = array<i32>} : memref<32x128xf32, #tpu.memory_space<vmem>>, vector<1x16xf32>,
      %get3A_254 = arith.index_cast %scan3A_145 : i32 to index
      %get3A_255 = arith.constant 80 : index
      %get3A_256 = tpu.vector_load %arg18[%get3A_254, %get3A_255] {strides = array<i32>} : memref<16x128xf32, #tpu.memory_space<vmem>>, vector<1x16xf32>,
      %get3A_257 = vector.shape_cast %get3A_256 : vector<1x16xf32> to vector<16xf32>
      %mul3A_258 = arith.mulf %get3A_235, %get3A_257 : vector<16xf32>
      %get3A_259 = arith.index_cast %scan3A_145 : i32 to index
      %get3A_260 = arith.constant 16 : index
      %get3A_261 = tpu.vector_load %arg19[%get3A_259, %get3A_260] {strides = array<i32>} : memref<16x128xf32, #tpu.memory_space<vmem>>, vector<1x16xf32>,
      %get3A_262 = vector.shape_cast %get3A_261 : vector<1x16xf32> to vector<16xf32>
      %mul3A_263 = arith.mulf %get3A_231, %get3A_262 : vector<16xf32>
      %sub3A_264 = arith.subf %mul3A_258, %mul3A_263 : vector<16xf32>
      %add3A_265 = arith.constant 0 : i32
      %add3A_266 = arith.addi %add3A_265, %scan3A_145 : i32
      %swap3A_267 = arith.index_cast %add3A_266 : i32 to index
      %swap3A_268 = arith.constant 80 : index
      %swap3A_269 = tpu.vector_load %arg20[%swap3A_267, %swap3A_268] {strides = array<i32>} : memref<32x128xf32, #tpu.memory_space<vmem>>, vector<1x16xf32>,
      %swap3A_270 = vector.shape_cast %swap3A_269 : vector<1x16xf32> to vector<16xf32>
      %swap3A_271 = vector.shape_cast %sub3A_264 : vector<16xf32> to vector<1x16xf32>
      tpu.vector_store %arg20[%swap3A_267, %swap3A_268], %swap3A_271 {strides = array<i32>} : memref<32x128xf32, #tpu.memory_space<vmem>>, vector<1x16xf32>,
      %add3A_272 = arith.constant 0 : i32
      %add3A_273 = arith.addi %add3A_272, %scan3A_145 : i32
      %get3A_274 = arith.index_cast %add3A_273 : i32 to index
      %get3A_275 = arith.constant 16 : index
      %get3A_276 = tpu.vector_load %arg17[%get3A_274, %get3A_275] {strides = array<i32>} : memref<32x128xf32, #tpu.memory_space<vmem>>, vector<1x16xf32>,
      %get3A_277 = vector.shape_cast %get3A_276 : vector<1x16xf32> to vector<16xf32>
      %add3A_278 = arith.constant 0 : i32
      %add3A_279 = arith.addi %add3A_278, %scan3A_145 : i32
      %get3A_280 = arith.index_cast %add3A_279 : i32 to index
      %get3A_281 = arith.constant 80 : index
      %get3A_282 = tpu.vector_load %arg17[%get3A_280, %get3A_281] {strides = array<i32>} : memref<32x128xf32, #tpu.memory_space<vmem>>, vector<1x16xf32>,
      %get3A_283 = vector.shape_cast %get3A_282 : vector<1x16xf32> to vector<16xf32>
      %mul3A_284 = arith.mulf %get3A_231, %get3A_277 : vector<16xf32>
      %mul3A_285 = arith.mulf %get3A_235, %get3A_283 : vector<16xf32>
      %mul3A_286 = arith.mulf %get3A_231, %get3A_283 : vector<16xf32>
      %neg3A_287 = arith.constant 0.000000e+00 : f32
      %neg3A_288 = vector.broadcast %neg3A_287 : f32 to vector<16xf32>
      %neg3A_289 = arith.subf %neg3A_288, %mul3A_286 : vector<16xf32>
      %mul3A_290 = arith.mulf %get3A_235, %get3A_277 : vector<16xf32>
      %swap3A_291 = arith.index_cast %scan3A_145 : i32 to index
      %swap3A_292 = arith.constant 16 : index
      %swap3A_293 = tpu.vector_load %arg21[%swap3A_291, %swap3A_292] {strides = array<i32>} : memref<16x128xf32, #tpu.memory_space<vmem>>, vector<1x16xf32>,
      %swap3A_294 = vector.shape_cast %swap3A_293 : vector<1x16xf32> to vector<16xf32>
      %swap3A_295 = vector.shape_cast %mul3A_284 : vector<16xf32> to vector<1x16xf32>
      tpu.vector_store %arg21[%swap3A_291, %swap3A_292], %swap3A_295 {strides = array<i32>} : memref<16x128xf32, #tpu.memory_space<vmem>>, vector<1x16xf32>,
      %swap3A_296 = arith.index_cast %scan3A_145 : i32 to index
      %swap3A_297 = arith.constant 80 : index
      %swap3A_298 = tpu.vector_load %arg21[%swap3A_296, %swap3A_297] {strides = array<i32>} : memref<16x128xf32, #tpu.memory_space<vmem>>, vector<1x16xf32>,
      %swap3A_299 = vector.shape_cast %swap3A_298 : vector<1x16xf32> to vector<16xf32>
      %swap3A_300 = vector.shape_cast %mul3A_285 : vector<16xf32> to vector<1x16xf32>
      tpu.vector_store %arg21[%swap3A_296, %swap3A_297], %swap3A_300 {strides = array<i32>} : memref<16x128xf32, #tpu.memory_space<vmem>>, vector<1x16xf32>,
      %swap3A_301 = arith.index_cast %scan3A_145 : i32 to index
      %swap3A_302 = arith.constant 16 : index
      %swap3A_303 = tpu.vector_load %arg22[%swap3A_301, %swap3A_302] {strides = array<i32>} : memref<16x128xf32, #tpu.memory_space<vmem>>, vector<1x16xf32>,
      %swap3A_304 = vector.shape_cast %swap3A_303 : vector<1x16xf32> to vector<16xf32>
      %swap3A_305 = vector.shape_cast %neg3A_289 : vector<16xf32> to vector<1x16xf32>
      tpu.vector_store %arg22[%swap3A_301, %swap3A_302], %swap3A_305 {strides = array<i32>} : memref<16x128xf32, #tpu.memory_space<vmem>>, vector<1x16xf32>,
      %swap3A_306 = arith.index_cast %scan3A_145 : i32 to index
      %swap3A_307 = arith.constant 80 : index
      %swap3A_308 = tpu.vector_load %arg22[%swap3A_306, %swap3A_307] {strides = array<i32>} : memref<16x128xf32, #tpu.memory_space<vmem>>, vector<1x16xf32>,
      %swap3A_309 = vector.shape_cast %swap3A_308 : vector<1x16xf32> to vector<16xf32>
      %swap3A_310 = vector.shape_cast %mul3A_290 : vector<16xf32> to vector<1x16xf32>
      tpu.vector_store %arg22[%swap3A_306, %swap3A_307], %swap3A_310 {strides = array<i32>} : memref<16x128xf32, #tpu.memory_space<vmem>>, vector<1x16xf32>,
      %get3A_311 = arith.index_cast %scan3A_145 : i32 to index
      %get3A_312 = arith.constant 32 : index
      %get3A_313 = tpu.vector_load %arg13[%get3A_311, %get3A_312] {strides = array<i32>} : memref<16x128xf32, #tpu.memory_space<vmem>>, vector<1x16xf32>,
      %get3A_314 = vector.shape_cast %get3A_313 : vector<1x16xf32> to vector<16xf32>
      %get3A_315 = arith.index_cast %scan3A_145 : i32 to index
      %get3A_316 = arith.constant 96 : index
      %get3A_317 = tpu.vector_load %arg13[%get3A_315, %get3A_316] {strides = array<i32>} : memref<16x128xf32, #tpu.memory_space<vmem>>, vector<1x16xf32>,
      %get3A_318 = vector.shape_cast %get3A_317 : vector<1x16xf32> to vector<16xf32>
      %get3A_319 = arith.index_cast %scan3A_145 : i32 to index
      %get3A_320 = arith.constant 32 : index
      %get3A_321 = tpu.vector_load %arg18[%get3A_319, %get3A_320] {strides = array<i32>} : memref<16x128xf32, #tpu.memory_space<vmem>>, vector<1x16xf32>,
      %get3A_322 = vector.shape_cast %get3A_321 : vector<1x16xf32> to vector<16xf32>
      %mul3A_323 = arith.mulf %get3A_314, %get3A_322 : vector<16xf32>
      %get3A_324 = arith.index_cast %scan3A_145 : i32 to index
      %get3A_325 = arith.constant 96 : index
      %get3A_326 = tpu.vector_load %arg19[%get3A_324, %get3A_325] {strides = array<i32>} : memref<16x128xf32, #tpu.memory_space<vmem>>, vector<1x16xf32>,
      %get3A_327 = vector.shape_cast %get3A_326 : vector<1x16xf32> to vector<16xf32>
      %mul3A_328 = arith.mulf %get3A_318, %get3A_327 : vector<16xf32>
      %add3A_329 = arith.addf %mul3A_323, %mul3A_328 : vector<16xf32>
      %add3A_330 = arith.constant 0 : i32
      %add3A_331 = arith.addi %add3A_330, %scan3A_145 : i32
      %swap3A_332 = arith.index_cast %add3A_331 : i32 to index
      %swap3A_333 = arith.constant 32 : index
      %swap3A_334 = tpu.vector_load %arg20[%swap3A_332, %swap3A_333] {strides = array<i32>} : memref<32x128xf32, #tpu.memory_space<vmem>>, vector<1x16xf32>,
      %swap3A_335 = vector.shape_cast %swap3A_334 : vector<1x16xf32> to vector<16xf32>
      %swap3A_336 = vector.shape_cast %add3A_329 : vector<16xf32> to vector<1x16xf32>
      tpu.vector_store %arg20[%swap3A_332, %swap3A_333], %swap3A_336 {strides = array<i32>} : memref<32x128xf32, #tpu.memory_space<vmem>>, vector<1x16xf32>,
      %get3A_337 = arith.index_cast %scan3A_145 : i32 to index
      %get3A_338 = arith.constant 96 : index
      %get3A_339 = tpu.vector_load %arg18[%get3A_337, %get3A_338] {strides = array<i32>} : memref<16x128xf32, #tpu.memory_space<vmem>>, vector<1x16xf32>,
      %get3A_340 = vector.shape_cast %get3A_339 : vector<1x16xf32> to vector<16xf32>
      %mul3A_341 = arith.mulf %get3A_318, %get3A_340 : vector<16xf32>
      %get3A_342 = arith.index_cast %scan3A_145 : i32 to index
      %get3A_343 = arith.constant 32 : index
      %get3A_344 = tpu.vector_load %arg19[%get3A_342, %get3A_343] {strides = array<i32>} : memref<16x128xf32, #tpu.memory_space<vmem>>, vector<1x16xf32>,
      %get3A_345 = vector.shape_cast %get3A_344 : vector<1x16xf32> to vector<16xf32>
      %mul3A_346 = arith.mulf %get3A_314, %get3A_345 : vector<16xf32>
      %sub3A_347 = arith.subf %mul3A_341, %mul3A_346 : vector<16xf32>
      %add3A_348 = arith.constant 0 : i32
      %add3A_349 = arith.addi %add3A_348, %scan3A_145 : i32
      %swap3A_350 = arith.index_cast %add3A_349 : i32 to index
      %swap3A_351 = arith.constant 96 : index
      %swap3A_352 = tpu.vector_load %arg20[%swap3A_350, %swap3A_351] {strides = array<i32>} : memref<32x128xf32, #tpu.memory_space<vmem>>, vector<1x16xf32>,
      %swap3A_353 = vector.shape_cast %swap3A_352 : vector<1x16xf32> to vector<16xf32>
      %swap3A_354 = vector.shape_cast %sub3A_347 : vector<16xf32> to vector<1x16xf32>
      tpu.vector_store %arg20[%swap3A_350, %swap3A_351], %swap3A_354 {strides = array<i32>} : memref<32x128xf32, #tpu.memory_space<vmem>>, vector<1x16xf32>,
      %add3A_355 = arith.constant 0 : i32
      %add3A_356 = arith.addi %add3A_355, %scan3A_145 : i32
      %get3A_357 = arith.index_cast %add3A_356 : i32 to index
      %get3A_358 = arith.constant 32 : index
      %get3A_359 = tpu.vector_load %arg17[%get3A_357, %get3A_358] {strides = array<i32>} : memref<32x128xf32, #tpu.memory_space<vmem>>, vector<1x16xf32>,
      %get3A_360 = vector.shape_cast %get3A_359 : vector<1x16xf32> to vector<16xf32>
      %add3A_361 = arith.constant 0 : i32
      %add3A_362 = arith.addi %add3A_361, %scan3A_145 : i32
      %get3A_363 = arith.index_cast %add3A_362 : i32 to index
      %get3A_364 = arith.constant 96 : index
      %get3A_365 = tpu.vector_load %arg17[%get3A_363, %get3A_364] {strides = array<i32>} : memref<32x128xf32, #tpu.memory_space<vmem>>, vector<1x16xf32>,
      %get3A_366 = vector.shape_cast %get3A_365 : vector<1x16xf32> to vector<16xf32>
      %mul3A_367 = arith.mulf %get3A_314, %get3A_360 : vector<16xf32>
      %mul3A_368 = arith.mulf %get3A_318, %get3A_366 : vector<16xf32>
      %mul3A_369 = arith.mulf %get3A_314, %get3A_366 : vector<16xf32>
      %neg3A_370 = arith.constant 0.000000e+00 : f32
      %neg3A_371 = vector.broadcast %neg3A_370 : f32 to vector<16xf32>
      %neg3A_372 = arith.subf %neg3A_371, %mul3A_369 : vector<16xf32>
      %mul3A_373 = arith.mulf %get3A_318, %get3A_360 : vector<16xf32>
      %swap3A_374 = arith.index_cast %scan3A_145 : i32 to index
      %swap3A_375 = arith.constant 32 : index
      %swap3A_376 = tpu.vector_load %arg21[%swap3A_374, %swap3A_375] {strides = array<i32>} : memref<16x128xf32, #tpu.memory_space<vmem>>, vector<1x16xf32>,
      %swap3A_377 = vector.shape_cast %swap3A_376 : vector<1x16xf32> to vector<16xf32>
      %swap3A_378 = vector.shape_cast %mul3A_367 : vector<16xf32> to vector<1x16xf32>
      tpu.vector_store %arg21[%swap3A_374, %swap3A_375], %swap3A_378 {strides = array<i32>} : memref<16x128xf32, #tpu.memory_space<vmem>>, vector<1x16xf32>,
      %swap3A_379 = arith.index_cast %scan3A_145 : i32 to index
      %swap3A_380 = arith.constant 96 : index
      %swap3A_381 = tpu.vector_load %arg21[%swap3A_379, %swap3A_380] {strides = array<i32>} : memref<16x128xf32, #tpu.memory_space<vmem>>, vector<1x16xf32>,
      %swap3A_382 = vector.shape_cast %swap3A_381 : vector<1x16xf32> to vector<16xf32>
      %swap3A_383 = vector.shape_cast %mul3A_368 : vector<16xf32> to vector<1x16xf32>
      tpu.vector_store %arg21[%swap3A_379, %swap3A_380], %swap3A_383 {strides = array<i32>} : memref<16x128xf32, #tpu.memory_space<vmem>>, vector<1x16xf32>,
      %swap3A_384 = arith.index_cast %scan3A_145 : i32 to index
      %swap3A_385 = arith.constant 32 : index
      %swap3A_386 = tpu.vector_load %arg22[%swap3A_384, %swap3A_385] {strides = array<i32>} : memref<16x128xf32, #tpu.memory_space<vmem>>, vector<1x16xf32>,
      %swap3A_387 = vector.shape_cast %swap3A_386 : vector<1x16xf32> to vector<16xf32>
      %swap3A_388 = vector.shape_cast %neg3A_372 : vector<16xf32> to vector<1x16xf32>
      tpu.vector_store %arg22[%swap3A_384, %swap3A_385], %swap3A_388 {strides = array<i32>} : memref<16x128xf32, #tpu.memory_space<vmem>>, vector<1x16xf32>,
      %swap3A_389 = arith.index_cast %scan3A_145 : i32 to index
      %swap3A_390 = arith.constant 96 : index
      %swap3A_391 = tpu.vector_load %arg22[%swap3A_389, %swap3A_390] {strides = array<i32>} : memref<16x128xf32, #tpu.memory_space<vmem>>, vector<1x16xf32>,
      %swap3A_392 = vector.shape_cast %swap3A_391 : vector<1x16xf32> to vector<16xf32>
      %swap3A_393 = vector.shape_cast %mul3A_373 : vector<16xf32> to vector<1x16xf32>
      tpu.vector_store %arg22[%swap3A_389, %swap3A_390], %swap3A_393 {strides = array<i32>} : memref<16x128xf32, #tpu.memory_space<vmem>>, vector<1x16xf32>,
      %get3A_394 = arith.index_cast %scan3A_145 : i32 to index
      %get3A_395 = arith.constant 48 : index
      %get3A_396 = tpu.vector_load %arg13[%get3A_394, %get3A_395] {strides = array<i32>} : memref<16x128xf32, #tpu.memory_space<vmem>>, vector<1x16xf32>,
      %get3A_397 = vector.shape_cast %get3A_396 : vector<1x16xf32> to vector<16xf32>
      %get3A_398 = arith.index_cast %scan3A_145 : i32 to index
      %get3A_399 = arith.constant 112 : index
      %get3A_400 = tpu.vector_load %arg13[%get3A_398, %get3A_399] {strides = array<i32>} : memref<16x128xf32, #tpu.memory_space<vmem>>, vector<1x16xf32>,
      %get3A_401 = vector.shape_cast %get3A_400 : vector<1x16xf32> to vector<16xf32>
      %get3A_402 = arith.index_cast %scan3A_145 : i32 to index
      %get3A_403 = arith.constant 48 : index
      %get3A_404 = tpu.vector_load %arg18[%get3A_402, %get3A_403] {strides = array<i32>} : memref<16x128xf32, #tpu.memory_space<vmem>>, vector<1x16xf32>,
      %get3A_405 = vector.shape_cast %get3A_404 : vector<1x16xf32> to vector<16xf32>
      %mul3A_406 = arith.mulf %get3A_397, %get3A_405 : vector<16xf32>
      %get3A_407 = arith.index_cast %scan3A_145 : i32 to index
      %get3A_408 = arith.constant 112 : index
      %get3A_409 = tpu.vector_load %arg19[%get3A_407, %get3A_408] {strides = array<i32>} : memref<16x128xf32, #tpu.memory_space<vmem>>, vector<1x16xf32>,
      %get3A_410 = vector.shape_cast %get3A_409 : vector<1x16xf32> to vector<16xf32>
      %mul3A_411 = arith.mulf %get3A_401, %get3A_410 : vector<16xf32>
      %add3A_412 = arith.addf %mul3A_406, %mul3A_411 : vector<16xf32>
      %add3A_413 = arith.constant 0 : i32
      %add3A_414 = arith.addi %add3A_413, %scan3A_145 : i32
      %swap3A_415 = arith.index_cast %add3A_414 : i32 to index
      %swap3A_416 = arith.constant 48 : index
      %swap3A_417 = tpu.vector_load %arg20[%swap3A_415, %swap3A_416] {strides = array<i32>} : memref<32x128xf32, #tpu.memory_space<vmem>>, vector<1x16xf32>,
      %swap3A_418 = vector.shape_cast %swap3A_417 : vector<1x16xf32> to vector<16xf32>
      %swap3A_419 = vector.shape_cast %add3A_412 : vector<16xf32> to vector<1x16xf32>
      tpu.vector_store %arg20[%swap3A_415, %swap3A_416], %swap3A_419 {strides = array<i32>} : memref<32x128xf32, #tpu.memory_space<vmem>>, vector<1x16xf32>,
      %get3A_420 = arith.index_cast %scan3A_145 : i32 to index
      %get3A_421 = arith.constant 112 : index
      %get3A_422 = tpu.vector_load %arg18[%get3A_420, %get3A_421] {strides = array<i32>} : memref<16x128xf32, #tpu.memory_space<vmem>>, vector<1x16xf32>,
      %get3A_423 = vector.shape_cast %get3A_422 : vector<1x16xf32> to vector<16xf32>
      %mul3A_424 = arith.mulf %get3A_401, %get3A_423 : vector<16xf32>
      %get3A_425 = arith.index_cast %scan3A_145 : i32 to index
      %get3A_426 = arith.constant 48 : index
      %get3A_427 = tpu.vector_load %arg19[%get3A_425, %get3A_426] {strides = array<i32>} : memref<16x128xf32, #tpu.memory_space<vmem>>, vector<1x16xf32>,
      %get3A_428 = vector.shape_cast %get3A_427 : vector<1x16xf32> to vector<16xf32>
      %mul3A_429 = arith.mulf %get3A_397, %get3A_428 : vector<16xf32>
      %sub3A_430 = arith.subf %mul3A_424, %mul3A_429 : vector<16xf32>
      %add3A_431 = arith.constant 0 : i32
      %add3A_432 = arith.addi %add3A_431, %scan3A_145 : i32
      %swap3A_433 = arith.index_cast %add3A_432 : i32 to index
      %swap3A_434 = arith.constant 112 : index
      %swap3A_435 = tpu.vector_load %arg20[%swap3A_433, %swap3A_434] {strides = array<i32>} : memref<32x128xf32, #tpu.memory_space<vmem>>, vector<1x16xf32>,
      %swap3A_436 = vector.shape_cast %swap3A_435 : vector<1x16xf32> to vector<16xf32>
      %swap3A_437 = vector.shape_cast %sub3A_430 : vector<16xf32> to vector<1x16xf32>
      tpu.vector_store %arg20[%swap3A_433, %swap3A_434], %swap3A_437 {strides = array<i32>} : memref<32x128xf32, #tpu.memory_space<vmem>>, vector<1x16xf32>,
      %add3A_438 = arith.constant 0 : i32
      %add3A_439 = arith.addi %add3A_438, %scan3A_145 : i32
      %get3A_440 = arith.index_cast %add3A_439 : i32 to index
      %get3A_441 = arith.constant 48 : index
      %get3A_442 = tpu.vector_load %arg17[%get3A_440, %get3A_441] {strides = array<i32>} : memref<32x128xf32, #tpu.memory_space<vmem>>, vector<1x16xf32>,
      %get3A_443 = vector.shape_cast %get3A_442 : vector<1x16xf32> to vector<16xf32>
      %add3A_444 = arith.constant 0 : i32
      %add3A_445 = arith.addi %add3A_444, %scan3A_145 : i32
      %get3A_446 = arith.index_cast %add3A_445 : i32 to index
      %get3A_447 = arith.constant 112 : index
      %get3A_448 = tpu.vector_load %arg17[%get3A_446, %get3A_447] {strides = array<i32>} : memref<32x128xf32, #tpu.memory_space<vmem>>, vector<1x16xf32>,
      %get3A_449 = vector.shape_cast %get3A_448 : vector<1x16xf32> to vector<16xf32>
      %mul3A_450 = arith.mulf %get3A_397, %get3A_443 : vector<16xf32>
      %mul3A_451 = arith.mulf %get3A_401, %get3A_449 : vector<16xf32>
      %mul3A_452 = arith.mulf %get3A_397, %get3A_449 : vector<16xf32>
      %neg3A_453 = arith.constant 0.000000e+00 : f32
      %neg3A_454 = vector.broadcast %neg3A_453 : f32 to vector<16xf32>
      %neg3A_455 = arith.subf %neg3A_454, %mul3A_452 : vector<16xf32>
      %mul3A_456 = arith.mulf %get3A_401, %get3A_443 : vector<16xf32>
      %swap3A_457 = arith.index_cast %scan3A_145 : i32 to index
      %swap3A_458 = arith.constant 48 : index
      %swap3A_459 = tpu.vector_load %arg21[%swap3A_457, %swap3A_458] {strides = array<i32>} : memref<16x128xf32, #tpu.memory_space<vmem>>, vector<1x16xf32>,
      %swap3A_460 = vector.shape_cast %swap3A_459 : vector<1x16xf32> to vector<16xf32>
      %swap3A_461 = vector.shape_cast %mul3A_450 : vector<16xf32> to vector<1x16xf32>
      tpu.vector_store %arg21[%swap3A_457, %swap3A_458], %swap3A_461 {strides = array<i32>} : memref<16x128xf32, #tpu.memory_space<vmem>>, vector<1x16xf32>,
      %swap3A_462 = arith.index_cast %scan3A_145 : i32 to index
      %swap3A_463 = arith.constant 112 : index
      %swap3A_464 = tpu.vector_load %arg21[%swap3A_462, %swap3A_463] {strides = array<i32>} : memref<16x128xf32, #tpu.memory_space<vmem>>, vector<1x16xf32>,
      %swap3A_465 = vector.shape_cast %swap3A_464 : vector<1x16xf32> to vector<16xf32>
      %swap3A_466 = vector.shape_cast %mul3A_451 : vector<16xf32> to vector<1x16xf32>
      tpu.vector_store %arg21[%swap3A_462, %swap3A_463], %swap3A_466 {strides = array<i32>} : memref<16x128xf32, #tpu.memory_space<vmem>>, vector<1x16xf32>,
      %swap3A_467 = arith.index_cast %scan3A_145 : i32 to index
      %swap3A_468 = arith.constant 48 : index
      %swap3A_469 = tpu.vector_load %arg22[%swap3A_467, %swap3A_468] {strides = array<i32>} : memref<16x128xf32, #tpu.memory_space<vmem>>, vector<1x16xf32>,
      %swap3A_470 = vector.shape_cast %swap3A_469 : vector<1x16xf32> to vector<16xf32>
      %swap3A_471 = vector.shape_cast %neg3A_455 : vector<16xf32> to vector<1x16xf32>
      tpu.vector_store %arg22[%swap3A_467, %swap3A_468], %swap3A_471 {strides = array<i32>} : memref<16x128xf32, #tpu.memory_space<vmem>>, vector<1x16xf32>,
      %swap3A_472 = arith.index_cast %scan3A_145 : i32 to index
      %swap3A_473 = arith.constant 112 : index
      %swap3A_474 = tpu.vector_load %arg22[%swap3A_472, %swap3A_473] {strides = array<i32>} : memref<16x128xf32, #tpu.memory_space<vmem>>, vector<1x16xf32>,
      %swap3A_475 = vector.shape_cast %swap3A_474 : vector<1x16xf32> to vector<16xf32>
      %swap3A_476 = vector.shape_cast %mul3A_456 : vector<16xf32> to vector<1x16xf32>
      tpu.vector_store %arg22[%swap3A_472, %swap3A_473], %swap3A_476 {strides = array<i32>} : memref<16x128xf32, #tpu.memory_space<vmem>>, vector<1x16xf32>,
    }
    %scan3A_119 = arith.constant 16 : i32
    %scan3A_120 = arith.constant 0 : i32
    %scan3A_121 = arith.constant 0 : i32
    %scan3A_122 = arith.constant 16 : i32
    %scan3A_123 = arith.addi %scan3A_121, %scan3A_122 : i32
    %scan3A_124 = arith.constant 1 : i32
    scf.for %scan3A_145 = %scan3A_121 to %scan3A_123 step %scan3A_124  : i32 {
      %get3A_146 = arith.index_cast %scan3A_145 : i32 to index
      %get3A_147 = arith.constant 0 : index
      %get3A_148 = tpu.vector_load %arg14[%get3A_146, %get3A_147] {strides = array<i32>} : memref<16x128xf32, #tpu.memory_space<vmem>>, vector<1x16xf32>,
      %get3A_149 = vector.shape_cast %get3A_148 : vector<1x16xf32> to vector<16xf32>
      %get3A_150 = arith.index_cast %scan3A_145 : i32 to index
      %get3A_151 = arith.constant 64 : index
      %get3A_152 = tpu.vector_load %arg14[%get3A_150, %get3A_151] {strides = array<i32>} : memref<16x128xf32, #tpu.memory_space<vmem>>, vector<1x16xf32>,
      %get3A_153 = vector.shape_cast %get3A_152 : vector<1x16xf32> to vector<16xf32>
      %get3A_154 = arith.index_cast %scan3A_145 : i32 to index
      %get3A_155 = arith.constant 0 : index
      %get3A_156 = tpu.vector_load %arg18[%get3A_154, %get3A_155] {strides = array<i32>} : memref<16x128xf32, #tpu.memory_space<vmem>>, vector<1x16xf32>,
      %get3A_157 = vector.shape_cast %get3A_156 : vector<1x16xf32> to vector<16xf32>
      %mul3A_158 = arith.mulf %get3A_149, %get3A_157 : vector<16xf32>
      %get3A_159 = arith.index_cast %scan3A_145 : i32 to index
      %get3A_160 = arith.constant 64 : index
      %get3A_161 = tpu.vector_load %arg19[%get3A_159, %get3A_160] {strides = array<i32>} : memref<16x128xf32, #tpu.memory_space<vmem>>, vector<1x16xf32>,
      %get3A_162 = vector.shape_cast %get3A_161 : vector<1x16xf32> to vector<16xf32>
      %mul3A_163 = arith.mulf %get3A_153, %get3A_162 : vector<16xf32>
      %add3A_164 = arith.addf %mul3A_158, %mul3A_163 : vector<16xf32>
      %add3A_165 = arith.constant 16 : i32
      %add3A_166 = arith.addi %add3A_165, %scan3A_145 : i32
      %swap3A_167 = arith.index_cast %add3A_166 : i32 to index
      %swap3A_168 = arith.constant 0 : index
      %swap3A_169 = tpu.vector_load %arg20[%swap3A_167, %swap3A_168] {strides = array<i32>} : memref<32x128xf32, #tpu.memory_space<vmem>>, vector<1x16xf32>,
      %swap3A_170 = vector.shape_cast %swap3A_169 : vector<1x16xf32> to vector<16xf32>
      %swap3A_171 = vector.shape_cast %add3A_164 : vector<16xf32> to vector<1x16xf32>
      tpu.vector_store %arg20[%swap3A_167, %swap3A_168], %swap3A_171 {strides = array<i32>} : memref<32x128xf32, #tpu.memory_space<vmem>>, vector<1x16xf32>,
      %get3A_172 = arith.index_cast %scan3A_145 : i32 to index
      %get3A_173 = arith.constant 64 : index
      %get3A_174 = tpu.vector_load %arg18[%get3A_172, %get3A_173] {strides = array<i32>} : memref<16x128xf32, #tpu.memory_space<vmem>>, vector<1x16xf32>,
      %get3A_175 = vector.shape_cast %get3A_174 : vector<1x16xf32> to vector<16xf32>
      %mul3A_176 = arith.mulf %get3A_153, %get3A_175 : vector<16xf32>
      %get3A_177 = arith.index_cast %scan3A_145 : i32 to index
      %get3A_178 = arith.constant 0 : index
      %get3A_179 = tpu.vector_load %arg19[%get3A_177, %get3A_178] {strides = array<i32>} : memref<16x128xf32, #tpu.memory_space<vmem>>, vector<1x16xf32>,
      %get3A_180 = vector.shape_cast %get3A_179 : vector<1x16xf32> to vector<16xf32>
      %mul3A_181 = arith.mulf %get3A_149, %get3A_180 : vector<16xf32>
      %sub3A_182 = arith.subf %mul3A_176, %mul3A_181 : vector<16xf32>
      %add3A_183 = arith.constant 16 : i32
      %add3A_184 = arith.addi %add3A_183, %scan3A_145 : i32
      %swap3A_185 = arith.index_cast %add3A_184 : i32 to index
      %swap3A_186 = arith.constant 64 : index
      %swap3A_187 = tpu.vector_load %arg20[%swap3A_185, %swap3A_186] {strides = array<i32>} : memref<32x128xf32, #tpu.memory_space<vmem>>, vector<1x16xf32>,
      %swap3A_188 = vector.shape_cast %swap3A_187 : vector<1x16xf32> to vector<16xf32>
      %swap3A_189 = vector.shape_cast %sub3A_182 : vector<16xf32> to vector<1x16xf32>
      tpu.vector_store %arg20[%swap3A_185, %swap3A_186], %swap3A_189 {strides = array<i32>} : memref<32x128xf32, #tpu.memory_space<vmem>>, vector<1x16xf32>,
      %add3A_190 = arith.constant 16 : i32
      %add3A_191 = arith.addi %add3A_190, %scan3A_145 : i32
      %get3A_192 = arith.index_cast %add3A_191 : i32 to index
      %get3A_193 = arith.constant 0 : index
      %get3A_194 = tpu.vector_load %arg17[%get3A_192, %get3A_193] {strides = array<i32>} : memref<32x128xf32, #tpu.memory_space<vmem>>, vector<1x16xf32>,
      %get3A_195 = vector.shape_cast %get3A_194 : vector<1x16xf32> to vector<16xf32>
      %add3A_196 = arith.constant 16 : i32
      %add3A_197 = arith.addi %add3A_196, %scan3A_145 : i32
      %get3A_198 = arith.index_cast %add3A_197 : i32 to index
      %get3A_199 = arith.constant 64 : index
      %get3A_200 = tpu.vector_load %arg17[%get3A_198, %get3A_199] {strides = array<i32>} : memref<32x128xf32, #tpu.memory_space<vmem>>, vector<1x16xf32>,
      %get3A_201 = vector.shape_cast %get3A_200 : vector<1x16xf32> to vector<16xf32>
      %mul3A_202 = arith.mulf %get3A_149, %get3A_195 : vector<16xf32>
      %mul3A_203 = arith.mulf %get3A_153, %get3A_201 : vector<16xf32>
      %mul3A_204 = arith.mulf %get3A_149, %get3A_201 : vector<16xf32>
      %neg3A = arith.constant 0.000000e+00 : f32
      %neg3A_205 = vector.broadcast %neg3A : f32 to vector<16xf32>
      %neg3A_206 = arith.subf %neg3A_205, %mul3A_204 : vector<16xf32>
      %mul3A_207 = arith.mulf %get3A_153, %get3A_195 : vector<16xf32>
      %swap3A_208 = arith.index_cast %scan3A_145 : i32 to index
      %swap3A_209 = arith.constant 0 : index
      %swap3A_210 = tpu.vector_load %arg21[%swap3A_208, %swap3A_209] {strides = array<i32>} : memref<16x128xf32, #tpu.memory_space<vmem>>, vector<1x16xf32>,
      %swap3A_211 = vector.shape_cast %swap3A_210 : vector<1x16xf32> to vector<16xf32>
      %swap3A_212 = vector.shape_cast %mul3A_202 : vector<16xf32> to vector<1x16xf32>
      tpu.vector_store %arg21[%swap3A_208, %swap3A_209], %swap3A_212 {add = true, strides = array<i32>} : memref<16x128xf32, #tpu.memory_space<vmem>>, vector<1x16xf32>,
      %swap3A_213 = arith.index_cast %scan3A_145 : i32 to index
      %swap3A_214 = arith.constant 64 : index
      %swap3A_215 = tpu.vector_load %arg21[%swap3A_213, %swap3A_214] {strides = array<i32>} : memref<16x128xf32, #tpu.memory_space<vmem>>, vector<1x16xf32>,
      %swap3A_216 = vector.shape_cast %swap3A_215 : vector<1x16xf32> to vector<16xf32>
      %swap3A_217 = vector.shape_cast %mul3A_203 : vector<16xf32> to vector<1x16xf32>
      tpu.vector_store %arg21[%swap3A_213, %swap3A_214], %swap3A_217 {add = true, strides = array<i32>} : memref<16x128xf32, #tpu.memory_space<vmem>>, vector<1x16xf32>,
      %swap3A_218 = arith.index_cast %scan3A_145 : i32 to index
      %swap3A_219 = arith.constant 0 : index
      %swap3A_220 = tpu.vector_load %arg22[%swap3A_218, %swap3A_219] {strides = array<i32>} : memref<16x128xf32, #tpu.memory_space<vmem>>, vector<1x16xf32>,
      %swap3A_221 = vector.shape_cast %swap3A_220 : vector<1x16xf32> to vector<16xf32>
      %swap3A_222 = vector.shape_cast %neg3A_206 : vector<16xf32> to vector<1x16xf32>
      tpu.vector_store %arg22[%swap3A_218, %swap3A_219], %swap3A_222 {add = true, strides = array<i32>} : memref<16x128xf32, #tpu.memory_space<vmem>>, vector<1x16xf32>,
      %swap3A_223 = arith.index_cast %scan3A_145 : i32 to index
      %swap3A_224 = arith.constant 64 : index
      %swap3A_225 = tpu.vector_load %arg22[%swap3A_223, %swap3A_224] {strides = array<i32>} : memref<16x128xf32, #tpu.memory_space<vmem>>, vector<1x16xf32>,
      %swap3A_226 = vector.shape_cast %swap3A_225 : vector<1x16xf32> to vector<16xf32>
      %swap3A_227 = vector.shape_cast %mul3A_207 : vector<16xf32> to vector<1x16xf32>
      tpu.vector_store %arg22[%swap3A_223, %swap3A_224], %swap3A_227 {add = true, strides = array<i32>} : memref<16x128xf32, #tpu.memory_space<vmem>>, vector<1x16xf32>,
      %get3A_228 = arith.index_cast %scan3A_145 : i32 to index
      %get3A_229 = arith.constant 16 : index
      %get3A_230 = tpu.vector_load %arg14[%get3A_228, %get3A_229] {strides = array<i32>} : memref<16x128xf32, #tpu.memory_space<vmem>>, vector<1x16xf32>,
      %get3A_231 = vector.shape_cast %get3A_230 : vector<1x16xf32> to vector<16xf32>
      %get3A_232 = arith.index_cast %scan3A_145 : i32 to index
      %get3A_233 = arith.constant 80 : index
      %get3A_234 = tpu.vector_load %arg14[%get3A_232, %get3A_233] {strides = array<i32>} : memref<16x128xf32, #tpu.memory_space<vmem>>, vector<1x16xf32>,
      %get3A_235 = vector.shape_cast %get3A_234 : vector<1x16xf32> to vector<16xf32>
      %get3A_236 = arith.index_cast %scan3A_145 : i32 to index
      %get3A_237 = arith.constant 16 : index
      %get3A_238 = tpu.vector_load %arg18[%get3A_236, %get3A_237] {strides = array<i32>} : memref<16x128xf32, #tpu.memory_space<vmem>>, vector<1x16xf32>,
      %get3A_239 = vector.shape_cast %get3A_238 : vector<1x16xf32> to vector<16xf32>
      %mul3A_240 = arith.mulf %get3A_231, %get3A_239 : vector<16xf32>
      %get3A_241 = arith.index_cast %scan3A_145 : i32 to index
      %get3A_242 = arith.constant 80 : index
      %get3A_243 = tpu.vector_load %arg19[%get3A_241, %get3A_242] {strides = array<i32>} : memref<16x128xf32, #tpu.memory_space<vmem>>, vector<1x16xf32>,
      %get3A_244 = vector.shape_cast %get3A_243 : vector<1x16xf32> to vector<16xf32>
      %mul3A_245 = arith.mulf %get3A_235, %get3A_244 : vector<16xf32>
      %add3A_246 = arith.addf %mul3A_240, %mul3A_245 : vector<16xf32>
      %add3A_247 = arith.constant 16 : i32
      %add3A_248 = arith.addi %add3A_247, %scan3A_145 : i32
      %swap3A_249 = arith.index_cast %add3A_248 : i32 to index
      %swap3A_250 = arith.constant 16 : index
      %swap3A_251 = tpu.vector_load %arg20[%swap3A_249, %swap3A_250] {strides = array<i32>} : memref<32x128xf32, #tpu.memory_space<vmem>>, vector<1x16xf32>,
      %swap3A_252 = vector.shape_cast %swap3A_251 : vector<1x16xf32> to vector<16xf32>
      %swap3A_253 = vector.shape_cast %add3A_246 : vector<16xf32> to vector<1x16xf32>
      tpu.vector_store %arg20[%swap3A_249, %swap3A_250], %swap3A_253 {strides = array<i32>} : memref<32x128xf32, #tpu.memory_space<vmem>>, vector<1x16xf32>,
      %get3A_254 = arith.index_cast %scan3A_145 : i32 to index
      %get3A_255 = arith.constant 80 : index
      %get3A_256 = tpu.vector_load %arg18[%get3A_254, %get3A_255] {strides = array<i32>} : memref<16x128xf32, #tpu.memory_space<vmem>>, vector<1x16xf32>,
      %get3A_257 = vector.shape_cast %get3A_256 : vector<1x16xf32> to vector<16xf32>
      %mul3A_258 = arith.mulf %get3A_235, %get3A_257 : vector<16xf32>
      %get3A_259 = arith.index_cast %scan3A_145 : i32 to index
      %get3A_260 = arith.constant 16 : index
      %get3A_261 = tpu.vector_load %arg19[%get3A_259, %get3A_260] {strides = array<i32>} : memref<16x128xf32, #tpu.memory_space<vmem>>, vector<1x16xf32>,
      %get3A_262 = vector.shape_cast %get3A_261 : vector<1x16xf32> to vector<16xf32>
      %mul3A_263 = arith.mulf %get3A_231, %get3A_262 : vector<16xf32>
      %sub3A_264 = arith.subf %mul3A_258, %mul3A_263 : vector<16xf32>
      %add3A_265 = arith.constant 16 : i32
      %add3A_266 = arith.addi %add3A_265, %scan3A_145 : i32
      %swap3A_267 = arith.index_cast %add3A_266 : i32 to index
      %swap3A_268 = arith.constant 80 : index
      %swap3A_269 = tpu.vector_load %arg20[%swap3A_267, %swap3A_268] {strides = array<i32>} : memref<32x128xf32, #tpu.memory_space<vmem>>, vector<1x16xf32>,
      %swap3A_270 = vector.shape_cast %swap3A_269 : vector<1x16xf32> to vector<16xf32>
      %swap3A_271 = vector.shape_cast %sub3A_264 : vector<16xf32> to vector<1x16xf32>
      tpu.vector_store %arg20[%swap3A_267, %swap3A_268], %swap3A_271 {strides = array<i32>} : memref<32x128xf32, #tpu.memory_space<vmem>>, vector<1x16xf32>,
      %add3A_272 = arith.constant 16 : i32
      %add3A_273 = arith.addi %add3A_272, %scan3A_145 : i32
      %get3A_274 = arith.index_cast %add3A_273 : i32 to index
      %get3A_275 = arith.constant 16 : index
      %get3A_276 = tpu.vector_load %arg17[%get3A_274, %get3A_275] {strides = array<i32>} : memref<32x128xf32, #tpu.memory_space<vmem>>, vector<1x16xf32>,
      %get3A_277 = vector.shape_cast %get3A_276 : vector<1x16xf32> to vector<16xf32>
      %add3A_278 = arith.constant 16 : i32
      %add3A_279 = arith.addi %add3A_278, %scan3A_145 : i32
      %get3A_280 = arith.index_cast %add3A_279 : i32 to index
      %get3A_281 = arith.constant 80 : index
      %get3A_282 = tpu.vector_load %arg17[%get3A_280, %get3A_281] {strides = array<i32>} : memref<32x128xf32, #tpu.memory_space<vmem>>, vector<1x16xf32>,
      %get3A_283 = vector.shape_cast %get3A_282 : vector<1x16xf32> to vector<16xf32>
      %mul3A_284 = arith.mulf %get3A_231, %get3A_277 : vector<16xf32>
      %mul3A_285 = arith.mulf %get3A_235, %get3A_283 : vector<16xf32>
      %mul3A_286 = arith.mulf %get3A_231, %get3A_283 : vector<16xf32>
      %neg3A_287 = arith.constant 0.000000e+00 : f32
      %neg3A_288 = vector.broadcast %neg3A_287 : f32 to vector<16xf32>
      %neg3A_289 = arith.subf %neg3A_288, %mul3A_286 : vector<16xf32>
      %mul3A_290 = arith.mulf %get3A_235, %get3A_277 : vector<16xf32>
      %swap3A_291 = arith.index_cast %scan3A_145 : i32 to index
      %swap3A_292 = arith.constant 16 : index
      %swap3A_293 = tpu.vector_load %arg21[%swap3A_291, %swap3A_292] {strides = array<i32>} : memref<16x128xf32, #tpu.memory_space<vmem>>, vector<1x16xf32>,
      %swap3A_294 = vector.shape_cast %swap3A_293 : vector<1x16xf32> to vector<16xf32>
      %swap3A_295 = vector.shape_cast %mul3A_284 : vector<16xf32> to vector<1x16xf32>
      tpu.vector_store %arg21[%swap3A_291, %swap3A_292], %swap3A_295 {add = true, strides = array<i32>} : memref<16x128xf32, #tpu.memory_space<vmem>>, vector<1x16xf32>,
      %swap3A_296 = arith.index_cast %scan3A_145 : i32 to index
      %swap3A_297 = arith.constant 80 : index
      %swap3A_298 = tpu.vector_load %arg21[%swap3A_296, %swap3A_297] {strides = array<i32>} : memref<16x128xf32, #tpu.memory_space<vmem>>, vector<1x16xf32>,
      %swap3A_299 = vector.shape_cast %swap3A_298 : vector<1x16xf32> to vector<16xf32>
      %swap3A_300 = vector.shape_cast %mul3A_285 : vector<16xf32> to vector<1x16xf32>
      tpu.vector_store %arg21[%swap3A_296, %swap3A_297], %swap3A_300 {add = true, strides = array<i32>} : memref<16x128xf32, #tpu.memory_space<vmem>>, vector<1x16xf32>,
      %swap3A_301 = arith.index_cast %scan3A_145 : i32 to index
      %swap3A_302 = arith.constant 16 : index
      %swap3A_303 = tpu.vector_load %arg22[%swap3A_301, %swap3A_302] {strides = array<i32>} : memref<16x128xf32, #tpu.memory_space<vmem>>, vector<1x16xf32>,
      %swap3A_304 = vector.shape_cast %swap3A_303 : vector<1x16xf32> to vector<16xf32>
      %swap3A_305 = vector.shape_cast %neg3A_289 : vector<16xf32> to vector<1x16xf32>
      tpu.vector_store %arg22[%swap3A_301, %swap3A_302], %swap3A_305 {add = true, strides = array<i32>} : memref<16x128xf32, #tpu.memory_space<vmem>>, vector<1x16xf32>,
      %swap3A_306 = arith.index_cast %scan3A_145 : i32 to index
      %swap3A_307 = arith.constant 80 : index
      %swap3A_308 = tpu.vector_load %arg22[%swap3A_306, %swap3A_307] {strides = array<i32>} : memref<16x128xf32, #tpu.memory_space<vmem>>, vector<1x16xf32>,
      %swap3A_309 = vector.shape_cast %swap3A_308 : vector<1x16xf32> to vector<16xf32>
      %swap3A_310 = vector.shape_cast %mul3A_290 : vector<16xf32> to vector<1x16xf32>
      tpu.vector_store %arg22[%swap3A_306, %swap3A_307], %swap3A_310 {add = true, strides = array<i32>} : memref<16x128xf32, #tpu.memory_space<vmem>>, vector<1x16xf32>,
      %get3A_311 = arith.index_cast %scan3A_145 : i32 to index
      %get3A_312 = arith.constant 32 : index
      %get3A_313 = tpu.vector_load %arg14[%get3A_311, %get3A_312] {strides = array<i32>} : memref<16x128xf32, #tpu.memory_space<vmem>>, vector<1x16xf32>,
      %get3A_314 = vector.shape_cast %get3A_313 : vector<1x16xf32> to vector<16xf32>
      %get3A_315 = arith.index_cast %scan3A_145 : i32 to index
      %get3A_316 = arith.constant 96 : index
      %get3A_317 = tpu.vector_load %arg14[%get3A_315, %get3A_316] {strides = array<i32>} : memref<16x128xf32, #tpu.memory_space<vmem>>, vector<1x16xf32>,
      %get3A_318 = vector.shape_cast %get3A_317 : vector<1x16xf32> to vector<16xf32>
      %get3A_319 = arith.index_cast %scan3A_145 : i32 to index
      %get3A_320 = arith.constant 32 : index
      %get3A_321 = tpu.vector_load %arg18[%get3A_319, %get3A_320] {strides = array<i32>} : memref<16x128xf32, #tpu.memory_space<vmem>>, vector<1x16xf32>,
      %get3A_322 = vector.shape_cast %get3A_321 : vector<1x16xf32> to vector<16xf32>
      %mul3A_323 = arith.mulf %get3A_314, %get3A_322 : vector<16xf32>
      %get3A_324 = arith.index_cast %scan3A_145 : i32 to index
      %get3A_325 = arith.constant 96 : index
      %get3A_326 = tpu.vector_load %arg19[%get3A_324, %get3A_325] {strides = array<i32>} : memref<16x128xf32, #tpu.memory_space<vmem>>, vector<1x16xf32>,
      %get3A_327 = vector.shape_cast %get3A_326 : vector<1x16xf32> to vector<16xf32>
      %mul3A_328 = arith.mulf %get3A_318, %get3A_327 : vector<16xf32>
      %add3A_329 = arith.addf %mul3A_323, %mul3A_328 : vector<16xf32>
      %add3A_330 = arith.constant 16 : i32
      %add3A_331 = arith.addi %add3A_330, %scan3A_145 : i32
      %swap3A_332 = arith.index_cast %add3A_331 : i32 to index
      %swap3A_333 = arith.constant 32 : index
      %swap3A_334 = tpu.vector_load %arg20[%swap3A_332, %swap3A_333] {strides = array<i32>} : memref<32x128xf32, #tpu.memory_space<vmem>>, vector<1x16xf32>,
      %swap3A_335 = vector.shape_cast %swap3A_334 : vector<1x16xf32> to vector<16xf32>
      %swap3A_336 = vector.shape_cast %add3A_329 : vector<16xf32> to vector<1x16xf32>
      tpu.vector_store %arg20[%swap3A_332, %swap3A_333], %swap3A_336 {strides = array<i32>} : memref<32x128xf32, #tpu.memory_space<vmem>>, vector<1x16xf32>,
      %get3A_337 = arith.index_cast %scan3A_145 : i32 to index
      %get3A_338 = arith.constant 96 : index
      %get3A_339 = tpu.vector_load %arg18[%get3A_337, %get3A_338] {strides = array<i32>} : memref<16x128xf32, #tpu.memory_space<vmem>>, vector<1x16xf32>,
      %get3A_340 = vector.shape_cast %get3A_339 : vector<1x16xf32> to vector<16xf32>
      %mul3A_341 = arith.mulf %get3A_318, %get3A_340 : vector<16xf32>
      %get3A_342 = arith.index_cast %scan3A_145 : i32 to index
      %get3A_343 = arith.constant 32 : index
      %get3A_344 = tpu.vector_load %arg19[%get3A_342, %get3A_343] {strides = array<i32>} : memref<16x128xf32, #tpu.memory_space<vmem>>, vector<1x16xf32>,
      %get3A_345 = vector.shape_cast %get3A_344 : vector<1x16xf32> to vector<16xf32>
      %mul3A_346 = arith.mulf %get3A_314, %get3A_345 : vector<16xf32>
      %sub3A_347 = arith.subf %mul3A_341, %mul3A_346 : vector<16xf32>
      %add3A_348 = arith.constant 16 : i32
      %add3A_349 = arith.addi %add3A_348, %scan3A_145 : i32
      %swap3A_350 = arith.index_cast %add3A_349 : i32 to index
      %swap3A_351 = arith.constant 96 : index
      %swap3A_352 = tpu.vector_load %arg20[%swap3A_350, %swap3A_351] {strides = array<i32>} : memref<32x128xf32, #tpu.memory_space<vmem>>, vector<1x16xf32>,
      %swap3A_353 = vector.shape_cast %swap3A_352 : vector<1x16xf32> to vector<16xf32>
      %swap3A_354 = vector.shape_cast %sub3A_347 : vector<16xf32> to vector<1x16xf32>
      tpu.vector_store %arg20[%swap3A_350, %swap3A_351], %swap3A_354 {strides = array<i32>} : memref<32x128xf32, #tpu.memory_space<vmem>>, vector<1x16xf32>,
      %add3A_355 = arith.constant 16 : i32
      %add3A_356 = arith.addi %add3A_355, %scan3A_145 : i32
      %get3A_357 = arith.index_cast %add3A_356 : i32 to index
      %get3A_358 = arith.constant 32 : index
      %get3A_359 = tpu.vector_load %arg17[%get3A_357, %get3A_358] {strides = array<i32>} : memref<32x128xf32, #tpu.memory_space<vmem>>, vector<1x16xf32>,
      %get3A_360 = vector.shape_cast %get3A_359 : vector<1x16xf32> to vector<16xf32>
      %add3A_361 = arith.constant 16 : i32
      %add3A_362 = arith.addi %add3A_361, %scan3A_145 : i32
      %get3A_363 = arith.index_cast %add3A_362 : i32 to index
      %get3A_364 = arith.constant 96 : index
      %get3A_365 = tpu.vector_load %arg17[%get3A_363, %get3A_364] {strides = array<i32>} : memref<32x128xf32, #tpu.memory_space<vmem>>, vector<1x16xf32>,
      %get3A_366 = vector.shape_cast %get3A_365 : vector<1x16xf32> to vector<16xf32>
      %mul3A_367 = arith.mulf %get3A_314, %get3A_360 : vector<16xf32>
      %mul3A_368 = arith.mulf %get3A_318, %get3A_366 : vector<16xf32>
      %mul3A_369 = arith.mulf %get3A_314, %get3A_366 : vector<16xf32>
      %neg3A_370 = arith.constant 0.000000e+00 : f32
      %neg3A_371 = vector.broadcast %neg3A_370 : f32 to vector<16xf32>
      %neg3A_372 = arith.subf %neg3A_371, %mul3A_369 : vector<16xf32>
      %mul3A_373 = arith.mulf %get3A_318, %get3A_360 : vector<16xf32>
      %swap3A_374 = arith.index_cast %scan3A_145 : i32 to index
      %swap3A_375 = arith.constant 32 : index
      %swap3A_376 = tpu.vector_load %arg21[%swap3A_374, %swap3A_375] {strides = array<i32>} : memref<16x128xf32, #tpu.memory_space<vmem>>, vector<1x16xf32>,
      %swap3A_377 = vector.shape_cast %swap3A_376 : vector<1x16xf32> to vector<16xf32>
      %swap3A_378 = vector.shape_cast %mul3A_367 : vector<16xf32> to vector<1x16xf32>
      tpu.vector_store %arg21[%swap3A_374, %swap3A_375], %swap3A_378 {add = true, strides = array<i32>} : memref<16x128xf32, #tpu.memory_space<vmem>>, vector<1x16xf32>,
      %swap3A_379 = arith.index_cast %scan3A_145 : i32 to index
      %swap3A_380 = arith.constant 96 : index
      %swap3A_381 = tpu.vector_load %arg21[%swap3A_379, %swap3A_380] {strides = array<i32>} : memref<16x128xf32, #tpu.memory_space<vmem>>, vector<1x16xf32>,
      %swap3A_382 = vector.shape_cast %swap3A_381 : vector<1x16xf32> to vector<16xf32>
      %swap3A_383 = vector.shape_cast %mul3A_368 : vector<16xf32> to vector<1x16xf32>
      tpu.vector_store %arg21[%swap3A_379, %swap3A_380], %swap3A_383 {add = true, strides = array<i32>} : memref<16x128xf32, #tpu.memory_space<vmem>>, vector<1x16xf32>,
      %swap3A_384 = arith.index_cast %scan3A_145 : i32 to index
      %swap3A_385 = arith.constant 32 : index
      %swap3A_386 = tpu.vector_load %arg22[%swap3A_384, %swap3A_385] {strides = array<i32>} : memref<16x128xf32, #tpu.memory_space<vmem>>, vector<1x16xf32>,
      %swap3A_387 = vector.shape_cast %swap3A_386 : vector<1x16xf32> to vector<16xf32>
      %swap3A_388 = vector.shape_cast %neg3A_372 : vector<16xf32> to vector<1x16xf32>
      tpu.vector_store %arg22[%swap3A_384, %swap3A_385], %swap3A_388 {add = true, strides = array<i32>} : memref<16x128xf32, #tpu.memory_space<vmem>>, vector<1x16xf32>,
      %swap3A_389 = arith.index_cast %scan3A_145 : i32 to index
      %swap3A_390 = arith.constant 96 : index
      %swap3A_391 = tpu.vector_load %arg22[%swap3A_389, %swap3A_390] {strides = array<i32>} : memref<16x128xf32, #tpu.memory_space<vmem>>, vector<1x16xf32>,
      %swap3A_392 = vector.shape_cast %swap3A_391 : vector<1x16xf32> to vector<16xf32>
      %swap3A_393 = vector.shape_cast %mul3A_373 : vector<16xf32> to vector<1x16xf32>
      tpu.vector_store %arg22[%swap3A_389, %swap3A_390], %swap3A_393 {add = true, strides = array<i32>} : memref<16x128xf32, #tpu.memory_space<vmem>>, vector<1x16xf32>,
      %get3A_394 = arith.index_cast %scan3A_145 : i32 to index
      %get3A_395 = arith.constant 48 : index
      %get3A_396 = tpu.vector_load %arg14[%get3A_394, %get3A_395] {strides = array<i32>} : memref<16x128xf32, #tpu.memory_space<vmem>>, vector<1x16xf32>,
      %get3A_397 = vector.shape_cast %get3A_396 : vector<1x16xf32> to vector<16xf32>
      %get3A_398 = arith.index_cast %scan3A_145 : i32 to index
      %get3A_399 = arith.constant 112 : index
      %get3A_400 = tpu.vector_load %arg14[%get3A_398, %get3A_399] {strides = array<i32>} : memref<16x128xf32, #tpu.memory_space<vmem>>, vector<1x16xf32>,
      %get3A_401 = vector.shape_cast %get3A_400 : vector<1x16xf32> to vector<16xf32>
      %get3A_402 = arith.index_cast %scan3A_145 : i32 to index
      %get3A_403 = arith.constant 48 : index
      %get3A_404 = tpu.vector_load %arg18[%get3A_402, %get3A_403] {strides = array<i32>} : memref<16x128xf32, #tpu.memory_space<vmem>>, vector<1x16xf32>,
      %get3A_405 = vector.shape_cast %get3A_404 : vector<1x16xf32> to vector<16xf32>
      %mul3A_406 = arith.mulf %get3A_397, %get3A_405 : vector<16xf32>
      %get3A_407 = arith.index_cast %scan3A_145 : i32 to index
      %get3A_408 = arith.constant 112 : index
      %get3A_409 = tpu.vector_load %arg19[%get3A_407, %get3A_408] {strides = array<i32>} : memref<16x128xf32, #tpu.memory_space<vmem>>, vector<1x16xf32>,
      %get3A_410 = vector.shape_cast %get3A_409 : vector<1x16xf32> to vector<16xf32>
      %mul3A_411 = arith.mulf %get3A_401, %get3A_410 : vector<16xf32>
      %add3A_412 = arith.addf %mul3A_406, %mul3A_411 : vector<16xf32>
      %add3A_413 = arith.constant 16 : i32
      %add3A_414 = arith.addi %add3A_413, %scan3A_145 : i32
      %swap3A_415 = arith.index_cast %add3A_414 : i32 to index
      %swap3A_416 = arith.constant 48 : index
      %swap3A_417 = tpu.vector_load %arg20[%swap3A_415, %swap3A_416] {strides = array<i32>} : memref<32x128xf32, #tpu.memory_space<vmem>>, vector<1x16xf32>,
      %swap3A_418 = vector.shape_cast %swap3A_417 : vector<1x16xf32> to vector<16xf32>
      %swap3A_419 = vector.shape_cast %add3A_412 : vector<16xf32> to vector<1x16xf32>
      tpu.vector_store %arg20[%swap3A_415, %swap3A_416], %swap3A_419 {strides = array<i32>} : memref<32x128xf32, #tpu.memory_space<vmem>>, vector<1x16xf32>,
      %get3A_420 = arith.index_cast %scan3A_145 : i32 to index
      %get3A_421 = arith.constant 112 : index
      %get3A_422 = tpu.vector_load %arg18[%get3A_420, %get3A_421] {strides = array<i32>} : memref<16x128xf32, #tpu.memory_space<vmem>>, vector<1x16xf32>,
      %get3A_423 = vector.shape_cast %get3A_422 : vector<1x16xf32> to vector<16xf32>
      %mul3A_424 = arith.mulf %get3A_401, %get3A_423 : vector<16xf32>
      %get3A_425 = arith.index_cast %scan3A_145 : i32 to index
      %get3A_426 = arith.constant 48 : index
      %get3A_427 = tpu.vector_load %arg19[%get3A_425, %get3A_426] {strides = array<i32>} : memref<16x128xf32, #tpu.memory_space<vmem>>, vector<1x16xf32>,
      %get3A_428 = vector.shape_cast %get3A_427 : vector<1x16xf32> to vector<16xf32>
      %mul3A_429 = arith.mulf %get3A_397, %get3A_428 : vector<16xf32>
      %sub3A_430 = arith.subf %mul3A_424, %mul3A_429 : vector<16xf32>
      %add3A_431 = arith.constant 16 : i32
      %add3A_432 = arith.addi %add3A_431, %scan3A_145 : i32
      %swap3A_433 = arith.index_cast %add3A_432 : i32 to index
      %swap3A_434 = arith.constant 112 : index
      %swap3A_435 = tpu.vector_load %arg20[%swap3A_433, %swap3A_434] {strides = array<i32>} : memref<32x128xf32, #tpu.memory_space<vmem>>, vector<1x16xf32>,
      %swap3A_436 = vector.shape_cast %swap3A_435 : vector<1x16xf32> to vector<16xf32>
      %swap3A_437 = vector.shape_cast %sub3A_430 : vector<16xf32> to vector<1x16xf32>
      tpu.vector_store %arg20[%swap3A_433, %swap3A_434], %swap3A_437 {strides = array<i32>} : memref<32x128xf32, #tpu.memory_space<vmem>>, vector<1x16xf32>,
      %add3A_438 = arith.constant 16 : i32
      %add3A_439 = arith.addi %add3A_438, %scan3A_145 : i32
      %get3A_440 = arith.index_cast %add3A_439 : i32 to index
      %get3A_441 = arith.constant 48 : index
      %get3A_442 = tpu.vector_load %arg17[%get3A_440, %get3A_441] {strides = array<i32>} : memref<32x128xf32, #tpu.memory_space<vmem>>, vector<1x16xf32>,
      %get3A_443 = vector.shape_cast %get3A_442 : vector<1x16xf32> to vector<16xf32>
      %add3A_444 = arith.constant 16 : i32
      %add3A_445 = arith.addi %add3A_444, %scan3A_145 : i32
      %get3A_446 = arith.index_cast %add3A_445 : i32 to index
      %get3A_447 = arith.constant 112 : index
      %get3A_448 = tpu.vector_load %arg17[%get3A_446, %get3A_447] {strides = array<i32>} : memref<32x128xf32, #tpu.memory_space<vmem>>, vector<1x16xf32>,
      %get3A_449 = vector.shape_cast %get3A_448 : vector<1x16xf32> to vector<16xf32>
      %mul3A_450 = arith.mulf %get3A_397, %get3A_443 : vector<16xf32>
      %mul3A_451 = arith.mulf %get3A_401, %get3A_449 : vector<16xf32>
      %mul3A_452 = arith.mulf %get3A_397, %get3A_449 : vector<16xf32>
      %neg3A_453 = arith.constant 0.000000e+00 : f32
      %neg3A_454 = vector.broadcast %neg3A_453 : f32 to vector<16xf32>
      %neg3A_455 = arith.subf %neg3A_454, %mul3A_452 : vector<16xf32>
      %mul3A_456 = arith.mulf %get3A_401, %get3A_443 : vector<16xf32>
      %swap3A_457 = arith.index_cast %scan3A_145 : i32 to index
      %swap3A_458 = arith.constant 48 : index
      %swap3A_459 = tpu.vector_load %arg21[%swap3A_457, %swap3A_458] {strides = array<i32>} : memref<16x128xf32, #tpu.memory_space<vmem>>, vector<1x16xf32>,
      %swap3A_460 = vector.shape_cast %swap3A_459 : vector<1x16xf32> to vector<16xf32>
      %swap3A_461 = vector.shape_cast %mul3A_450 : vector<16xf32> to vector<1x16xf32>
      tpu.vector_store %arg21[%swap3A_457, %swap3A_458], %swap3A_461 {add = true, strides = array<i32>} : memref<16x128xf32, #tpu.memory_space<vmem>>, vector<1x16xf32>,
      %swap3A_462 = arith.index_cast %scan3A_145 : i32 to index
      %swap3A_463 = arith.constant 112 : index
      %swap3A_464 = tpu.vector_load %arg21[%swap3A_462, %swap3A_463] {strides = array<i32>} : memref<16x128xf32, #tpu.memory_space<vmem>>, vector<1x16xf32>,
      %swap3A_465 = vector.shape_cast %swap3A_464 : vector<1x16xf32> to vector<16xf32>
      %swap3A_466 = vector.shape_cast %mul3A_451 : vector<16xf32> to vector<1x16xf32>
      tpu.vector_store %arg21[%swap3A_462, %swap3A_463], %swap3A_466 {add = true, strides = array<i32>} : memref<16x128xf32, #tpu.memory_space<vmem>>, vector<1x16xf32>,
      %swap3A_467 = arith.index_cast %scan3A_145 : i32 to index
      %swap3A_468 = arith.constant 48 : index
      %swap3A_469 = tpu.vector_load %arg22[%swap3A_467, %swap3A_468] {strides = array<i32>} : memref<16x128xf32, #tpu.memory_space<vmem>>, vector<1x16xf32>,
      %swap3A_470 = vector.shape_cast %swap3A_469 : vector<1x16xf32> to vector<16xf32>
      %swap3A_471 = vector.shape_cast %neg3A_455 : vector<16xf32> to vector<1x16xf32>
      tpu.vector_store %arg22[%swap3A_467, %swap3A_468], %swap3A_471 {add = true, strides = array<i32>} : memref<16x128xf32, #tpu.memory_space<vmem>>, vector<1x16xf32>,
      %swap3A_472 = arith.index_cast %scan3A_145 : i32 to index
      %swap3A_473 = arith.constant 112 : index
      %swap3A_474 = tpu.vector_load %arg22[%swap3A_472, %swap3A_473] {strides = array<i32>} : memref<16x128xf32, #tpu.memory_space<vmem>>, vector<1x16xf32>,
      %swap3A_475 = vector.shape_cast %swap3A_474 : vector<1x16xf32> to vector<16xf32>
      %swap3A_476 = vector.shape_cast %mul3A_456 : vector<16xf32> to vector<1x16xf32>
      tpu.vector_store %arg22[%swap3A_472, %swap3A_473], %swap3A_476 {add = true, strides = array<i32>} : memref<16x128xf32, #tpu.memory_space<vmem>>, vector<1x16xf32>,
    }
    %scan3A_125 = arith.constant 16 : i32
    %mul3A_126 = arith.constant 16 : i32
    %mul3A_127 = arith.muli %mul3A_18, %mul3A_126 : i32
    "tpu.region"() ({
      %run_scoped3A_145 = tpu.sem_alloc : memref<!tpu.dma_semaphore, #tpu.memory_space<semaphore_mem>>
      %dma_start3A_146 = arith.constant 0 : i32
      %dma_start3A_147 = tpu.memref_slice %arg8[%mul3A_127, %dma_start3A_146] : memref<1024x128xf32, #tpu.memory_space<hbm>> -> memref<32x128xf32, #tpu.memory_space<hbm>>
      %dma_start3A_148 = arith.constant 0 : i32
      %dma_start3A_149 = tpu.memref_slice %arg8[%mul3A_127, %dma_start3A_148] : memref<1024x128xf32, #tpu.memory_space<hbm>> -> memref<32x128xf32, #tpu.memory_space<hbm>>
      tpu.enqueue_dma source(%arg20 : memref<32x128xf32, #tpu.memory_space<vmem>>) target(%dma_start3A_149 : memref<32x128xf32, #tpu.memory_space<hbm>>) target_semaphore(%run_scoped3A_145 : memref<!tpu.dma_semaphore, #tpu.memory_space<semaphore_mem>>)
      %dma_wait3A_150 = arith.constant 0 : i32
      %dma_wait3A_151 = tpu.memref_slice %arg8[%mul3A_127, %dma_wait3A_150] : memref<1024x128xf32, #tpu.memory_space<hbm>> -> memref<32x128xf32, #tpu.memory_space<hbm>>
      %dma_wait3A_152 = arith.constant 0 : i32
      %dma_wait3A_153 = tpu.memref_slice %arg8[%mul3A_127, %dma_wait3A_152] : memref<1024x128xf32, #tpu.memory_space<hbm>> -> memref<32x128xf32, #tpu.memory_space<hbm>>
      tpu.wait_dma2 semaphore(%run_scoped3A_145 : memref<!tpu.dma_semaphore, #tpu.memory_space<semaphore_mem>>) src(%arg20 : memref<32x128xf32, #tpu.memory_space<vmem>>) dst(%dma_wait3A_153 : memref<32x128xf32, #tpu.memory_space<hbm>>)
      tpu.yield
    }) : () -> ()
    "tpu.region"() ({
      %run_scoped3A_145 = tpu.sem_alloc : memref<!tpu.dma_semaphore, #tpu.memory_space<semaphore_mem>>
      %dma_start3A_146 = arith.constant 0 : i32
      %dma_start3A_147 = arith.constant 0 : i32
      %dma_start3A_148 = tpu.memref_slice %arg24[%arg1, %dma_start3A_146, %dma_start3A_147] : memref<16x16x128xf32, #tpu.memory_space<vmem_shared>> -> memref<1x16x128xf32, #tpu.memory_space<vmem_shared>>
      %dma_start3A_149 = tpu.memref_squeeze %dma_start3A_148 : memref<1x16x128xf32, #tpu.memory_space<vmem_shared>> -> memref<16x128xf32, #tpu.memory_space<vmem_shared>>
      %dma_start3A_150 = arith.constant 0 : i32
      %dma_start3A_151 = arith.constant 0 : i32
      %dma_start3A_152 = tpu.memref_slice %arg24[%arg1, %dma_start3A_150, %dma_start3A_151] : memref<16x16x128xf32, #tpu.memory_space<vmem_shared>> -> memref<1x16x128xf32, #tpu.memory_space<vmem_shared>>
      %dma_start3A_153 = tpu.memref_squeeze %dma_start3A_152 : memref<1x16x128xf32, #tpu.memory_space<vmem_shared>> -> memref<16x128xf32, #tpu.memory_space<vmem_shared>>
      tpu.enqueue_dma source(%arg21 : memref<16x128xf32, #tpu.memory_space<vmem>>) target(%dma_start3A_153 : memref<16x128xf32, #tpu.memory_space<vmem_shared>>) target_semaphore(%run_scoped3A_145 : memref<!tpu.dma_semaphore, #tpu.memory_space<semaphore_mem>>)
      %dma_wait3A_154 = arith.constant 0 : i32
      %dma_wait3A_155 = arith.constant 0 : i32
      %dma_wait3A_156 = tpu.memref_slice %arg24[%arg1, %dma_wait3A_154, %dma_wait3A_155] : memref<16x16x128xf32, #tpu.memory_space<vmem_shared>> -> memref<1x16x128xf32, #tpu.memory_space<vmem_shared>>
      %dma_wait3A_157 = tpu.memref_squeeze %dma_wait3A_156 : memref<1x16x128xf32, #tpu.memory_space<vmem_shared>> -> memref<16x128xf32, #tpu.memory_space<vmem_shared>>
      %dma_wait3A_158 = arith.constant 0 : i32
      %dma_wait3A_159 = arith.constant 0 : i32
      %dma_wait3A_160 = tpu.memref_slice %arg24[%arg1, %dma_wait3A_158, %dma_wait3A_159] : memref<16x16x128xf32, #tpu.memory_space<vmem_shared>> -> memref<1x16x128xf32, #tpu.memory_space<vmem_shared>>
      %dma_wait3A_161 = tpu.memref_squeeze %dma_wait3A_160 : memref<1x16x128xf32, #tpu.memory_space<vmem_shared>> -> memref<16x128xf32, #tpu.memory_space<vmem_shared>>
      tpu.wait_dma2 semaphore(%run_scoped3A_145 : memref<!tpu.dma_semaphore, #tpu.memory_space<semaphore_mem>>) src(%arg21 : memref<16x128xf32, #tpu.memory_space<vmem>>) dst(%dma_wait3A_161 : memref<16x128xf32, #tpu.memory_space<vmem_shared>>)
      tpu.yield
    }) : () -> ()
    "tpu.region"() ({
      %run_scoped3A_145 = tpu.sem_alloc : memref<!tpu.dma_semaphore, #tpu.memory_space<semaphore_mem>>
      %dma_start3A_146 = arith.constant 0 : i32
      %dma_start3A_147 = arith.constant 0 : i32
      %dma_start3A_148 = tpu.memref_slice %arg25[%arg1, %dma_start3A_146, %dma_start3A_147] : memref<16x16x128xf32, #tpu.memory_space<vmem_shared>> -> memref<1x16x128xf32, #tpu.memory_space<vmem_shared>>
      %dma_start3A_149 = tpu.memref_squeeze %dma_start3A_148 : memref<1x16x128xf32, #tpu.memory_space<vmem_shared>> -> memref<16x128xf32, #tpu.memory_space<vmem_shared>>
      %dma_start3A_150 = arith.constant 0 : i32
      %dma_start3A_151 = arith.constant 0 : i32
      %dma_start3A_152 = tpu.memref_slice %arg25[%arg1, %dma_start3A_150, %dma_start3A_151] : memref<16x16x128xf32, #tpu.memory_space<vmem_shared>> -> memref<1x16x128xf32, #tpu.memory_space<vmem_shared>>
      %dma_start3A_153 = tpu.memref_squeeze %dma_start3A_152 : memref<1x16x128xf32, #tpu.memory_space<vmem_shared>> -> memref<16x128xf32, #tpu.memory_space<vmem_shared>>
      tpu.enqueue_dma source(%arg22 : memref<16x128xf32, #tpu.memory_space<vmem>>) target(%dma_start3A_153 : memref<16x128xf32, #tpu.memory_space<vmem_shared>>) target_semaphore(%run_scoped3A_145 : memref<!tpu.dma_semaphore, #tpu.memory_space<semaphore_mem>>)
      %dma_wait3A_154 = arith.constant 0 : i32
      %dma_wait3A_155 = arith.constant 0 : i32
      %dma_wait3A_156 = tpu.memref_slice %arg25[%arg1, %dma_wait3A_154, %dma_wait3A_155] : memref<16x16x128xf32, #tpu.memory_space<vmem_shared>> -> memref<1x16x128xf32, #tpu.memory_space<vmem_shared>>
      %dma_wait3A_157 = tpu.memref_squeeze %dma_wait3A_156 : memref<1x16x128xf32, #tpu.memory_space<vmem_shared>> -> memref<16x128xf32, #tpu.memory_space<vmem_shared>>
      %dma_wait3A_158 = arith.constant 0 : i32
      %dma_wait3A_159 = arith.constant 0 : i32
      %dma_wait3A_160 = tpu.memref_slice %arg25[%arg1, %dma_wait3A_158, %dma_wait3A_159] : memref<16x16x128xf32, #tpu.memory_space<vmem_shared>> -> memref<1x16x128xf32, #tpu.memory_space<vmem_shared>>
      %dma_wait3A_161 = tpu.memref_squeeze %dma_wait3A_160 : memref<1x16x128xf32, #tpu.memory_space<vmem_shared>> -> memref<16x128xf32, #tpu.memory_space<vmem_shared>>
      tpu.wait_dma2 semaphore(%run_scoped3A_145 : memref<!tpu.dma_semaphore, #tpu.memory_space<semaphore_mem>>) src(%arg22 : memref<16x128xf32, #tpu.memory_space<vmem>>) dst(%dma_wait3A_161 : memref<16x128xf32, #tpu.memory_space<vmem_shared>>)
      tpu.yield
    }) : () -> ()
    %barrier3A = arith.constant 0 : index
    tpu.barrier barrier_id(%barrier3A)
    %jit3A_128 = arith.constant 4 : i32
    %eq3A = arith.constant 0 : i32
    %eq3A_129 = arith.cmpi eq, %jit3A_128, %eq3A : i32
    %jit3A_130 = arith.constant 1 : i32
    %select_n3A_131 = arith.select %eq3A_129, %jit3A_130, %jit3A_128 : i32
    %rem3A_132 = arith.remsi %arg1, %select_n3A_131 : i32
    %ne3A_133 = arith.constant 0 : i32
    %ne3A_134 = arith.cmpi ne, %rem3A_132, %ne3A_133 : i32
    %lt3A = arith.constant 0 : i32
    %lt3A_135 = arith.cmpi slt, %rem3A_132, %lt3A : i32
    %lt3A_136 = arith.constant 0 : i32
    %lt3A_137 = arith.cmpi slt, %select_n3A_131, %lt3A_136 : i32
    %ne3A_138 = arith.xori %lt3A_135, %lt3A_137 : i1
    %and3A_139 = arith.andi %ne3A_138, %ne3A_134 : i1
    %add3A_140 = arith.addi %rem3A_132, %select_n3A_131 : i32
    %select_n3A_141 = arith.select %and3A_139, %add3A_140, %rem3A_132 : i32
    %eq3A_142 = arith.constant 0 : i32
    %eq3A_143 = arith.cmpi eq, %select_n3A_141, %eq3A_142 : i32
    %convert_element_type3A = arith.extui %eq3A_143 : i1 to i32
    %cond3A = arith.constant 0 : i32
    %cond3A_144 = arith.cmpi ne, %convert_element_type3A, %cond3A : i32
    scf.if %cond3A_144 {
      %add3A_145 = arith.constant 1 : i32
      %add3A_146 = arith.addi %arg1, %add3A_145 : i32
      "tpu.region"() ({
        %run_scoped3A_197 = tpu.sem_alloc : memref<!tpu.dma_semaphore, #tpu.memory_space<semaphore_mem>>
        %dma_start3A_198 = arith.constant 0 : i32
        %dma_start3A_199 = arith.constant 0 : i32
        %dma_start3A_200 = tpu.memref_slice %arg24[%add3A_146, %dma_start3A_198, %dma_start3A_199] : memref<16x16x128xf32, #tpu.memory_space<vmem_shared>> -> memref<1x16x128xf32, #tpu.memory_space<vmem_shared>>
        %dma_start3A_201 = tpu.memref_squeeze %dma_start3A_200 : memref<1x16x128xf32, #tpu.memory_space<vmem_shared>> -> memref<16x128xf32, #tpu.memory_space<vmem_shared>>
        %dma_start3A_202 = arith.constant 0 : i32
        %dma_start3A_203 = arith.constant 0 : i32
        %dma_start3A_204 = tpu.memref_slice %arg24[%add3A_146, %dma_start3A_202, %dma_start3A_203] : memref<16x16x128xf32, #tpu.memory_space<vmem_shared>> -> memref<1x16x128xf32, #tpu.memory_space<vmem_shared>>
        %dma_start3A_205 = tpu.memref_squeeze %dma_start3A_204 : memref<1x16x128xf32, #tpu.memory_space<vmem_shared>> -> memref<16x128xf32, #tpu.memory_space<vmem_shared>>
        tpu.enqueue_dma source(%dma_start3A_205 : memref<16x128xf32, #tpu.memory_space<vmem_shared>>) target(%arg23 : memref<16x128xf32, #tpu.memory_space<vmem>>) target_semaphore(%run_scoped3A_197 : memref<!tpu.dma_semaphore, #tpu.memory_space<semaphore_mem>>)
        %dma_wait3A_206 = arith.constant 0 : i32
        %dma_wait3A_207 = arith.constant 0 : i32
        %dma_wait3A_208 = tpu.memref_slice %arg24[%add3A_146, %dma_wait3A_206, %dma_wait3A_207] : memref<16x16x128xf32, #tpu.memory_space<vmem_shared>> -> memref<1x16x128xf32, #tpu.memory_space<vmem_shared>>
        %dma_wait3A_209 = tpu.memref_squeeze %dma_wait3A_208 : memref<1x16x128xf32, #tpu.memory_space<vmem_shared>> -> memref<16x128xf32, #tpu.memory_space<vmem_shared>>
        %dma_wait3A_210 = arith.constant 0 : i32
        %dma_wait3A_211 = arith.constant 0 : i32
        %dma_wait3A_212 = tpu.memref_slice %arg24[%add3A_146, %dma_wait3A_210, %dma_wait3A_211] : memref<16x16x128xf32, #tpu.memory_space<vmem_shared>> -> memref<1x16x128xf32, #tpu.memory_space<vmem_shared>>
        %dma_wait3A_213 = tpu.memref_squeeze %dma_wait3A_212 : memref<1x16x128xf32, #tpu.memory_space<vmem_shared>> -> memref<16x128xf32, #tpu.memory_space<vmem_shared>>
        tpu.wait_dma2 semaphore(%run_scoped3A_197 : memref<!tpu.dma_semaphore, #tpu.memory_space<semaphore_mem>>) src(%dma_wait3A_213 : memref<16x128xf32, #tpu.memory_space<vmem_shared>>) dst(%arg23 : memref<16x128xf32, #tpu.memory_space<vmem>>)
        tpu.yield
      }) : () -> ()
      %scan3A_147 = arith.constant 0 : i32
      %scan3A_148 = arith.constant 0 : i32
      %scan3A_149 = arith.constant 16 : i32
      %scan3A_150 = arith.addi %scan3A_148, %scan3A_149 : i32
      %scan3A_151 = arith.constant 1 : i32
      scf.for %scan3A_197 = %scan3A_148 to %scan3A_150 step %scan3A_151  : i32 {
        %get3A_198 = arith.index_cast %scan3A_197 : i32 to index
        %get3A_199 = arith.constant 0 : index
        %get3A_200 = tpu.vector_load %arg23[%get3A_198, %get3A_199] {strides = array<i32>} : memref<16x128xf32, #tpu.memory_space<vmem>>, vector<1x16xf32>,
        %get3A_201 = vector.shape_cast %get3A_200 : vector<1x16xf32> to vector<16xf32>
        %swap3A_202 = arith.index_cast %scan3A_197 : i32 to index
        %swap3A_203 = arith.constant 0 : index
        %swap3A_204 = tpu.vector_load %arg21[%swap3A_202, %swap3A_203] {strides = array<i32>} : memref<16x128xf32, #tpu.memory_space<vmem>>, vector<1x16xf32>,
        %swap3A_205 = vector.shape_cast %swap3A_204 : vector<1x16xf32> to vector<16xf32>
        %swap3A_206 = vector.shape_cast %get3A_201 : vector<16xf32> to vector<1x16xf32>
        tpu.vector_store %arg21[%swap3A_202, %swap3A_203], %swap3A_206 {add = true, strides = array<i32>} : memref<16x128xf32, #tpu.memory_space<vmem>>, vector<1x16xf32>,
        %get3A_207 = arith.index_cast %scan3A_197 : i32 to index
        %get3A_208 = arith.constant 16 : index
        %get3A_209 = tpu.vector_load %arg23[%get3A_207, %get3A_208] {strides = array<i32>} : memref<16x128xf32, #tpu.memory_space<vmem>>, vector<1x16xf32>,
        %get3A_210 = vector.shape_cast %get3A_209 : vector<1x16xf32> to vector<16xf32>
        %swap3A_211 = arith.index_cast %scan3A_197 : i32 to index
        %swap3A_212 = arith.constant 16 : index
        %swap3A_213 = tpu.vector_load %arg21[%swap3A_211, %swap3A_212] {strides = array<i32>} : memref<16x128xf32, #tpu.memory_space<vmem>>, vector<1x16xf32>,
        %swap3A_214 = vector.shape_cast %swap3A_213 : vector<1x16xf32> to vector<16xf32>
        %swap3A_215 = vector.shape_cast %get3A_210 : vector<16xf32> to vector<1x16xf32>
        tpu.vector_store %arg21[%swap3A_211, %swap3A_212], %swap3A_215 {add = true, strides = array<i32>} : memref<16x128xf32, #tpu.memory_space<vmem>>, vector<1x16xf32>,
        %get3A_216 = arith.index_cast %scan3A_197 : i32 to index
        %get3A_217 = arith.constant 32 : index
        %get3A_218 = tpu.vector_load %arg23[%get3A_216, %get3A_217] {strides = array<i32>} : memref<16x128xf32, #tpu.memory_space<vmem>>, vector<1x16xf32>,
        %get3A_219 = vector.shape_cast %get3A_218 : vector<1x16xf32> to vector<16xf32>
        %swap3A_220 = arith.index_cast %scan3A_197 : i32 to index
        %swap3A_221 = arith.constant 32 : index
        %swap3A_222 = tpu.vector_load %arg21[%swap3A_220, %swap3A_221] {strides = array<i32>} : memref<16x128xf32, #tpu.memory_space<vmem>>, vector<1x16xf32>,
        %swap3A_223 = vector.shape_cast %swap3A_222 : vector<1x16xf32> to vector<16xf32>
        %swap3A_224 = vector.shape_cast %get3A_219 : vector<16xf32> to vector<1x16xf32>
        tpu.vector_store %arg21[%swap3A_220, %swap3A_221], %swap3A_224 {add = true, strides = array<i32>} : memref<16x128xf32, #tpu.memory_space<vmem>>, vector<1x16xf32>,
        %get3A_225 = arith.index_cast %scan3A_197 : i32 to index
        %get3A_226 = arith.constant 48 : index
        %get3A_227 = tpu.vector_load %arg23[%get3A_225, %get3A_226] {strides = array<i32>} : memref<16x128xf32, #tpu.memory_space<vmem>>, vector<1x16xf32>,
        %get3A_228 = vector.shape_cast %get3A_227 : vector<1x16xf32> to vector<16xf32>
        %swap3A_229 = arith.index_cast %scan3A_197 : i32 to index
        %swap3A_230 = arith.constant 48 : index
        %swap3A_231 = tpu.vector_load %arg21[%swap3A_229, %swap3A_230] {strides = array<i32>} : memref<16x128xf32, #tpu.memory_space<vmem>>, vector<1x16xf32>,
        %swap3A_232 = vector.shape_cast %swap3A_231 : vector<1x16xf32> to vector<16xf32>
        %swap3A_233 = vector.shape_cast %get3A_228 : vector<16xf32> to vector<1x16xf32>
        tpu.vector_store %arg21[%swap3A_229, %swap3A_230], %swap3A_233 {add = true, strides = array<i32>} : memref<16x128xf32, #tpu.memory_space<vmem>>, vector<1x16xf32>,
        %get3A_234 = arith.index_cast %scan3A_197 : i32 to index
        %get3A_235 = arith.constant 64 : index
        %get3A_236 = tpu.vector_load %arg23[%get3A_234, %get3A_235] {strides = array<i32>} : memref<16x128xf32, #tpu.memory_space<vmem>>, vector<1x16xf32>,
        %get3A_237 = vector.shape_cast %get3A_236 : vector<1x16xf32> to vector<16xf32>
        %swap3A_238 = arith.index_cast %scan3A_197 : i32 to index
        %swap3A_239 = arith.constant 64 : index
        %swap3A_240 = tpu.vector_load %arg21[%swap3A_238, %swap3A_239] {strides = array<i32>} : memref<16x128xf32, #tpu.memory_space<vmem>>, vector<1x16xf32>,
        %swap3A_241 = vector.shape_cast %swap3A_240 : vector<1x16xf32> to vector<16xf32>
        %swap3A_242 = vector.shape_cast %get3A_237 : vector<16xf32> to vector<1x16xf32>
        tpu.vector_store %arg21[%swap3A_238, %swap3A_239], %swap3A_242 {add = true, strides = array<i32>} : memref<16x128xf32, #tpu.memory_space<vmem>>, vector<1x16xf32>,
        %get3A_243 = arith.index_cast %scan3A_197 : i32 to index
        %get3A_244 = arith.constant 80 : index
        %get3A_245 = tpu.vector_load %arg23[%get3A_243, %get3A_244] {strides = array<i32>} : memref<16x128xf32, #tpu.memory_space<vmem>>, vector<1x16xf32>,
        %get3A_246 = vector.shape_cast %get3A_245 : vector<1x16xf32> to vector<16xf32>
        %swap3A_247 = arith.index_cast %scan3A_197 : i32 to index
        %swap3A_248 = arith.constant 80 : index
        %swap3A_249 = tpu.vector_load %arg21[%swap3A_247, %swap3A_248] {strides = array<i32>} : memref<16x128xf32, #tpu.memory_space<vmem>>, vector<1x16xf32>,
        %swap3A_250 = vector.shape_cast %swap3A_249 : vector<1x16xf32> to vector<16xf32>
        %swap3A_251 = vector.shape_cast %get3A_246 : vector<16xf32> to vector<1x16xf32>
        tpu.vector_store %arg21[%swap3A_247, %swap3A_248], %swap3A_251 {add = true, strides = array<i32>} : memref<16x128xf32, #tpu.memory_space<vmem>>, vector<1x16xf32>,
        %get3A_252 = arith.index_cast %scan3A_197 : i32 to index
        %get3A_253 = arith.constant 96 : index
        %get3A_254 = tpu.vector_load %arg23[%get3A_252, %get3A_253] {strides = array<i32>} : memref<16x128xf32, #tpu.memory_space<vmem>>, vector<1x16xf32>,
        %get3A_255 = vector.shape_cast %get3A_254 : vector<1x16xf32> to vector<16xf32>
        %swap3A_256 = arith.index_cast %scan3A_197 : i32 to index
        %swap3A_257 = arith.constant 96 : index
        %swap3A_258 = tpu.vector_load %arg21[%swap3A_256, %swap3A_257] {strides = array<i32>} : memref<16x128xf32, #tpu.memory_space<vmem>>, vector<1x16xf32>,
        %swap3A_259 = vector.shape_cast %swap3A_258 : vector<1x16xf32> to vector<16xf32>
        %swap3A_260 = vector.shape_cast %get3A_255 : vector<16xf32> to vector<1x16xf32>
        tpu.vector_store %arg21[%swap3A_256, %swap3A_257], %swap3A_260 {add = true, strides = array<i32>} : memref<16x128xf32, #tpu.memory_space<vmem>>, vector<1x16xf32>,
        %get3A_261 = arith.index_cast %scan3A_197 : i32 to index
        %get3A_262 = arith.constant 112 : index
        %get3A_263 = tpu.vector_load %arg23[%get3A_261, %get3A_262] {strides = array<i32>} : memref<16x128xf32, #tpu.memory_space<vmem>>, vector<1x16xf32>,
        %get3A_264 = vector.shape_cast %get3A_263 : vector<1x16xf32> to vector<16xf32>
        %swap3A_265 = arith.index_cast %scan3A_197 : i32 to index
        %swap3A_266 = arith.constant 112 : index
        %swap3A_267 = tpu.vector_load %arg21[%swap3A_265, %swap3A_266] {strides = array<i32>} : memref<16x128xf32, #tpu.memory_space<vmem>>, vector<1x16xf32>,
        %swap3A_268 = vector.shape_cast %swap3A_267 : vector<1x16xf32> to vector<16xf32>
        %swap3A_269 = vector.shape_cast %get3A_264 : vector<16xf32> to vector<1x16xf32>
        tpu.vector_store %arg21[%swap3A_265, %swap3A_266], %swap3A_269 {add = true, strides = array<i32>} : memref<16x128xf32, #tpu.memory_space<vmem>>, vector<1x16xf32>,
      }
      %scan3A_152 = arith.constant 16 : i32
      %add3A_153 = arith.constant 1 : i32
      %add3A_154 = arith.addi %arg1, %add3A_153 : i32
      "tpu.region"() ({
        %run_scoped3A_197 = tpu.sem_alloc : memref<!tpu.dma_semaphore, #tpu.memory_space<semaphore_mem>>
        %dma_start3A_198 = arith.constant 0 : i32
        %dma_start3A_199 = arith.constant 0 : i32
        %dma_start3A_200 = tpu.memref_slice %arg25[%add3A_154, %dma_start3A_198, %dma_start3A_199] : memref<16x16x128xf32, #tpu.memory_space<vmem_shared>> -> memref<1x16x128xf32, #tpu.memory_space<vmem_shared>>
        %dma_start3A_201 = tpu.memref_squeeze %dma_start3A_200 : memref<1x16x128xf32, #tpu.memory_space<vmem_shared>> -> memref<16x128xf32, #tpu.memory_space<vmem_shared>>
        %dma_start3A_202 = arith.constant 0 : i32
        %dma_start3A_203 = arith.constant 0 : i32
        %dma_start3A_204 = tpu.memref_slice %arg25[%add3A_154, %dma_start3A_202, %dma_start3A_203] : memref<16x16x128xf32, #tpu.memory_space<vmem_shared>> -> memref<1x16x128xf32, #tpu.memory_space<vmem_shared>>
        %dma_start3A_205 = tpu.memref_squeeze %dma_start3A_204 : memref<1x16x128xf32, #tpu.memory_space<vmem_shared>> -> memref<16x128xf32, #tpu.memory_space<vmem_shared>>
        tpu.enqueue_dma source(%dma_start3A_205 : memref<16x128xf32, #tpu.memory_space<vmem_shared>>) target(%arg23 : memref<16x128xf32, #tpu.memory_space<vmem>>) target_semaphore(%run_scoped3A_197 : memref<!tpu.dma_semaphore, #tpu.memory_space<semaphore_mem>>)
        %dma_wait3A_206 = arith.constant 0 : i32
        %dma_wait3A_207 = arith.constant 0 : i32
        %dma_wait3A_208 = tpu.memref_slice %arg25[%add3A_154, %dma_wait3A_206, %dma_wait3A_207] : memref<16x16x128xf32, #tpu.memory_space<vmem_shared>> -> memref<1x16x128xf32, #tpu.memory_space<vmem_shared>>
        %dma_wait3A_209 = tpu.memref_squeeze %dma_wait3A_208 : memref<1x16x128xf32, #tpu.memory_space<vmem_shared>> -> memref<16x128xf32, #tpu.memory_space<vmem_shared>>
        %dma_wait3A_210 = arith.constant 0 : i32
        %dma_wait3A_211 = arith.constant 0 : i32
        %dma_wait3A_212 = tpu.memref_slice %arg25[%add3A_154, %dma_wait3A_210, %dma_wait3A_211] : memref<16x16x128xf32, #tpu.memory_space<vmem_shared>> -> memref<1x16x128xf32, #tpu.memory_space<vmem_shared>>
        %dma_wait3A_213 = tpu.memref_squeeze %dma_wait3A_212 : memref<1x16x128xf32, #tpu.memory_space<vmem_shared>> -> memref<16x128xf32, #tpu.memory_space<vmem_shared>>
        tpu.wait_dma2 semaphore(%run_scoped3A_197 : memref<!tpu.dma_semaphore, #tpu.memory_space<semaphore_mem>>) src(%dma_wait3A_213 : memref<16x128xf32, #tpu.memory_space<vmem_shared>>) dst(%arg23 : memref<16x128xf32, #tpu.memory_space<vmem>>)
        tpu.yield
      }) : () -> ()
      %scan3A_155 = arith.constant 0 : i32
      %scan3A_156 = arith.constant 0 : i32
      %scan3A_157 = arith.constant 16 : i32
      %scan3A_158 = arith.addi %scan3A_156, %scan3A_157 : i32
      %scan3A_159 = arith.constant 1 : i32
      scf.for %scan3A_197 = %scan3A_156 to %scan3A_158 step %scan3A_159  : i32 {
        %get3A_198 = arith.index_cast %scan3A_197 : i32 to index
        %get3A_199 = arith.constant 0 : index
        %get3A_200 = tpu.vector_load %arg23[%get3A_198, %get3A_199] {strides = array<i32>} : memref<16x128xf32, #tpu.memory_space<vmem>>, vector<1x16xf32>,
        %get3A_201 = vector.shape_cast %get3A_200 : vector<1x16xf32> to vector<16xf32>
        %swap3A_202 = arith.index_cast %scan3A_197 : i32 to index
        %swap3A_203 = arith.constant 0 : index
        %swap3A_204 = tpu.vector_load %arg22[%swap3A_202, %swap3A_203] {strides = array<i32>} : memref<16x128xf32, #tpu.memory_space<vmem>>, vector<1x16xf32>,
        %swap3A_205 = vector.shape_cast %swap3A_204 : vector<1x16xf32> to vector<16xf32>
        %swap3A_206 = vector.shape_cast %get3A_201 : vector<16xf32> to vector<1x16xf32>
        tpu.vector_store %arg22[%swap3A_202, %swap3A_203], %swap3A_206 {add = true, strides = array<i32>} : memref<16x128xf32, #tpu.memory_space<vmem>>, vector<1x16xf32>,
        %get3A_207 = arith.index_cast %scan3A_197 : i32 to index
        %get3A_208 = arith.constant 16 : index
        %get3A_209 = tpu.vector_load %arg23[%get3A_207, %get3A_208] {strides = array<i32>} : memref<16x128xf32, #tpu.memory_space<vmem>>, vector<1x16xf32>,
        %get3A_210 = vector.shape_cast %get3A_209 : vector<1x16xf32> to vector<16xf32>
        %swap3A_211 = arith.index_cast %scan3A_197 : i32 to index
        %swap3A_212 = arith.constant 16 : index
        %swap3A_213 = tpu.vector_load %arg22[%swap3A_211, %swap3A_212] {strides = array<i32>} : memref<16x128xf32, #tpu.memory_space<vmem>>, vector<1x16xf32>,
        %swap3A_214 = vector.shape_cast %swap3A_213 : vector<1x16xf32> to vector<16xf32>
        %swap3A_215 = vector.shape_cast %get3A_210 : vector<16xf32> to vector<1x16xf32>
        tpu.vector_store %arg22[%swap3A_211, %swap3A_212], %swap3A_215 {add = true, strides = array<i32>} : memref<16x128xf32, #tpu.memory_space<vmem>>, vector<1x16xf32>,
        %get3A_216 = arith.index_cast %scan3A_197 : i32 to index
        %get3A_217 = arith.constant 32 : index
        %get3A_218 = tpu.vector_load %arg23[%get3A_216, %get3A_217] {strides = array<i32>} : memref<16x128xf32, #tpu.memory_space<vmem>>, vector<1x16xf32>,
        %get3A_219 = vector.shape_cast %get3A_218 : vector<1x16xf32> to vector<16xf32>
        %swap3A_220 = arith.index_cast %scan3A_197 : i32 to index
        %swap3A_221 = arith.constant 32 : index
        %swap3A_222 = tpu.vector_load %arg22[%swap3A_220, %swap3A_221] {strides = array<i32>} : memref<16x128xf32, #tpu.memory_space<vmem>>, vector<1x16xf32>,
        %swap3A_223 = vector.shape_cast %swap3A_222 : vector<1x16xf32> to vector<16xf32>
        %swap3A_224 = vector.shape_cast %get3A_219 : vector<16xf32> to vector<1x16xf32>
        tpu.vector_store %arg22[%swap3A_220, %swap3A_221], %swap3A_224 {add = true, strides = array<i32>} : memref<16x128xf32, #tpu.memory_space<vmem>>, vector<1x16xf32>,
        %get3A_225 = arith.index_cast %scan3A_197 : i32 to index
        %get3A_226 = arith.constant 48 : index
        %get3A_227 = tpu.vector_load %arg23[%get3A_225, %get3A_226] {strides = array<i32>} : memref<16x128xf32, #tpu.memory_space<vmem>>, vector<1x16xf32>,
        %get3A_228 = vector.shape_cast %get3A_227 : vector<1x16xf32> to vector<16xf32>
        %swap3A_229 = arith.index_cast %scan3A_197 : i32 to index
        %swap3A_230 = arith.constant 48 : index
        %swap3A_231 = tpu.vector_load %arg22[%swap3A_229, %swap3A_230] {strides = array<i32>} : memref<16x128xf32, #tpu.memory_space<vmem>>, vector<1x16xf32>,
        %swap3A_232 = vector.shape_cast %swap3A_231 : vector<1x16xf32> to vector<16xf32>
        %swap3A_233 = vector.shape_cast %get3A_228 : vector<16xf32> to vector<1x16xf32>
        tpu.vector_store %arg22[%swap3A_229, %swap3A_230], %swap3A_233 {add = true, strides = array<i32>} : memref<16x128xf32, #tpu.memory_space<vmem>>, vector<1x16xf32>,
        %get3A_234 = arith.index_cast %scan3A_197 : i32 to index
        %get3A_235 = arith.constant 64 : index
        %get3A_236 = tpu.vector_load %arg23[%get3A_234, %get3A_235] {strides = array<i32>} : memref<16x128xf32, #tpu.memory_space<vmem>>, vector<1x16xf32>,
        %get3A_237 = vector.shape_cast %get3A_236 : vector<1x16xf32> to vector<16xf32>
        %swap3A_238 = arith.index_cast %scan3A_197 : i32 to index
        %swap3A_239 = arith.constant 64 : index
        %swap3A_240 = tpu.vector_load %arg22[%swap3A_238, %swap3A_239] {strides = array<i32>} : memref<16x128xf32, #tpu.memory_space<vmem>>, vector<1x16xf32>,
        %swap3A_241 = vector.shape_cast %swap3A_240 : vector<1x16xf32> to vector<16xf32>
        %swap3A_242 = vector.shape_cast %get3A_237 : vector<16xf32> to vector<1x16xf32>
        tpu.vector_store %arg22[%swap3A_238, %swap3A_239], %swap3A_242 {add = true, strides = array<i32>} : memref<16x128xf32, #tpu.memory_space<vmem>>, vector<1x16xf32>,
        %get3A_243 = arith.index_cast %scan3A_197 : i32 to index
        %get3A_244 = arith.constant 80 : index
        %get3A_245 = tpu.vector_load %arg23[%get3A_243, %get3A_244] {strides = array<i32>} : memref<16x128xf32, #tpu.memory_space<vmem>>, vector<1x16xf32>,
        %get3A_246 = vector.shape_cast %get3A_245 : vector<1x16xf32> to vector<16xf32>
        %swap3A_247 = arith.index_cast %scan3A_197 : i32 to index
        %swap3A_248 = arith.constant 80 : index
        %swap3A_249 = tpu.vector_load %arg22[%swap3A_247, %swap3A_248] {strides = array<i32>} : memref<16x128xf32, #tpu.memory_space<vmem>>, vector<1x16xf32>,
        %swap3A_250 = vector.shape_cast %swap3A_249 : vector<1x16xf32> to vector<16xf32>
        %swap3A_251 = vector.shape_cast %get3A_246 : vector<16xf32> to vector<1x16xf32>
        tpu.vector_store %arg22[%swap3A_247, %swap3A_248], %swap3A_251 {add = true, strides = array<i32>} : memref<16x128xf32, #tpu.memory_space<vmem>>, vector<1x16xf32>,
        %get3A_252 = arith.index_cast %scan3A_197 : i32 to index
        %get3A_253 = arith.constant 96 : index
        %get3A_254 = tpu.vector_load %arg23[%get3A_252, %get3A_253] {strides = array<i32>} : memref<16x128xf32, #tpu.memory_space<vmem>>, vector<1x16xf32>,
        %get3A_255 = vector.shape_cast %get3A_254 : vector<1x16xf32> to vector<16xf32>
        %swap3A_256 = arith.index_cast %scan3A_197 : i32 to index
        %swap3A_257 = arith.constant 96 : index
        %swap3A_258 = tpu.vector_load %arg22[%swap3A_256, %swap3A_257] {strides = array<i32>} : memref<16x128xf32, #tpu.memory_space<vmem>>, vector<1x16xf32>,
        %swap3A_259 = vector.shape_cast %swap3A_258 : vector<1x16xf32> to vector<16xf32>
        %swap3A_260 = vector.shape_cast %get3A_255 : vector<16xf32> to vector<1x16xf32>
        tpu.vector_store %arg22[%swap3A_256, %swap3A_257], %swap3A_260 {add = true, strides = array<i32>} : memref<16x128xf32, #tpu.memory_space<vmem>>, vector<1x16xf32>,
        %get3A_261 = arith.index_cast %scan3A_197 : i32 to index
        %get3A_262 = arith.constant 112 : index
        %get3A_263 = tpu.vector_load %arg23[%get3A_261, %get3A_262] {strides = array<i32>} : memref<16x128xf32, #tpu.memory_space<vmem>>, vector<1x16xf32>,
        %get3A_264 = vector.shape_cast %get3A_263 : vector<1x16xf32> to vector<16xf32>
        %swap3A_265 = arith.index_cast %scan3A_197 : i32 to index
        %swap3A_266 = arith.constant 112 : index
        %swap3A_267 = tpu.vector_load %arg22[%swap3A_265, %swap3A_266] {strides = array<i32>} : memref<16x128xf32, #tpu.memory_space<vmem>>, vector<1x16xf32>,
        %swap3A_268 = vector.shape_cast %swap3A_267 : vector<1x16xf32> to vector<16xf32>
        %swap3A_269 = vector.shape_cast %get3A_264 : vector<16xf32> to vector<1x16xf32>
        tpu.vector_store %arg22[%swap3A_265, %swap3A_266], %swap3A_269 {add = true, strides = array<i32>} : memref<16x128xf32, #tpu.memory_space<vmem>>, vector<1x16xf32>,
      }
      %scan3A_160 = arith.constant 16 : i32
      %add3A_161 = arith.constant 2 : i32
      %add3A_162 = arith.addi %arg1, %add3A_161 : i32
      "tpu.region"() ({
        %run_scoped3A_197 = tpu.sem_alloc : memref<!tpu.dma_semaphore, #tpu.memory_space<semaphore_mem>>
        %dma_start3A_198 = arith.constant 0 : i32
        %dma_start3A_199 = arith.constant 0 : i32
        %dma_start3A_200 = tpu.memref_slice %arg24[%add3A_162, %dma_start3A_198, %dma_start3A_199] : memref<16x16x128xf32, #tpu.memory_space<vmem_shared>> -> memref<1x16x128xf32, #tpu.memory_space<vmem_shared>>
        %dma_start3A_201 = tpu.memref_squeeze %dma_start3A_200 : memref<1x16x128xf32, #tpu.memory_space<vmem_shared>> -> memref<16x128xf32, #tpu.memory_space<vmem_shared>>
        %dma_start3A_202 = arith.constant 0 : i32
        %dma_start3A_203 = arith.constant 0 : i32
        %dma_start3A_204 = tpu.memref_slice %arg24[%add3A_162, %dma_start3A_202, %dma_start3A_203] : memref<16x16x128xf32, #tpu.memory_space<vmem_shared>> -> memref<1x16x128xf32, #tpu.memory_space<vmem_shared>>
        %dma_start3A_205 = tpu.memref_squeeze %dma_start3A_204 : memref<1x16x128xf32, #tpu.memory_space<vmem_shared>> -> memref<16x128xf32, #tpu.memory_space<vmem_shared>>
        tpu.enqueue_dma source(%dma_start3A_205 : memref<16x128xf32, #tpu.memory_space<vmem_shared>>) target(%arg23 : memref<16x128xf32, #tpu.memory_space<vmem>>) target_semaphore(%run_scoped3A_197 : memref<!tpu.dma_semaphore, #tpu.memory_space<semaphore_mem>>)
        %dma_wait3A_206 = arith.constant 0 : i32
        %dma_wait3A_207 = arith.constant 0 : i32
        %dma_wait3A_208 = tpu.memref_slice %arg24[%add3A_162, %dma_wait3A_206, %dma_wait3A_207] : memref<16x16x128xf32, #tpu.memory_space<vmem_shared>> -> memref<1x16x128xf32, #tpu.memory_space<vmem_shared>>
        %dma_wait3A_209 = tpu.memref_squeeze %dma_wait3A_208 : memref<1x16x128xf32, #tpu.memory_space<vmem_shared>> -> memref<16x128xf32, #tpu.memory_space<vmem_shared>>
        %dma_wait3A_210 = arith.constant 0 : i32
        %dma_wait3A_211 = arith.constant 0 : i32
        %dma_wait3A_212 = tpu.memref_slice %arg24[%add3A_162, %dma_wait3A_210, %dma_wait3A_211] : memref<16x16x128xf32, #tpu.memory_space<vmem_shared>> -> memref<1x16x128xf32, #tpu.memory_space<vmem_shared>>
        %dma_wait3A_213 = tpu.memref_squeeze %dma_wait3A_212 : memref<1x16x128xf32, #tpu.memory_space<vmem_shared>> -> memref<16x128xf32, #tpu.memory_space<vmem_shared>>
        tpu.wait_dma2 semaphore(%run_scoped3A_197 : memref<!tpu.dma_semaphore, #tpu.memory_space<semaphore_mem>>) src(%dma_wait3A_213 : memref<16x128xf32, #tpu.memory_space<vmem_shared>>) dst(%arg23 : memref<16x128xf32, #tpu.memory_space<vmem>>)
        tpu.yield
      }) : () -> ()
      %scan3A_163 = arith.constant 0 : i32
      %scan3A_164 = arith.constant 0 : i32
      %scan3A_165 = arith.constant 16 : i32
      %scan3A_166 = arith.addi %scan3A_164, %scan3A_165 : i32
      %scan3A_167 = arith.constant 1 : i32
      scf.for %scan3A_197 = %scan3A_164 to %scan3A_166 step %scan3A_167  : i32 {
        %get3A_198 = arith.index_cast %scan3A_197 : i32 to index
        %get3A_199 = arith.constant 0 : index
        %get3A_200 = tpu.vector_load %arg23[%get3A_198, %get3A_199] {strides = array<i32>} : memref<16x128xf32, #tpu.memory_space<vmem>>, vector<1x16xf32>,
        %get3A_201 = vector.shape_cast %get3A_200 : vector<1x16xf32> to vector<16xf32>
        %swap3A_202 = arith.index_cast %scan3A_197 : i32 to index
        %swap3A_203 = arith.constant 0 : index
        %swap3A_204 = tpu.vector_load %arg21[%swap3A_202, %swap3A_203] {strides = array<i32>} : memref<16x128xf32, #tpu.memory_space<vmem>>, vector<1x16xf32>,
        %swap3A_205 = vector.shape_cast %swap3A_204 : vector<1x16xf32> to vector<16xf32>
        %swap3A_206 = vector.shape_cast %get3A_201 : vector<16xf32> to vector<1x16xf32>
        tpu.vector_store %arg21[%swap3A_202, %swap3A_203], %swap3A_206 {add = true, strides = array<i32>} : memref<16x128xf32, #tpu.memory_space<vmem>>, vector<1x16xf32>,
        %get3A_207 = arith.index_cast %scan3A_197 : i32 to index
        %get3A_208 = arith.constant 16 : index
        %get3A_209 = tpu.vector_load %arg23[%get3A_207, %get3A_208] {strides = array<i32>} : memref<16x128xf32, #tpu.memory_space<vmem>>, vector<1x16xf32>,
        %get3A_210 = vector.shape_cast %get3A_209 : vector<1x16xf32> to vector<16xf32>
        %swap3A_211 = arith.index_cast %scan3A_197 : i32 to index
        %swap3A_212 = arith.constant 16 : index
        %swap3A_213 = tpu.vector_load %arg21[%swap3A_211, %swap3A_212] {strides = array<i32>} : memref<16x128xf32, #tpu.memory_space<vmem>>, vector<1x16xf32>,
        %swap3A_214 = vector.shape_cast %swap3A_213 : vector<1x16xf32> to vector<16xf32>
        %swap3A_215 = vector.shape_cast %get3A_210 : vector<16xf32> to vector<1x16xf32>
        tpu.vector_store %arg21[%swap3A_211, %swap3A_212], %swap3A_215 {add = true, strides = array<i32>} : memref<16x128xf32, #tpu.memory_space<vmem>>, vector<1x16xf32>,
        %get3A_216 = arith.index_cast %scan3A_197 : i32 to index
        %get3A_217 = arith.constant 32 : index
        %get3A_218 = tpu.vector_load %arg23[%get3A_216, %get3A_217] {strides = array<i32>} : memref<16x128xf32, #tpu.memory_space<vmem>>, vector<1x16xf32>,
        %get3A_219 = vector.shape_cast %get3A_218 : vector<1x16xf32> to vector<16xf32>
        %swap3A_220 = arith.index_cast %scan3A_197 : i32 to index
        %swap3A_221 = arith.constant 32 : index
        %swap3A_222 = tpu.vector_load %arg21[%swap3A_220, %swap3A_221] {strides = array<i32>} : memref<16x128xf32, #tpu.memory_space<vmem>>, vector<1x16xf32>,
        %swap3A_223 = vector.shape_cast %swap3A_222 : vector<1x16xf32> to vector<16xf32>
        %swap3A_224 = vector.shape_cast %get3A_219 : vector<16xf32> to vector<1x16xf32>
        tpu.vector_store %arg21[%swap3A_220, %swap3A_221], %swap3A_224 {add = true, strides = array<i32>} : memref<16x128xf32, #tpu.memory_space<vmem>>, vector<1x16xf32>,
        %get3A_225 = arith.index_cast %scan3A_197 : i32 to index
        %get3A_226 = arith.constant 48 : index
        %get3A_227 = tpu.vector_load %arg23[%get3A_225, %get3A_226] {strides = array<i32>} : memref<16x128xf32, #tpu.memory_space<vmem>>, vector<1x16xf32>,
        %get3A_228 = vector.shape_cast %get3A_227 : vector<1x16xf32> to vector<16xf32>
        %swap3A_229 = arith.index_cast %scan3A_197 : i32 to index
        %swap3A_230 = arith.constant 48 : index
        %swap3A_231 = tpu.vector_load %arg21[%swap3A_229, %swap3A_230] {strides = array<i32>} : memref<16x128xf32, #tpu.memory_space<vmem>>, vector<1x16xf32>,
        %swap3A_232 = vector.shape_cast %swap3A_231 : vector<1x16xf32> to vector<16xf32>
        %swap3A_233 = vector.shape_cast %get3A_228 : vector<16xf32> to vector<1x16xf32>
        tpu.vector_store %arg21[%swap3A_229, %swap3A_230], %swap3A_233 {add = true, strides = array<i32>} : memref<16x128xf32, #tpu.memory_space<vmem>>, vector<1x16xf32>,
        %get3A_234 = arith.index_cast %scan3A_197 : i32 to index
        %get3A_235 = arith.constant 64 : index
        %get3A_236 = tpu.vector_load %arg23[%get3A_234, %get3A_235] {strides = array<i32>} : memref<16x128xf32, #tpu.memory_space<vmem>>, vector<1x16xf32>,
        %get3A_237 = vector.shape_cast %get3A_236 : vector<1x16xf32> to vector<16xf32>
        %swap3A_238 = arith.index_cast %scan3A_197 : i32 to index
        %swap3A_239 = arith.constant 64 : index
        %swap3A_240 = tpu.vector_load %arg21[%swap3A_238, %swap3A_239] {strides = array<i32>} : memref<16x128xf32, #tpu.memory_space<vmem>>, vector<1x16xf32>,
        %swap3A_241 = vector.shape_cast %swap3A_240 : vector<1x16xf32> to vector<16xf32>
        %swap3A_242 = vector.shape_cast %get3A_237 : vector<16xf32> to vector<1x16xf32>
        tpu.vector_store %arg21[%swap3A_238, %swap3A_239], %swap3A_242 {add = true, strides = array<i32>} : memref<16x128xf32, #tpu.memory_space<vmem>>, vector<1x16xf32>,
        %get3A_243 = arith.index_cast %scan3A_197 : i32 to index
        %get3A_244 = arith.constant 80 : index
        %get3A_245 = tpu.vector_load %arg23[%get3A_243, %get3A_244] {strides = array<i32>} : memref<16x128xf32, #tpu.memory_space<vmem>>, vector<1x16xf32>,
        %get3A_246 = vector.shape_cast %get3A_245 : vector<1x16xf32> to vector<16xf32>
        %swap3A_247 = arith.index_cast %scan3A_197 : i32 to index
        %swap3A_248 = arith.constant 80 : index
        %swap3A_249 = tpu.vector_load %arg21[%swap3A_247, %swap3A_248] {strides = array<i32>} : memref<16x128xf32, #tpu.memory_space<vmem>>, vector<1x16xf32>,
        %swap3A_250 = vector.shape_cast %swap3A_249 : vector<1x16xf32> to vector<16xf32>
        %swap3A_251 = vector.shape_cast %get3A_246 : vector<16xf32> to vector<1x16xf32>
        tpu.vector_store %arg21[%swap3A_247, %swap3A_248], %swap3A_251 {add = true, strides = array<i32>} : memref<16x128xf32, #tpu.memory_space<vmem>>, vector<1x16xf32>,
        %get3A_252 = arith.index_cast %scan3A_197 : i32 to index
        %get3A_253 = arith.constant 96 : index
        %get3A_254 = tpu.vector_load %arg23[%get3A_252, %get3A_253] {strides = array<i32>} : memref<16x128xf32, #tpu.memory_space<vmem>>, vector<1x16xf32>,
        %get3A_255 = vector.shape_cast %get3A_254 : vector<1x16xf32> to vector<16xf32>
        %swap3A_256 = arith.index_cast %scan3A_197 : i32 to index
        %swap3A_257 = arith.constant 96 : index
        %swap3A_258 = tpu.vector_load %arg21[%swap3A_256, %swap3A_257] {strides = array<i32>} : memref<16x128xf32, #tpu.memory_space<vmem>>, vector<1x16xf32>,
        %swap3A_259 = vector.shape_cast %swap3A_258 : vector<1x16xf32> to vector<16xf32>
        %swap3A_260 = vector.shape_cast %get3A_255 : vector<16xf32> to vector<1x16xf32>
        tpu.vector_store %arg21[%swap3A_256, %swap3A_257], %swap3A_260 {add = true, strides = array<i32>} : memref<16x128xf32, #tpu.memory_space<vmem>>, vector<1x16xf32>,
        %get3A_261 = arith.index_cast %scan3A_197 : i32 to index
        %get3A_262 = arith.constant 112 : index
        %get3A_263 = tpu.vector_load %arg23[%get3A_261, %get3A_262] {strides = array<i32>} : memref<16x128xf32, #tpu.memory_space<vmem>>, vector<1x16xf32>,
        %get3A_264 = vector.shape_cast %get3A_263 : vector<1x16xf32> to vector<16xf32>
        %swap3A_265 = arith.index_cast %scan3A_197 : i32 to index
        %swap3A_266 = arith.constant 112 : index
        %swap3A_267 = tpu.vector_load %arg21[%swap3A_265, %swap3A_266] {strides = array<i32>} : memref<16x128xf32, #tpu.memory_space<vmem>>, vector<1x16xf32>,
        %swap3A_268 = vector.shape_cast %swap3A_267 : vector<1x16xf32> to vector<16xf32>
        %swap3A_269 = vector.shape_cast %get3A_264 : vector<16xf32> to vector<1x16xf32>
        tpu.vector_store %arg21[%swap3A_265, %swap3A_266], %swap3A_269 {add = true, strides = array<i32>} : memref<16x128xf32, #tpu.memory_space<vmem>>, vector<1x16xf32>,
      }
      %scan3A_168 = arith.constant 16 : i32
      %add3A_169 = arith.constant 2 : i32
      %add3A_170 = arith.addi %arg1, %add3A_169 : i32
      "tpu.region"() ({
        %run_scoped3A_197 = tpu.sem_alloc : memref<!tpu.dma_semaphore, #tpu.memory_space<semaphore_mem>>
        %dma_start3A_198 = arith.constant 0 : i32
        %dma_start3A_199 = arith.constant 0 : i32
        %dma_start3A_200 = tpu.memref_slice %arg25[%add3A_170, %dma_start3A_198, %dma_start3A_199] : memref<16x16x128xf32, #tpu.memory_space<vmem_shared>> -> memref<1x16x128xf32, #tpu.memory_space<vmem_shared>>
        %dma_start3A_201 = tpu.memref_squeeze %dma_start3A_200 : memref<1x16x128xf32, #tpu.memory_space<vmem_shared>> -> memref<16x128xf32, #tpu.memory_space<vmem_shared>>
        %dma_start3A_202 = arith.constant 0 : i32
        %dma_start3A_203 = arith.constant 0 : i32
        %dma_start3A_204 = tpu.memref_slice %arg25[%add3A_170, %dma_start3A_202, %dma_start3A_203] : memref<16x16x128xf32, #tpu.memory_space<vmem_shared>> -> memref<1x16x128xf32, #tpu.memory_space<vmem_shared>>
        %dma_start3A_205 = tpu.memref_squeeze %dma_start3A_204 : memref<1x16x128xf32, #tpu.memory_space<vmem_shared>> -> memref<16x128xf32, #tpu.memory_space<vmem_shared>>
        tpu.enqueue_dma source(%dma_start3A_205 : memref<16x128xf32, #tpu.memory_space<vmem_shared>>) target(%arg23 : memref<16x128xf32, #tpu.memory_space<vmem>>) target_semaphore(%run_scoped3A_197 : memref<!tpu.dma_semaphore, #tpu.memory_space<semaphore_mem>>)
        %dma_wait3A_206 = arith.constant 0 : i32
        %dma_wait3A_207 = arith.constant 0 : i32
        %dma_wait3A_208 = tpu.memref_slice %arg25[%add3A_170, %dma_wait3A_206, %dma_wait3A_207] : memref<16x16x128xf32, #tpu.memory_space<vmem_shared>> -> memref<1x16x128xf32, #tpu.memory_space<vmem_shared>>
        %dma_wait3A_209 = tpu.memref_squeeze %dma_wait3A_208 : memref<1x16x128xf32, #tpu.memory_space<vmem_shared>> -> memref<16x128xf32, #tpu.memory_space<vmem_shared>>
        %dma_wait3A_210 = arith.constant 0 : i32
        %dma_wait3A_211 = arith.constant 0 : i32
        %dma_wait3A_212 = tpu.memref_slice %arg25[%add3A_170, %dma_wait3A_210, %dma_wait3A_211] : memref<16x16x128xf32, #tpu.memory_space<vmem_shared>> -> memref<1x16x128xf32, #tpu.memory_space<vmem_shared>>
        %dma_wait3A_213 = tpu.memref_squeeze %dma_wait3A_212 : memref<1x16x128xf32, #tpu.memory_space<vmem_shared>> -> memref<16x128xf32, #tpu.memory_space<vmem_shared>>
        tpu.wait_dma2 semaphore(%run_scoped3A_197 : memref<!tpu.dma_semaphore, #tpu.memory_space<semaphore_mem>>) src(%dma_wait3A_213 : memref<16x128xf32, #tpu.memory_space<vmem_shared>>) dst(%arg23 : memref<16x128xf32, #tpu.memory_space<vmem>>)
        tpu.yield
      }) : () -> ()
      %scan3A_171 = arith.constant 0 : i32
      %scan3A_172 = arith.constant 0 : i32
      %scan3A_173 = arith.constant 16 : i32
      %scan3A_174 = arith.addi %scan3A_172, %scan3A_173 : i32
      %scan3A_175 = arith.constant 1 : i32
      scf.for %scan3A_197 = %scan3A_172 to %scan3A_174 step %scan3A_175  : i32 {
        %get3A_198 = arith.index_cast %scan3A_197 : i32 to index
        %get3A_199 = arith.constant 0 : index
        %get3A_200 = tpu.vector_load %arg23[%get3A_198, %get3A_199] {strides = array<i32>} : memref<16x128xf32, #tpu.memory_space<vmem>>, vector<1x16xf32>,
        %get3A_201 = vector.shape_cast %get3A_200 : vector<1x16xf32> to vector<16xf32>
        %swap3A_202 = arith.index_cast %scan3A_197 : i32 to index
        %swap3A_203 = arith.constant 0 : index
        %swap3A_204 = tpu.vector_load %arg22[%swap3A_202, %swap3A_203] {strides = array<i32>} : memref<16x128xf32, #tpu.memory_space<vmem>>, vector<1x16xf32>,
        %swap3A_205 = vector.shape_cast %swap3A_204 : vector<1x16xf32> to vector<16xf32>
        %swap3A_206 = vector.shape_cast %get3A_201 : vector<16xf32> to vector<1x16xf32>
        tpu.vector_store %arg22[%swap3A_202, %swap3A_203], %swap3A_206 {add = true, strides = array<i32>} : memref<16x128xf32, #tpu.memory_space<vmem>>, vector<1x16xf32>,
        %get3A_207 = arith.index_cast %scan3A_197 : i32 to index
        %get3A_208 = arith.constant 16 : index
        %get3A_209 = tpu.vector_load %arg23[%get3A_207, %get3A_208] {strides = array<i32>} : memref<16x128xf32, #tpu.memory_space<vmem>>, vector<1x16xf32>,
        %get3A_210 = vector.shape_cast %get3A_209 : vector<1x16xf32> to vector<16xf32>
        %swap3A_211 = arith.index_cast %scan3A_197 : i32 to index
        %swap3A_212 = arith.constant 16 : index
        %swap3A_213 = tpu.vector_load %arg22[%swap3A_211, %swap3A_212] {strides = array<i32>} : memref<16x128xf32, #tpu.memory_space<vmem>>, vector<1x16xf32>,
        %swap3A_214 = vector.shape_cast %swap3A_213 : vector<1x16xf32> to vector<16xf32>
        %swap3A_215 = vector.shape_cast %get3A_210 : vector<16xf32> to vector<1x16xf32>
        tpu.vector_store %arg22[%swap3A_211, %swap3A_212], %swap3A_215 {add = true, strides = array<i32>} : memref<16x128xf32, #tpu.memory_space<vmem>>, vector<1x16xf32>,
        %get3A_216 = arith.index_cast %scan3A_197 : i32 to index
        %get3A_217 = arith.constant 32 : index
        %get3A_218 = tpu.vector_load %arg23[%get3A_216, %get3A_217] {strides = array<i32>} : memref<16x128xf32, #tpu.memory_space<vmem>>, vector<1x16xf32>,
        %get3A_219 = vector.shape_cast %get3A_218 : vector<1x16xf32> to vector<16xf32>
        %swap3A_220 = arith.index_cast %scan3A_197 : i32 to index
        %swap3A_221 = arith.constant 32 : index
        %swap3A_222 = tpu.vector_load %arg22[%swap3A_220, %swap3A_221] {strides = array<i32>} : memref<16x128xf32, #tpu.memory_space<vmem>>, vector<1x16xf32>,
        %swap3A_223 = vector.shape_cast %swap3A_222 : vector<1x16xf32> to vector<16xf32>
        %swap3A_224 = vector.shape_cast %get3A_219 : vector<16xf32> to vector<1x16xf32>
        tpu.vector_store %arg22[%swap3A_220, %swap3A_221], %swap3A_224 {add = true, strides = array<i32>} : memref<16x128xf32, #tpu.memory_space<vmem>>, vector<1x16xf32>,
        %get3A_225 = arith.index_cast %scan3A_197 : i32 to index
        %get3A_226 = arith.constant 48 : index
        %get3A_227 = tpu.vector_load %arg23[%get3A_225, %get3A_226] {strides = array<i32>} : memref<16x128xf32, #tpu.memory_space<vmem>>, vector<1x16xf32>,
        %get3A_228 = vector.shape_cast %get3A_227 : vector<1x16xf32> to vector<16xf32>
        %swap3A_229 = arith.index_cast %scan3A_197 : i32 to index
        %swap3A_230 = arith.constant 48 : index
        %swap3A_231 = tpu.vector_load %arg22[%swap3A_229, %swap3A_230] {strides = array<i32>} : memref<16x128xf32, #tpu.memory_space<vmem>>, vector<1x16xf32>,
        %swap3A_232 = vector.shape_cast %swap3A_231 : vector<1x16xf32> to vector<16xf32>
        %swap3A_233 = vector.shape_cast %get3A_228 : vector<16xf32> to vector<1x16xf32>
        tpu.vector_store %arg22[%swap3A_229, %swap3A_230], %swap3A_233 {add = true, strides = array<i32>} : memref<16x128xf32, #tpu.memory_space<vmem>>, vector<1x16xf32>,
        %get3A_234 = arith.index_cast %scan3A_197 : i32 to index
        %get3A_235 = arith.constant 64 : index
        %get3A_236 = tpu.vector_load %arg23[%get3A_234, %get3A_235] {strides = array<i32>} : memref<16x128xf32, #tpu.memory_space<vmem>>, vector<1x16xf32>,
        %get3A_237 = vector.shape_cast %get3A_236 : vector<1x16xf32> to vector<16xf32>
        %swap3A_238 = arith.index_cast %scan3A_197 : i32 to index
        %swap3A_239 = arith.constant 64 : index
        %swap3A_240 = tpu.vector_load %arg22[%swap3A_238, %swap3A_239] {strides = array<i32>} : memref<16x128xf32, #tpu.memory_space<vmem>>, vector<1x16xf32>,
        %swap3A_241 = vector.shape_cast %swap3A_240 : vector<1x16xf32> to vector<16xf32>
        %swap3A_242 = vector.shape_cast %get3A_237 : vector<16xf32> to vector<1x16xf32>
        tpu.vector_store %arg22[%swap3A_238, %swap3A_239], %swap3A_242 {add = true, strides = array<i32>} : memref<16x128xf32, #tpu.memory_space<vmem>>, vector<1x16xf32>,
        %get3A_243 = arith.index_cast %scan3A_197 : i32 to index
        %get3A_244 = arith.constant 80 : index
        %get3A_245 = tpu.vector_load %arg23[%get3A_243, %get3A_244] {strides = array<i32>} : memref<16x128xf32, #tpu.memory_space<vmem>>, vector<1x16xf32>,
        %get3A_246 = vector.shape_cast %get3A_245 : vector<1x16xf32> to vector<16xf32>
        %swap3A_247 = arith.index_cast %scan3A_197 : i32 to index
        %swap3A_248 = arith.constant 80 : index
        %swap3A_249 = tpu.vector_load %arg22[%swap3A_247, %swap3A_248] {strides = array<i32>} : memref<16x128xf32, #tpu.memory_space<vmem>>, vector<1x16xf32>,
        %swap3A_250 = vector.shape_cast %swap3A_249 : vector<1x16xf32> to vector<16xf32>
        %swap3A_251 = vector.shape_cast %get3A_246 : vector<16xf32> to vector<1x16xf32>
        tpu.vector_store %arg22[%swap3A_247, %swap3A_248], %swap3A_251 {add = true, strides = array<i32>} : memref<16x128xf32, #tpu.memory_space<vmem>>, vector<1x16xf32>,
        %get3A_252 = arith.index_cast %scan3A_197 : i32 to index
        %get3A_253 = arith.constant 96 : index
        %get3A_254 = tpu.vector_load %arg23[%get3A_252, %get3A_253] {strides = array<i32>} : memref<16x128xf32, #tpu.memory_space<vmem>>, vector<1x16xf32>,
        %get3A_255 = vector.shape_cast %get3A_254 : vector<1x16xf32> to vector<16xf32>
        %swap3A_256 = arith.index_cast %scan3A_197 : i32 to index
        %swap3A_257 = arith.constant 96 : index
        %swap3A_258 = tpu.vector_load %arg22[%swap3A_256, %swap3A_257] {strides = array<i32>} : memref<16x128xf32, #tpu.memory_space<vmem>>, vector<1x16xf32>,
        %swap3A_259 = vector.shape_cast %swap3A_258 : vector<1x16xf32> to vector<16xf32>
        %swap3A_260 = vector.shape_cast %get3A_255 : vector<16xf32> to vector<1x16xf32>
        tpu.vector_store %arg22[%swap3A_256, %swap3A_257], %swap3A_260 {add = true, strides = array<i32>} : memref<16x128xf32, #tpu.memory_space<vmem>>, vector<1x16xf32>,
        %get3A_261 = arith.index_cast %scan3A_197 : i32 to index
        %get3A_262 = arith.constant 112 : index
        %get3A_263 = tpu.vector_load %arg23[%get3A_261, %get3A_262] {strides = array<i32>} : memref<16x128xf32, #tpu.memory_space<vmem>>, vector<1x16xf32>,
        %get3A_264 = vector.shape_cast %get3A_263 : vector<1x16xf32> to vector<16xf32>
        %swap3A_265 = arith.index_cast %scan3A_197 : i32 to index
        %swap3A_266 = arith.constant 112 : index
        %swap3A_267 = tpu.vector_load %arg22[%swap3A_265, %swap3A_266] {strides = array<i32>} : memref<16x128xf32, #tpu.memory_space<vmem>>, vector<1x16xf32>,
        %swap3A_268 = vector.shape_cast %swap3A_267 : vector<1x16xf32> to vector<16xf32>
        %swap3A_269 = vector.shape_cast %get3A_264 : vector<16xf32> to vector<1x16xf32>
        tpu.vector_store %arg22[%swap3A_265, %swap3A_266], %swap3A_269 {add = true, strides = array<i32>} : memref<16x128xf32, #tpu.memory_space<vmem>>, vector<1x16xf32>,
      }
      %scan3A_176 = arith.constant 16 : i32
      %add3A_177 = arith.constant 3 : i32
      %add3A_178 = arith.addi %arg1, %add3A_177 : i32
      "tpu.region"() ({
        %run_scoped3A_197 = tpu.sem_alloc : memref<!tpu.dma_semaphore, #tpu.memory_space<semaphore_mem>>
        %dma_start3A_198 = arith.constant 0 : i32
        %dma_start3A_199 = arith.constant 0 : i32
        %dma_start3A_200 = tpu.memref_slice %arg24[%add3A_178, %dma_start3A_198, %dma_start3A_199] : memref<16x16x128xf32, #tpu.memory_space<vmem_shared>> -> memref<1x16x128xf32, #tpu.memory_space<vmem_shared>>
        %dma_start3A_201 = tpu.memref_squeeze %dma_start3A_200 : memref<1x16x128xf32, #tpu.memory_space<vmem_shared>> -> memref<16x128xf32, #tpu.memory_space<vmem_shared>>
        %dma_start3A_202 = arith.constant 0 : i32
        %dma_start3A_203 = arith.constant 0 : i32
        %dma_start3A_204 = tpu.memref_slice %arg24[%add3A_178, %dma_start3A_202, %dma_start3A_203] : memref<16x16x128xf32, #tpu.memory_space<vmem_shared>> -> memref<1x16x128xf32, #tpu.memory_space<vmem_shared>>
        %dma_start3A_205 = tpu.memref_squeeze %dma_start3A_204 : memref<1x16x128xf32, #tpu.memory_space<vmem_shared>> -> memref<16x128xf32, #tpu.memory_space<vmem_shared>>
        tpu.enqueue_dma source(%dma_start3A_205 : memref<16x128xf32, #tpu.memory_space<vmem_shared>>) target(%arg23 : memref<16x128xf32, #tpu.memory_space<vmem>>) target_semaphore(%run_scoped3A_197 : memref<!tpu.dma_semaphore, #tpu.memory_space<semaphore_mem>>)
        %dma_wait3A_206 = arith.constant 0 : i32
        %dma_wait3A_207 = arith.constant 0 : i32
        %dma_wait3A_208 = tpu.memref_slice %arg24[%add3A_178, %dma_wait3A_206, %dma_wait3A_207] : memref<16x16x128xf32, #tpu.memory_space<vmem_shared>> -> memref<1x16x128xf32, #tpu.memory_space<vmem_shared>>
        %dma_wait3A_209 = tpu.memref_squeeze %dma_wait3A_208 : memref<1x16x128xf32, #tpu.memory_space<vmem_shared>> -> memref<16x128xf32, #tpu.memory_space<vmem_shared>>
        %dma_wait3A_210 = arith.constant 0 : i32
        %dma_wait3A_211 = arith.constant 0 : i32
        %dma_wait3A_212 = tpu.memref_slice %arg24[%add3A_178, %dma_wait3A_210, %dma_wait3A_211] : memref<16x16x128xf32, #tpu.memory_space<vmem_shared>> -> memref<1x16x128xf32, #tpu.memory_space<vmem_shared>>
        %dma_wait3A_213 = tpu.memref_squeeze %dma_wait3A_212 : memref<1x16x128xf32, #tpu.memory_space<vmem_shared>> -> memref<16x128xf32, #tpu.memory_space<vmem_shared>>
        tpu.wait_dma2 semaphore(%run_scoped3A_197 : memref<!tpu.dma_semaphore, #tpu.memory_space<semaphore_mem>>) src(%dma_wait3A_213 : memref<16x128xf32, #tpu.memory_space<vmem_shared>>) dst(%arg23 : memref<16x128xf32, #tpu.memory_space<vmem>>)
        tpu.yield
      }) : () -> ()
      %scan3A_179 = arith.constant 0 : i32
      %scan3A_180 = arith.constant 0 : i32
      %scan3A_181 = arith.constant 16 : i32
      %scan3A_182 = arith.addi %scan3A_180, %scan3A_181 : i32
      %scan3A_183 = arith.constant 1 : i32
      scf.for %scan3A_197 = %scan3A_180 to %scan3A_182 step %scan3A_183  : i32 {
        %get3A_198 = arith.index_cast %scan3A_197 : i32 to index
        %get3A_199 = arith.constant 0 : index
        %get3A_200 = tpu.vector_load %arg23[%get3A_198, %get3A_199] {strides = array<i32>} : memref<16x128xf32, #tpu.memory_space<vmem>>, vector<1x16xf32>,
        %get3A_201 = vector.shape_cast %get3A_200 : vector<1x16xf32> to vector<16xf32>
        %swap3A_202 = arith.index_cast %scan3A_197 : i32 to index
        %swap3A_203 = arith.constant 0 : index
        %swap3A_204 = tpu.vector_load %arg21[%swap3A_202, %swap3A_203] {strides = array<i32>} : memref<16x128xf32, #tpu.memory_space<vmem>>, vector<1x16xf32>,
        %swap3A_205 = vector.shape_cast %swap3A_204 : vector<1x16xf32> to vector<16xf32>
        %swap3A_206 = vector.shape_cast %get3A_201 : vector<16xf32> to vector<1x16xf32>
        tpu.vector_store %arg21[%swap3A_202, %swap3A_203], %swap3A_206 {add = true, strides = array<i32>} : memref<16x128xf32, #tpu.memory_space<vmem>>, vector<1x16xf32>,
        %get3A_207 = arith.index_cast %scan3A_197 : i32 to index
        %get3A_208 = arith.constant 16 : index
        %get3A_209 = tpu.vector_load %arg23[%get3A_207, %get3A_208] {strides = array<i32>} : memref<16x128xf32, #tpu.memory_space<vmem>>, vector<1x16xf32>,
        %get3A_210 = vector.shape_cast %get3A_209 : vector<1x16xf32> to vector<16xf32>
        %swap3A_211 = arith.index_cast %scan3A_197 : i32 to index
        %swap3A_212 = arith.constant 16 : index
        %swap3A_213 = tpu.vector_load %arg21[%swap3A_211, %swap3A_212] {strides = array<i32>} : memref<16x128xf32, #tpu.memory_space<vmem>>, vector<1x16xf32>,
        %swap3A_214 = vector.shape_cast %swap3A_213 : vector<1x16xf32> to vector<16xf32>
        %swap3A_215 = vector.shape_cast %get3A_210 : vector<16xf32> to vector<1x16xf32>
        tpu.vector_store %arg21[%swap3A_211, %swap3A_212], %swap3A_215 {add = true, strides = array<i32>} : memref<16x128xf32, #tpu.memory_space<vmem>>, vector<1x16xf32>,
        %get3A_216 = arith.index_cast %scan3A_197 : i32 to index
        %get3A_217 = arith.constant 32 : index
        %get3A_218 = tpu.vector_load %arg23[%get3A_216, %get3A_217] {strides = array<i32>} : memref<16x128xf32, #tpu.memory_space<vmem>>, vector<1x16xf32>,
        %get3A_219 = vector.shape_cast %get3A_218 : vector<1x16xf32> to vector<16xf32>
        %swap3A_220 = arith.index_cast %scan3A_197 : i32 to index
        %swap3A_221 = arith.constant 32 : index
        %swap3A_222 = tpu.vector_load %arg21[%swap3A_220, %swap3A_221] {strides = array<i32>} : memref<16x128xf32, #tpu.memory_space<vmem>>, vector<1x16xf32>,
        %swap3A_223 = vector.shape_cast %swap3A_222 : vector<1x16xf32> to vector<16xf32>
        %swap3A_224 = vector.shape_cast %get3A_219 : vector<16xf32> to vector<1x16xf32>
        tpu.vector_store %arg21[%swap3A_220, %swap3A_221], %swap3A_224 {add = true, strides = array<i32>} : memref<16x128xf32, #tpu.memory_space<vmem>>, vector<1x16xf32>,
        %get3A_225 = arith.index_cast %scan3A_197 : i32 to index
        %get3A_226 = arith.constant 48 : index
        %get3A_227 = tpu.vector_load %arg23[%get3A_225, %get3A_226] {strides = array<i32>} : memref<16x128xf32, #tpu.memory_space<vmem>>, vector<1x16xf32>,
        %get3A_228 = vector.shape_cast %get3A_227 : vector<1x16xf32> to vector<16xf32>
        %swap3A_229 = arith.index_cast %scan3A_197 : i32 to index
        %swap3A_230 = arith.constant 48 : index
        %swap3A_231 = tpu.vector_load %arg21[%swap3A_229, %swap3A_230] {strides = array<i32>} : memref<16x128xf32, #tpu.memory_space<vmem>>, vector<1x16xf32>,
        %swap3A_232 = vector.shape_cast %swap3A_231 : vector<1x16xf32> to vector<16xf32>
        %swap3A_233 = vector.shape_cast %get3A_228 : vector<16xf32> to vector<1x16xf32>
        tpu.vector_store %arg21[%swap3A_229, %swap3A_230], %swap3A_233 {add = true, strides = array<i32>} : memref<16x128xf32, #tpu.memory_space<vmem>>, vector<1x16xf32>,
        %get3A_234 = arith.index_cast %scan3A_197 : i32 to index
        %get3A_235 = arith.constant 64 : index
        %get3A_236 = tpu.vector_load %arg23[%get3A_234, %get3A_235] {strides = array<i32>} : memref<16x128xf32, #tpu.memory_space<vmem>>, vector<1x16xf32>,
        %get3A_237 = vector.shape_cast %get3A_236 : vector<1x16xf32> to vector<16xf32>
        %swap3A_238 = arith.index_cast %scan3A_197 : i32 to index
        %swap3A_239 = arith.constant 64 : index
        %swap3A_240 = tpu.vector_load %arg21[%swap3A_238, %swap3A_239] {strides = array<i32>} : memref<16x128xf32, #tpu.memory_space<vmem>>, vector<1x16xf32>,
        %swap3A_241 = vector.shape_cast %swap3A_240 : vector<1x16xf32> to vector<16xf32>
        %swap3A_242 = vector.shape_cast %get3A_237 : vector<16xf32> to vector<1x16xf32>
        tpu.vector_store %arg21[%swap3A_238, %swap3A_239], %swap3A_242 {add = true, strides = array<i32>} : memref<16x128xf32, #tpu.memory_space<vmem>>, vector<1x16xf32>,
        %get3A_243 = arith.index_cast %scan3A_197 : i32 to index
        %get3A_244 = arith.constant 80 : index
        %get3A_245 = tpu.vector_load %arg23[%get3A_243, %get3A_244] {strides = array<i32>} : memref<16x128xf32, #tpu.memory_space<vmem>>, vector<1x16xf32>,
        %get3A_246 = vector.shape_cast %get3A_245 : vector<1x16xf32> to vector<16xf32>
        %swap3A_247 = arith.index_cast %scan3A_197 : i32 to index
        %swap3A_248 = arith.constant 80 : index
        %swap3A_249 = tpu.vector_load %arg21[%swap3A_247, %swap3A_248] {strides = array<i32>} : memref<16x128xf32, #tpu.memory_space<vmem>>, vector<1x16xf32>,
        %swap3A_250 = vector.shape_cast %swap3A_249 : vector<1x16xf32> to vector<16xf32>
        %swap3A_251 = vector.shape_cast %get3A_246 : vector<16xf32> to vector<1x16xf32>
        tpu.vector_store %arg21[%swap3A_247, %swap3A_248], %swap3A_251 {add = true, strides = array<i32>} : memref<16x128xf32, #tpu.memory_space<vmem>>, vector<1x16xf32>,
        %get3A_252 = arith.index_cast %scan3A_197 : i32 to index
        %get3A_253 = arith.constant 96 : index
        %get3A_254 = tpu.vector_load %arg23[%get3A_252, %get3A_253] {strides = array<i32>} : memref<16x128xf32, #tpu.memory_space<vmem>>, vector<1x16xf32>,
        %get3A_255 = vector.shape_cast %get3A_254 : vector<1x16xf32> to vector<16xf32>
        %swap3A_256 = arith.index_cast %scan3A_197 : i32 to index
        %swap3A_257 = arith.constant 96 : index
        %swap3A_258 = tpu.vector_load %arg21[%swap3A_256, %swap3A_257] {strides = array<i32>} : memref<16x128xf32, #tpu.memory_space<vmem>>, vector<1x16xf32>,
        %swap3A_259 = vector.shape_cast %swap3A_258 : vector<1x16xf32> to vector<16xf32>
        %swap3A_260 = vector.shape_cast %get3A_255 : vector<16xf32> to vector<1x16xf32>
        tpu.vector_store %arg21[%swap3A_256, %swap3A_257], %swap3A_260 {add = true, strides = array<i32>} : memref<16x128xf32, #tpu.memory_space<vmem>>, vector<1x16xf32>,
        %get3A_261 = arith.index_cast %scan3A_197 : i32 to index
        %get3A_262 = arith.constant 112 : index
        %get3A_263 = tpu.vector_load %arg23[%get3A_261, %get3A_262] {strides = array<i32>} : memref<16x128xf32, #tpu.memory_space<vmem>>, vector<1x16xf32>,
        %get3A_264 = vector.shape_cast %get3A_263 : vector<1x16xf32> to vector<16xf32>
        %swap3A_265 = arith.index_cast %scan3A_197 : i32 to index
        %swap3A_266 = arith.constant 112 : index
        %swap3A_267 = tpu.vector_load %arg21[%swap3A_265, %swap3A_266] {strides = array<i32>} : memref<16x128xf32, #tpu.memory_space<vmem>>, vector<1x16xf32>,
        %swap3A_268 = vector.shape_cast %swap3A_267 : vector<1x16xf32> to vector<16xf32>
        %swap3A_269 = vector.shape_cast %get3A_264 : vector<16xf32> to vector<1x16xf32>
        tpu.vector_store %arg21[%swap3A_265, %swap3A_266], %swap3A_269 {add = true, strides = array<i32>} : memref<16x128xf32, #tpu.memory_space<vmem>>, vector<1x16xf32>,
      }
      %scan3A_184 = arith.constant 16 : i32
      %add3A_185 = arith.constant 3 : i32
      %add3A_186 = arith.addi %arg1, %add3A_185 : i32
      "tpu.region"() ({
        %run_scoped3A_197 = tpu.sem_alloc : memref<!tpu.dma_semaphore, #tpu.memory_space<semaphore_mem>>
        %dma_start3A_198 = arith.constant 0 : i32
        %dma_start3A_199 = arith.constant 0 : i32
        %dma_start3A_200 = tpu.memref_slice %arg25[%add3A_186, %dma_start3A_198, %dma_start3A_199] : memref<16x16x128xf32, #tpu.memory_space<vmem_shared>> -> memref<1x16x128xf32, #tpu.memory_space<vmem_shared>>
        %dma_start3A_201 = tpu.memref_squeeze %dma_start3A_200 : memref<1x16x128xf32, #tpu.memory_space<vmem_shared>> -> memref<16x128xf32, #tpu.memory_space<vmem_shared>>
        %dma_start3A_202 = arith.constant 0 : i32
        %dma_start3A_203 = arith.constant 0 : i32
        %dma_start3A_204 = tpu.memref_slice %arg25[%add3A_186, %dma_start3A_202, %dma_start3A_203] : memref<16x16x128xf32, #tpu.memory_space<vmem_shared>> -> memref<1x16x128xf32, #tpu.memory_space<vmem_shared>>
        %dma_start3A_205 = tpu.memref_squeeze %dma_start3A_204 : memref<1x16x128xf32, #tpu.memory_space<vmem_shared>> -> memref<16x128xf32, #tpu.memory_space<vmem_shared>>
        tpu.enqueue_dma source(%dma_start3A_205 : memref<16x128xf32, #tpu.memory_space<vmem_shared>>) target(%arg23 : memref<16x128xf32, #tpu.memory_space<vmem>>) target_semaphore(%run_scoped3A_197 : memref<!tpu.dma_semaphore, #tpu.memory_space<semaphore_mem>>)
        %dma_wait3A_206 = arith.constant 0 : i32
        %dma_wait3A_207 = arith.constant 0 : i32
        %dma_wait3A_208 = tpu.memref_slice %arg25[%add3A_186, %dma_wait3A_206, %dma_wait3A_207] : memref<16x16x128xf32, #tpu.memory_space<vmem_shared>> -> memref<1x16x128xf32, #tpu.memory_space<vmem_shared>>
        %dma_wait3A_209 = tpu.memref_squeeze %dma_wait3A_208 : memref<1x16x128xf32, #tpu.memory_space<vmem_shared>> -> memref<16x128xf32, #tpu.memory_space<vmem_shared>>
        %dma_wait3A_210 = arith.constant 0 : i32
        %dma_wait3A_211 = arith.constant 0 : i32
        %dma_wait3A_212 = tpu.memref_slice %arg25[%add3A_186, %dma_wait3A_210, %dma_wait3A_211] : memref<16x16x128xf32, #tpu.memory_space<vmem_shared>> -> memref<1x16x128xf32, #tpu.memory_space<vmem_shared>>
        %dma_wait3A_213 = tpu.memref_squeeze %dma_wait3A_212 : memref<1x16x128xf32, #tpu.memory_space<vmem_shared>> -> memref<16x128xf32, #tpu.memory_space<vmem_shared>>
        tpu.wait_dma2 semaphore(%run_scoped3A_197 : memref<!tpu.dma_semaphore, #tpu.memory_space<semaphore_mem>>) src(%dma_wait3A_213 : memref<16x128xf32, #tpu.memory_space<vmem_shared>>) dst(%arg23 : memref<16x128xf32, #tpu.memory_space<vmem>>)
        tpu.yield
      }) : () -> ()
      %scan3A_187 = arith.constant 0 : i32
      %scan3A_188 = arith.constant 0 : i32
      %scan3A_189 = arith.constant 16 : i32
      %scan3A_190 = arith.addi %scan3A_188, %scan3A_189 : i32
      %scan3A_191 = arith.constant 1 : i32
      scf.for %scan3A_197 = %scan3A_188 to %scan3A_190 step %scan3A_191  : i32 {
        %get3A_198 = arith.index_cast %scan3A_197 : i32 to index
        %get3A_199 = arith.constant 0 : index
        %get3A_200 = tpu.vector_load %arg23[%get3A_198, %get3A_199] {strides = array<i32>} : memref<16x128xf32, #tpu.memory_space<vmem>>, vector<1x16xf32>,
        %get3A_201 = vector.shape_cast %get3A_200 : vector<1x16xf32> to vector<16xf32>
        %swap3A_202 = arith.index_cast %scan3A_197 : i32 to index
        %swap3A_203 = arith.constant 0 : index
        %swap3A_204 = tpu.vector_load %arg22[%swap3A_202, %swap3A_203] {strides = array<i32>} : memref<16x128xf32, #tpu.memory_space<vmem>>, vector<1x16xf32>,
        %swap3A_205 = vector.shape_cast %swap3A_204 : vector<1x16xf32> to vector<16xf32>
        %swap3A_206 = vector.shape_cast %get3A_201 : vector<16xf32> to vector<1x16xf32>
        tpu.vector_store %arg22[%swap3A_202, %swap3A_203], %swap3A_206 {add = true, strides = array<i32>} : memref<16x128xf32, #tpu.memory_space<vmem>>, vector<1x16xf32>,
        %get3A_207 = arith.index_cast %scan3A_197 : i32 to index
        %get3A_208 = arith.constant 16 : index
        %get3A_209 = tpu.vector_load %arg23[%get3A_207, %get3A_208] {strides = array<i32>} : memref<16x128xf32, #tpu.memory_space<vmem>>, vector<1x16xf32>,
        %get3A_210 = vector.shape_cast %get3A_209 : vector<1x16xf32> to vector<16xf32>
        %swap3A_211 = arith.index_cast %scan3A_197 : i32 to index
        %swap3A_212 = arith.constant 16 : index
        %swap3A_213 = tpu.vector_load %arg22[%swap3A_211, %swap3A_212] {strides = array<i32>} : memref<16x128xf32, #tpu.memory_space<vmem>>, vector<1x16xf32>,
        %swap3A_214 = vector.shape_cast %swap3A_213 : vector<1x16xf32> to vector<16xf32>
        %swap3A_215 = vector.shape_cast %get3A_210 : vector<16xf32> to vector<1x16xf32>
        tpu.vector_store %arg22[%swap3A_211, %swap3A_212], %swap3A_215 {add = true, strides = array<i32>} : memref<16x128xf32, #tpu.memory_space<vmem>>, vector<1x16xf32>,
        %get3A_216 = arith.index_cast %scan3A_197 : i32 to index
        %get3A_217 = arith.constant 32 : index
        %get3A_218 = tpu.vector_load %arg23[%get3A_216, %get3A_217] {strides = array<i32>} : memref<16x128xf32, #tpu.memory_space<vmem>>, vector<1x16xf32>,
        %get3A_219 = vector.shape_cast %get3A_218 : vector<1x16xf32> to vector<16xf32>
        %swap3A_220 = arith.index_cast %scan3A_197 : i32 to index
        %swap3A_221 = arith.constant 32 : index
        %swap3A_222 = tpu.vector_load %arg22[%swap3A_220, %swap3A_221] {strides = array<i32>} : memref<16x128xf32, #tpu.memory_space<vmem>>, vector<1x16xf32>,
        %swap3A_223 = vector.shape_cast %swap3A_222 : vector<1x16xf32> to vector<16xf32>
        %swap3A_224 = vector.shape_cast %get3A_219 : vector<16xf32> to vector<1x16xf32>
        tpu.vector_store %arg22[%swap3A_220, %swap3A_221], %swap3A_224 {add = true, strides = array<i32>} : memref<16x128xf32, #tpu.memory_space<vmem>>, vector<1x16xf32>,
        %get3A_225 = arith.index_cast %scan3A_197 : i32 to index
        %get3A_226 = arith.constant 48 : index
        %get3A_227 = tpu.vector_load %arg23[%get3A_225, %get3A_226] {strides = array<i32>} : memref<16x128xf32, #tpu.memory_space<vmem>>, vector<1x16xf32>,
        %get3A_228 = vector.shape_cast %get3A_227 : vector<1x16xf32> to vector<16xf32>
        %swap3A_229 = arith.index_cast %scan3A_197 : i32 to index
        %swap3A_230 = arith.constant 48 : index
        %swap3A_231 = tpu.vector_load %arg22[%swap3A_229, %swap3A_230] {strides = array<i32>} : memref<16x128xf32, #tpu.memory_space<vmem>>, vector<1x16xf32>,
        %swap3A_232 = vector.shape_cast %swap3A_231 : vector<1x16xf32> to vector<16xf32>
        %swap3A_233 = vector.shape_cast %get3A_228 : vector<16xf32> to vector<1x16xf32>
        tpu.vector_store %arg22[%swap3A_229, %swap3A_230], %swap3A_233 {add = true, strides = array<i32>} : memref<16x128xf32, #tpu.memory_space<vmem>>, vector<1x16xf32>,
        %get3A_234 = arith.index_cast %scan3A_197 : i32 to index
        %get3A_235 = arith.constant 64 : index
        %get3A_236 = tpu.vector_load %arg23[%get3A_234, %get3A_235] {strides = array<i32>} : memref<16x128xf32, #tpu.memory_space<vmem>>, vector<1x16xf32>,
        %get3A_237 = vector.shape_cast %get3A_236 : vector<1x16xf32> to vector<16xf32>
        %swap3A_238 = arith.index_cast %scan3A_197 : i32 to index
        %swap3A_239 = arith.constant 64 : index
        %swap3A_240 = tpu.vector_load %arg22[%swap3A_238, %swap3A_239] {strides = array<i32>} : memref<16x128xf32, #tpu.memory_space<vmem>>, vector<1x16xf32>,
        %swap3A_241 = vector.shape_cast %swap3A_240 : vector<1x16xf32> to vector<16xf32>
        %swap3A_242 = vector.shape_cast %get3A_237 : vector<16xf32> to vector<1x16xf32>
        tpu.vector_store %arg22[%swap3A_238, %swap3A_239], %swap3A_242 {add = true, strides = array<i32>} : memref<16x128xf32, #tpu.memory_space<vmem>>, vector<1x16xf32>,
        %get3A_243 = arith.index_cast %scan3A_197 : i32 to index
        %get3A_244 = arith.constant 80 : index
        %get3A_245 = tpu.vector_load %arg23[%get3A_243, %get3A_244] {strides = array<i32>} : memref<16x128xf32, #tpu.memory_space<vmem>>, vector<1x16xf32>,
        %get3A_246 = vector.shape_cast %get3A_245 : vector<1x16xf32> to vector<16xf32>
        %swap3A_247 = arith.index_cast %scan3A_197 : i32 to index
        %swap3A_248 = arith.constant 80 : index
        %swap3A_249 = tpu.vector_load %arg22[%swap3A_247, %swap3A_248] {strides = array<i32>} : memref<16x128xf32, #tpu.memory_space<vmem>>, vector<1x16xf32>,
        %swap3A_250 = vector.shape_cast %swap3A_249 : vector<1x16xf32> to vector<16xf32>
        %swap3A_251 = vector.shape_cast %get3A_246 : vector<16xf32> to vector<1x16xf32>
        tpu.vector_store %arg22[%swap3A_247, %swap3A_248], %swap3A_251 {add = true, strides = array<i32>} : memref<16x128xf32, #tpu.memory_space<vmem>>, vector<1x16xf32>,
        %get3A_252 = arith.index_cast %scan3A_197 : i32 to index
        %get3A_253 = arith.constant 96 : index
        %get3A_254 = tpu.vector_load %arg23[%get3A_252, %get3A_253] {strides = array<i32>} : memref<16x128xf32, #tpu.memory_space<vmem>>, vector<1x16xf32>,
        %get3A_255 = vector.shape_cast %get3A_254 : vector<1x16xf32> to vector<16xf32>
        %swap3A_256 = arith.index_cast %scan3A_197 : i32 to index
        %swap3A_257 = arith.constant 96 : index
        %swap3A_258 = tpu.vector_load %arg22[%swap3A_256, %swap3A_257] {strides = array<i32>} : memref<16x128xf32, #tpu.memory_space<vmem>>, vector<1x16xf32>,
        %swap3A_259 = vector.shape_cast %swap3A_258 : vector<1x16xf32> to vector<16xf32>
        %swap3A_260 = vector.shape_cast %get3A_255 : vector<16xf32> to vector<1x16xf32>
        tpu.vector_store %arg22[%swap3A_256, %swap3A_257], %swap3A_260 {add = true, strides = array<i32>} : memref<16x128xf32, #tpu.memory_space<vmem>>, vector<1x16xf32>,
        %get3A_261 = arith.index_cast %scan3A_197 : i32 to index
        %get3A_262 = arith.constant 112 : index
        %get3A_263 = tpu.vector_load %arg23[%get3A_261, %get3A_262] {strides = array<i32>} : memref<16x128xf32, #tpu.memory_space<vmem>>, vector<1x16xf32>,
        %get3A_264 = vector.shape_cast %get3A_263 : vector<1x16xf32> to vector<16xf32>
        %swap3A_265 = arith.index_cast %scan3A_197 : i32 to index
        %swap3A_266 = arith.constant 112 : index
        %swap3A_267 = tpu.vector_load %arg22[%swap3A_265, %swap3A_266] {strides = array<i32>} : memref<16x128xf32, #tpu.memory_space<vmem>>, vector<1x16xf32>,
        %swap3A_268 = vector.shape_cast %swap3A_267 : vector<1x16xf32> to vector<16xf32>
        %swap3A_269 = vector.shape_cast %get3A_264 : vector<16xf32> to vector<1x16xf32>
        tpu.vector_store %arg22[%swap3A_265, %swap3A_266], %swap3A_269 {add = true, strides = array<i32>} : memref<16x128xf32, #tpu.memory_space<vmem>>, vector<1x16xf32>,
      }
      %scan3A_192 = arith.constant 16 : i32
      %mul3A_193 = arith.constant 16 : i32
      %mul3A_194 = arith.muli %select_n3A, %mul3A_193 : i32
      "tpu.region"() ({
        %run_scoped3A_197 = tpu.sem_alloc : memref<!tpu.dma_semaphore, #tpu.memory_space<semaphore_mem>>
        %dma_start3A_198 = arith.constant 0 : i32
        %dma_start3A_199 = tpu.memref_slice %arg10[%mul3A_194, %dma_start3A_198] : memref<128x128xf32, #tpu.memory_space<hbm>> -> memref<16x128xf32, #tpu.memory_space<hbm>>
        %dma_start3A_200 = arith.constant 0 : i32
        %dma_start3A_201 = tpu.memref_slice %arg10[%mul3A_194, %dma_start3A_200] : memref<128x128xf32, #tpu.memory_space<hbm>> -> memref<16x128xf32, #tpu.memory_space<hbm>>
        tpu.enqueue_dma source(%arg21 : memref<16x128xf32, #tpu.memory_space<vmem>>) target(%dma_start3A_201 : memref<16x128xf32, #tpu.memory_space<hbm>>) target_semaphore(%run_scoped3A_197 : memref<!tpu.dma_semaphore, #tpu.memory_space<semaphore_mem>>)
        %dma_wait3A_202 = arith.constant 0 : i32
        %dma_wait3A_203 = tpu.memref_slice %arg10[%mul3A_194, %dma_wait3A_202] : memref<128x128xf32, #tpu.memory_space<hbm>> -> memref<16x128xf32, #tpu.memory_space<hbm>>
        %dma_wait3A_204 = arith.constant 0 : i32
        %dma_wait3A_205 = tpu.memref_slice %arg10[%mul3A_194, %dma_wait3A_204] : memref<128x128xf32, #tpu.memory_space<hbm>> -> memref<16x128xf32, #tpu.memory_space<hbm>>
        tpu.wait_dma2 semaphore(%run_scoped3A_197 : memref<!tpu.dma_semaphore, #tpu.memory_space<semaphore_mem>>) src(%arg21 : memref<16x128xf32, #tpu.memory_space<vmem>>) dst(%dma_wait3A_205 : memref<16x128xf32, #tpu.memory_space<hbm>>)
        tpu.yield
      }) : () -> ()
      %mul3A_195 = arith.constant 16 : i32
      %mul3A_196 = arith.muli %select_n3A, %mul3A_195 : i32
      "tpu.region"() ({
        %run_scoped3A_197 = tpu.sem_alloc : memref<!tpu.dma_semaphore, #tpu.memory_space<semaphore_mem>>
        %dma_start3A_198 = arith.constant 0 : i32
        %dma_start3A_199 = tpu.memref_slice %arg11[%mul3A_196, %dma_start3A_198] : memref<128x128xf32, #tpu.memory_space<hbm>> -> memref<16x128xf32, #tpu.memory_space<hbm>>
        %dma_start3A_200 = arith.constant 0 : i32
        %dma_start3A_201 = tpu.memref_slice %arg11[%mul3A_196, %dma_start3A_200] : memref<128x128xf32, #tpu.memory_space<hbm>> -> memref<16x128xf32, #tpu.memory_space<hbm>>
        tpu.enqueue_dma source(%arg22 : memref<16x128xf32, #tpu.memory_space<vmem>>) target(%dma_start3A_201 : memref<16x128xf32, #tpu.memory_space<hbm>>) target_semaphore(%run_scoped3A_197 : memref<!tpu.dma_semaphore, #tpu.memory_space<semaphore_mem>>)
        %dma_wait3A_202 = arith.constant 0 : i32
        %dma_wait3A_203 = tpu.memref_slice %arg11[%mul3A_196, %dma_wait3A_202] : memref<128x128xf32, #tpu.memory_space<hbm>> -> memref<16x128xf32, #tpu.memory_space<hbm>>
        %dma_wait3A_204 = arith.constant 0 : i32
        %dma_wait3A_205 = tpu.memref_slice %arg11[%mul3A_196, %dma_wait3A_204] : memref<128x128xf32, #tpu.memory_space<hbm>> -> memref<16x128xf32, #tpu.memory_space<hbm>>
        tpu.wait_dma2 semaphore(%run_scoped3A_197 : memref<!tpu.dma_semaphore, #tpu.memory_space<semaphore_mem>>) src(%arg22 : memref<16x128xf32, #tpu.memory_space<vmem>>) dst(%dma_wait3A_205 : memref<16x128xf32, #tpu.memory_space<hbm>>)
        tpu.yield
      }) : () -> ()
    } else {
    }
    return
  }
}

module attributes {stable_mosaic.version = 14 : i64} {
  func.func @_tc_body(%arg0: i32, %arg1: memref<16xi32, #tpu.memory_space<smem>>, %arg2: memref<1x4096x128xf32, #tpu.memory_space<vmem>>, %arg3: memref<1x4096x128xf32, #tpu.memory_space<vmem>>, %arg4: memref<1x4096x128xbf16, #tpu.memory_space<vmem>>, %arg5: memref<1x4096x128xbf16, #tpu.memory_space<vmem>>, %arg6: memref<4096x1xf32, #tpu.memory_space<vmem>>) attributes {dimension_semantics = [#tpu.dimension_semantics<arbitrary>], iteration_bounds = array<i64: 64>, scalar_prefetch = 0 : i64, scratch_operands = 1 : i64, tpu.core_type = #tpu.core_type<tc>, window_params = [{transform_indices = @transform_0, window_bounds = array<i64: 16>}, {transform_indices = @transform_1, window_bounds = array<i64: 1, 4096, 128>}, {transform_indices = @transform_2, window_bounds = array<i64: 1, 4096, 128>}, {transform_indices = @transform_3, window_bounds = array<i64: 1, 4096, 128>}, {transform_indices = @transform_4, window_bounds = array<i64: 1, 4096, 128>}]} {
    %eq3A = arith.constant 0 : i32
    %eq3A_0 = arith.cmpi eq, %arg0, %eq3A : i32
    %convert_element_type3A = arith.extui %eq3A_0 : i1 to i32
    %cond3A = arith.constant 0 : i32
    %cond3A_1 = arith.cmpi ne, %convert_element_type3A, %cond3A : i32
    scf.if %cond3A_1 {
      %iota3A = tpu.iota {dimensions = array<i32: 0>} : vector<4096x1xi32>
      %broadcast_in_dim3A = arith.constant 1.000000e+00 : f32
      %broadcast_in_dim3A_30 = vector.broadcast %broadcast_in_dim3A : f32 to vector<4096x1xf32>
      %get3A_31 = arith.constant 0 : index
      %get3A_32 = memref.load %arg1[%get3A_31] : memref<16xi32, #tpu.memory_space<smem>>
      %eq3A_33 = vector.broadcast %get3A_32 : i32 to vector<4096x1xi32>
      %eq3A_34 = arith.cmpi eq, %iota3A, %eq3A_33 : vector<4096x1xi32>
      %jit3A = arith.constant 0.000000e+00 : f32
      %broadcast_in_dim3A_35 = vector.broadcast %jit3A : f32 to vector<4096x1xf32>
      %select_n3A = arith.select %eq3A_34, %broadcast_in_dim3A_35, %broadcast_in_dim3A_30 : vector<4096x1xi1>, vector<4096x1xf32>
      %get3A_36 = arith.constant 1 : index
      %get3A_37 = memref.load %arg1[%get3A_36] : memref<16xi32, #tpu.memory_space<smem>>
      %eq3A_38 = vector.broadcast %get3A_37 : i32 to vector<4096x1xi32>
      %eq3A_39 = arith.cmpi eq, %iota3A, %eq3A_38 : vector<4096x1xi32>
      %jit3A_40 = arith.constant 0.000000e+00 : f32
      %broadcast_in_dim3A_41 = vector.broadcast %jit3A_40 : f32 to vector<4096x1xf32>
      %select_n3A_42 = arith.select %eq3A_39, %broadcast_in_dim3A_41, %select_n3A : vector<4096x1xi1>, vector<4096x1xf32>
      %get3A_43 = arith.constant 2 : index
      %get3A_44 = memref.load %arg1[%get3A_43] : memref<16xi32, #tpu.memory_space<smem>>
      %eq3A_45 = vector.broadcast %get3A_44 : i32 to vector<4096x1xi32>
      %eq3A_46 = arith.cmpi eq, %iota3A, %eq3A_45 : vector<4096x1xi32>
      %jit3A_47 = arith.constant 0.000000e+00 : f32
      %broadcast_in_dim3A_48 = vector.broadcast %jit3A_47 : f32 to vector<4096x1xf32>
      %select_n3A_49 = arith.select %eq3A_46, %broadcast_in_dim3A_48, %select_n3A_42 : vector<4096x1xi1>, vector<4096x1xf32>
      %get3A_50 = arith.constant 3 : index
      %get3A_51 = memref.load %arg1[%get3A_50] : memref<16xi32, #tpu.memory_space<smem>>
      %eq3A_52 = vector.broadcast %get3A_51 : i32 to vector<4096x1xi32>
      %eq3A_53 = arith.cmpi eq, %iota3A, %eq3A_52 : vector<4096x1xi32>
      %jit3A_54 = arith.constant 0.000000e+00 : f32
      %broadcast_in_dim3A_55 = vector.broadcast %jit3A_54 : f32 to vector<4096x1xf32>
      %select_n3A_56 = arith.select %eq3A_53, %broadcast_in_dim3A_55, %select_n3A_49 : vector<4096x1xi1>, vector<4096x1xf32>
      %get3A_57 = arith.constant 4 : index
      %get3A_58 = memref.load %arg1[%get3A_57] : memref<16xi32, #tpu.memory_space<smem>>
      %eq3A_59 = vector.broadcast %get3A_58 : i32 to vector<4096x1xi32>
      %eq3A_60 = arith.cmpi eq, %iota3A, %eq3A_59 : vector<4096x1xi32>
      %jit3A_61 = arith.constant 0.000000e+00 : f32
      %broadcast_in_dim3A_62 = vector.broadcast %jit3A_61 : f32 to vector<4096x1xf32>
      %select_n3A_63 = arith.select %eq3A_60, %broadcast_in_dim3A_62, %select_n3A_56 : vector<4096x1xi1>, vector<4096x1xf32>
      %get3A_64 = arith.constant 5 : index
      %get3A_65 = memref.load %arg1[%get3A_64] : memref<16xi32, #tpu.memory_space<smem>>
      %eq3A_66 = vector.broadcast %get3A_65 : i32 to vector<4096x1xi32>
      %eq3A_67 = arith.cmpi eq, %iota3A, %eq3A_66 : vector<4096x1xi32>
      %jit3A_68 = arith.constant 0.000000e+00 : f32
      %broadcast_in_dim3A_69 = vector.broadcast %jit3A_68 : f32 to vector<4096x1xf32>
      %select_n3A_70 = arith.select %eq3A_67, %broadcast_in_dim3A_69, %select_n3A_63 : vector<4096x1xi1>, vector<4096x1xf32>
      %get3A_71 = arith.constant 6 : index
      %get3A_72 = memref.load %arg1[%get3A_71] : memref<16xi32, #tpu.memory_space<smem>>
      %eq3A_73 = vector.broadcast %get3A_72 : i32 to vector<4096x1xi32>
      %eq3A_74 = arith.cmpi eq, %iota3A, %eq3A_73 : vector<4096x1xi32>
      %jit3A_75 = arith.constant 0.000000e+00 : f32
      %broadcast_in_dim3A_76 = vector.broadcast %jit3A_75 : f32 to vector<4096x1xf32>
      %select_n3A_77 = arith.select %eq3A_74, %broadcast_in_dim3A_76, %select_n3A_70 : vector<4096x1xi1>, vector<4096x1xf32>
      %get3A_78 = arith.constant 7 : index
      %get3A_79 = memref.load %arg1[%get3A_78] : memref<16xi32, #tpu.memory_space<smem>>
      %eq3A_80 = vector.broadcast %get3A_79 : i32 to vector<4096x1xi32>
      %eq3A_81 = arith.cmpi eq, %iota3A, %eq3A_80 : vector<4096x1xi32>
      %jit3A_82 = arith.constant 0.000000e+00 : f32
      %broadcast_in_dim3A_83 = vector.broadcast %jit3A_82 : f32 to vector<4096x1xf32>
      %select_n3A_84 = arith.select %eq3A_81, %broadcast_in_dim3A_83, %select_n3A_77 : vector<4096x1xi1>, vector<4096x1xf32>
      %get3A_85 = arith.constant 8 : index
      %get3A_86 = memref.load %arg1[%get3A_85] : memref<16xi32, #tpu.memory_space<smem>>
      %eq3A_87 = vector.broadcast %get3A_86 : i32 to vector<4096x1xi32>
      %eq3A_88 = arith.cmpi eq, %iota3A, %eq3A_87 : vector<4096x1xi32>
      %jit3A_89 = arith.constant 0.000000e+00 : f32
      %broadcast_in_dim3A_90 = vector.broadcast %jit3A_89 : f32 to vector<4096x1xf32>
      %select_n3A_91 = arith.select %eq3A_88, %broadcast_in_dim3A_90, %select_n3A_84 : vector<4096x1xi1>, vector<4096x1xf32>
      %get3A_92 = arith.constant 9 : index
      %get3A_93 = memref.load %arg1[%get3A_92] : memref<16xi32, #tpu.memory_space<smem>>
      %eq3A_94 = vector.broadcast %get3A_93 : i32 to vector<4096x1xi32>
      %eq3A_95 = arith.cmpi eq, %iota3A, %eq3A_94 : vector<4096x1xi32>
      %jit3A_96 = arith.constant 0.000000e+00 : f32
      %broadcast_in_dim3A_97 = vector.broadcast %jit3A_96 : f32 to vector<4096x1xf32>
      %select_n3A_98 = arith.select %eq3A_95, %broadcast_in_dim3A_97, %select_n3A_91 : vector<4096x1xi1>, vector<4096x1xf32>
      %get3A_99 = arith.constant 10 : index
      %get3A_100 = memref.load %arg1[%get3A_99] : memref<16xi32, #tpu.memory_space<smem>>
      %eq3A_101 = vector.broadcast %get3A_100 : i32 to vector<4096x1xi32>
      %eq3A_102 = arith.cmpi eq, %iota3A, %eq3A_101 : vector<4096x1xi32>
      %jit3A_103 = arith.constant 0.000000e+00 : f32
      %broadcast_in_dim3A_104 = vector.broadcast %jit3A_103 : f32 to vector<4096x1xf32>
      %select_n3A_105 = arith.select %eq3A_102, %broadcast_in_dim3A_104, %select_n3A_98 : vector<4096x1xi1>, vector<4096x1xf32>
      %get3A_106 = arith.constant 11 : index
      %get3A_107 = memref.load %arg1[%get3A_106] : memref<16xi32, #tpu.memory_space<smem>>
      %eq3A_108 = vector.broadcast %get3A_107 : i32 to vector<4096x1xi32>
      %eq3A_109 = arith.cmpi eq, %iota3A, %eq3A_108 : vector<4096x1xi32>
      %jit3A_110 = arith.constant 0.000000e+00 : f32
      %broadcast_in_dim3A_111 = vector.broadcast %jit3A_110 : f32 to vector<4096x1xf32>
      %select_n3A_112 = arith.select %eq3A_109, %broadcast_in_dim3A_111, %select_n3A_105 : vector<4096x1xi1>, vector<4096x1xf32>
      %get3A_113 = arith.constant 12 : index
      %get3A_114 = memref.load %arg1[%get3A_113] : memref<16xi32, #tpu.memory_space<smem>>
      %eq3A_115 = vector.broadcast %get3A_114 : i32 to vector<4096x1xi32>
      %eq3A_116 = arith.cmpi eq, %iota3A, %eq3A_115 : vector<4096x1xi32>
      %jit3A_117 = arith.constant 0.000000e+00 : f32
      %broadcast_in_dim3A_118 = vector.broadcast %jit3A_117 : f32 to vector<4096x1xf32>
      %select_n3A_119 = arith.select %eq3A_116, %broadcast_in_dim3A_118, %select_n3A_112 : vector<4096x1xi1>, vector<4096x1xf32>
      %get3A_120 = arith.constant 13 : index
      %get3A_121 = memref.load %arg1[%get3A_120] : memref<16xi32, #tpu.memory_space<smem>>
      %eq3A_122 = vector.broadcast %get3A_121 : i32 to vector<4096x1xi32>
      %eq3A_123 = arith.cmpi eq, %iota3A, %eq3A_122 : vector<4096x1xi32>
      %jit3A_124 = arith.constant 0.000000e+00 : f32
      %broadcast_in_dim3A_125 = vector.broadcast %jit3A_124 : f32 to vector<4096x1xf32>
      %select_n3A_126 = arith.select %eq3A_123, %broadcast_in_dim3A_125, %select_n3A_119 : vector<4096x1xi1>, vector<4096x1xf32>
      %get3A_127 = arith.constant 14 : index
      %get3A_128 = memref.load %arg1[%get3A_127] : memref<16xi32, #tpu.memory_space<smem>>
      %eq3A_129 = vector.broadcast %get3A_128 : i32 to vector<4096x1xi32>
      %eq3A_130 = arith.cmpi eq, %iota3A, %eq3A_129 : vector<4096x1xi32>
      %jit3A_131 = arith.constant 0.000000e+00 : f32
      %broadcast_in_dim3A_132 = vector.broadcast %jit3A_131 : f32 to vector<4096x1xf32>
      %select_n3A_133 = arith.select %eq3A_130, %broadcast_in_dim3A_132, %select_n3A_126 : vector<4096x1xi1>, vector<4096x1xf32>
      %get3A_134 = arith.constant 15 : index
      %get3A_135 = memref.load %arg1[%get3A_134] : memref<16xi32, #tpu.memory_space<smem>>
      %eq3A_136 = vector.broadcast %get3A_135 : i32 to vector<4096x1xi32>
      %eq3A_137 = arith.cmpi eq, %iota3A, %eq3A_136 : vector<4096x1xi32>
      %jit3A_138 = arith.constant 0.000000e+00 : f32
      %broadcast_in_dim3A_139 = vector.broadcast %jit3A_138 : f32 to vector<4096x1xf32>
      %select_n3A_140 = arith.select %eq3A_137, %broadcast_in_dim3A_139, %select_n3A_133 : vector<4096x1xi1>, vector<4096x1xf32>
      %swap3A_141 = arith.constant 0 : index
      %swap3A_142 = arith.constant 0 : index
      %swap3A_143 = vector.load %arg6[%swap3A_141, %swap3A_142] : memref<4096x1xf32, #tpu.memory_space<vmem>>, vector<4096x1xf32>
      tpu.vector_store %arg6[%swap3A_141, %swap3A_142], %select_n3A_140 {strides = array<i32>} : memref<4096x1xf32, #tpu.memory_space<vmem>>, vector<4096x1xf32>,
    } else {
    }
    %get3A = arith.constant 0 : index
    %get3A_2 = arith.constant 0 : index
    %get3A_3 = vector.load %arg6[%get3A, %get3A_2] : memref<4096x1xf32, #tpu.memory_space<vmem>>, vector<4096x1xf32>
    %get3A_4 = arith.constant 0 : index
    %get3A_5 = arith.constant 0 : index
    %get3A_6 = arith.constant 0 : index
    %get3A_7 = vector.load %arg2[%get3A_4, %get3A_5, %get3A_6] : memref<1x4096x128xf32, #tpu.memory_space<vmem>>, vector<1x4096x128xf32>
    %get3A_8 = vector.shape_cast %get3A_7 : vector<1x4096x128xf32> to vector<4096x128xf32>
    %mul3A = vector.broadcast %get3A_3 : vector<4096x1xf32> to vector<4096x128xf32>
    %mul3A_9 = arith.mulf %get3A_8, %mul3A : vector<4096x128xf32>
    %convert_element_type3A_10 = arith.truncf %mul3A_9 : vector<4096x128xf32> to vector<4096x128xbf16>
    %swap3A = arith.constant 0 : index
    %swap3A_11 = arith.constant 0 : index
    %swap3A_12 = arith.constant 0 : index
    %swap3A_13 = vector.load %arg4[%swap3A, %swap3A_11, %swap3A_12] : memref<1x4096x128xbf16, #tpu.memory_space<vmem>>, vector<1x4096x128xbf16>
    %swap3A_14 = vector.shape_cast %swap3A_13 : vector<1x4096x128xbf16> to vector<4096x128xbf16>
    %swap3A_15 = vector.shape_cast %convert_element_type3A_10 : vector<4096x128xbf16> to vector<1x4096x128xbf16>
    tpu.vector_store %arg4[%swap3A, %swap3A_11, %swap3A_12], %swap3A_15 {strides = array<i32>} : memref<1x4096x128xbf16, #tpu.memory_space<vmem>>, vector<1x4096x128xbf16>,
    %get3A_16 = arith.constant 0 : index
    %get3A_17 = arith.constant 0 : index
    %get3A_18 = arith.constant 0 : index
    %get3A_19 = vector.load %arg3[%get3A_16, %get3A_17, %get3A_18] : memref<1x4096x128xf32, #tpu.memory_space<vmem>>, vector<1x4096x128xf32>
    %get3A_20 = vector.shape_cast %get3A_19 : vector<1x4096x128xf32> to vector<4096x128xf32>
    %mul3A_21 = vector.broadcast %get3A_3 : vector<4096x1xf32> to vector<4096x128xf32>
    %mul3A_22 = arith.mulf %get3A_20, %mul3A_21 : vector<4096x128xf32>
    %convert_element_type3A_23 = arith.truncf %mul3A_22 : vector<4096x128xf32> to vector<4096x128xbf16>
    %swap3A_24 = arith.constant 0 : index
    %swap3A_25 = arith.constant 0 : index
    %swap3A_26 = arith.constant 0 : index
    %swap3A_27 = vector.load %arg5[%swap3A_24, %swap3A_25, %swap3A_26] : memref<1x4096x128xbf16, #tpu.memory_space<vmem>>, vector<1x4096x128xbf16>
    %swap3A_28 = vector.shape_cast %swap3A_27 : vector<1x4096x128xbf16> to vector<4096x128xbf16>
    %swap3A_29 = vector.shape_cast %convert_element_type3A_23 : vector<4096x128xbf16> to vector<1x4096x128xbf16>
    tpu.vector_store %arg5[%swap3A_24, %swap3A_25, %swap3A_26], %swap3A_29 {strides = array<i32>} : memref<1x4096x128xbf16, #tpu.memory_space<vmem>>, vector<1x4096x128xbf16>,
    return
  }
  func.func @transform_0(%arg0: i32) -> i32 {
    %c0_i32 = arith.constant 0 : i32
    %c0_i32_0 = arith.constant 0 : i32
    return %c0_i32 : i32
  }
  func.func @transform_1(%arg0: i32) -> (i32, i32, i32) {
    %c0_i32 = arith.constant 0 : i32
    %c0_i32_0 = arith.constant 0 : i32
    %c0_i32_1 = arith.constant 0 : i32
    return %arg0, %c0_i32, %c0_i32_0 : i32, i32, i32
  }
  func.func @transform_2(%arg0: i32) -> (i32, i32, i32) {
    %c0_i32 = arith.constant 0 : i32
    %c0_i32_0 = arith.constant 0 : i32
    %c0_i32_1 = arith.constant 0 : i32
    return %arg0, %c0_i32, %c0_i32_0 : i32, i32, i32
  }
  func.func @transform_3(%arg0: i32) -> (i32, i32, i32) {
    %c0_i32 = arith.constant 0 : i32
    %c0_i32_0 = arith.constant 0 : i32
    %c0_i32_1 = arith.constant 0 : i32
    return %arg0, %c0_i32, %c0_i32_0 : i32, i32, i32
  }
  func.func @transform_4(%arg0: i32) -> (i32, i32, i32) {
    %c0_i32 = arith.constant 0 : i32
    %c0_i32_0 = arith.constant 0 : i32
    %c0_i32_1 = arith.constant 0 : i32
    return %arg0, %c0_i32, %c0_i32_0 : i32, i32, i32
  }
}

</mosaic_0001>

<sc_bundles>
// kernel: kernel.4.cloned.1.call-start
scs
__scs_entry_jumppad:
0x0: {  	(pc) =	sbr.rel $0x88, $3  }
0x1: {  	(tag) =	ssettag $0x0;
	lr =	simm.s32 $0x1  }
0x2: {  	[smem:$0x3F9B] =	sst lr;
	_ =	strace $0xD0000000  }
0x3: {  	_ = 	snop  }
0x4: {  	_ = 	snop  }
0x5: {  	_ = 	snop  }
0x6: {  	_ = 	snop  }
0x7: {  	_ = 	snop  }
__scs_overlays_trampoline_lowered:
0x8: {  	[smem:$0x3FAA] =	sst s0  }
0x9: {  	[smem:$0x3FAB] =	sst s1  }
0xa: {  	[smem:$0x3FAC] =	sst s2  }
0xb: {  	[smem:$0x3FAD] =	sst s3  }
0xc: {  	[smem:$0x3FAE] =	sst s4  }
0xd: {  	[smem:$0x3FAF] =	sst s5  }
0xe: {  	[smem:$0x3FB0] =	sst s6  }
0xf: {  	[smem:$0x3FB1] =	sst s7  }
0x10: {  	[smem:$0x3FB2] =	sst s8  }
0x11: {  	[smem:$0x3FB3] =	sst s9;
	s0 =	simm.s32 @!p0 $0x0  }
0x12: {  	s1 =	sld [smem:$0x3F99];
	s0 =	simm.s32 @p0 $0x1  }
0x13: {  	[smem:$0x3FB4] =	sst s0;
	s0 =	simm.s32 @!p1 $0x0  }
0x14: {  	s2 =	sld [smem:$0x3F98];
	s0 =	simm.s32 @p1 $0x1  }
0x15: {  	[smem:$0x3FB5] =	sst s0;
	s0 =	simm.s32 @!p2 $0x0  }
0x16: {  	s3 =	sld [smem:$0x3FDB];
	s0 =	simm.s32 @p2 $0x1  }
0x17: {  	s4 =	simm.s32 $0x1BF5;
	[smem:$0x3FB7] =	sst s0  }
0x18: {  	s0 =	sld [smem:$0x3F9A];
	_ =	swait.ge [sflag:s4], $0x0  }
0x19: {  	s7 =	sld [smem:$0x3F9B]  }
0x1a: {  	s8 =	sadd.s32 $0xFFFFE003, lr  }
0x1b: {  	s9 =	sadd.s32 $0xFFFFFEF7, lr;
	s5 =	simm.s32 $0xFFFFFFFF;
	p2 =	slt.u32 s8, $0xFFFFF086  }
0x1c: {  	p1 =	slt.u32 s9, $0xF7A;
	s5 =	simm.s32 @!p2 $0x0  }
0x1d: {  	s5 =	simm.s32 @p1 $0x1;
	p0 =	seq.s32 s7, s2  }
0x1e: {  	s7 =	smul.u32 @!p0 $0xF7A, s2;
	p2 =	seq.s32 @!p0 s5, $0x0  }
0x1f: {  	s9 =	smul.u32 $0xF7A, s1;
	s8 =	simm.s32 @!p0 $0x1BF5;
	p2 =	por !p2, p0  }
0x20: {  	[sflag:s8] =	ssyncset.s32 @!p0 $0xFFFFF086;
	s6 =	sadd.s32 @!p0 s3, s7;
	s7 =	simm.s32 @!p0 $0x108  }
0x21: {  	s3 =	sadd.s32 s3, s9;
	s6 =	sadd.s32 @!p0 $0x88, s6;
	s7 =	simm.s32 @p2 $0x1082  }
0x22: {  	[simem:s7], [sflag:s8] =	dma.local @!p0 [hbm:s6], $0xF7A  }
0x23: {  	s9 =	sor.u32 $0xD0000000, s2;
	s6 =	simm.s32 $0x108;
	_ =	swait.ge @!p0 [sflag:s8], $0x0  }
0x24: {  	s3 =	sadd.s32 $0x88, s3;
	s6 =	simm.s32 @!p1 $0x1082;
	[sflag:s4] =	ssyncset.s32 $0xFFFFF086  }
0x25: {  	[simem:s6], [sflag:s4] =	dma.local [hbm:s3], $0xF7A  }
0x26: {  	[smem:$0x3F9B] =	sst s1;
	(tag) =	ssettag s2;
	_ =	strace s9  }
0x27: {  	s1 =	sld [smem:$0x3FAB]  }
0x28: {  	s2 =	sld [smem:$0x3FAC]  }
0x29: {  	s4 =	sld [smem:$0x3FAE]  }
0x2a: {  	p0 =	seq.s32 s5, $0x0;
	s5 =	sld [smem:$0x3FAF]  }
0x2b: {  	s6 =	sld [smem:$0x3FB0]  }
0x2c: {  	s7 =	sld [smem:$0x3FB1]  }
0x2d: {  	s3 =	simm.s32 $0x108;
	s8 =	sld [smem:$0x3FB2]  }
0x2e: {  	s3 =	simm.s32 @!p0 $0x1082;
	s9 =	sld [smem:$0x3FB3]  }
0x2f: {  	lr =	sadd.s32 s0, s3;
	s0 =	sld [smem:$0x3FAA]  }
0x30: {  	s3 =	sld [smem:$0x3FAD]  }
0x31: {  	[smem:$0x3FB6] =	sst s10  }
0x32: {  	s10 =	sld [smem:$0x3FB4];
	_ =	sdelay $0x3  }
0x33: {  	p0 =	seq.s32 s10, $0x1;
	s10 =	sld [smem:$0x3FB6];
	_ =	sdelay $0x3  }
0x34: {  	[smem:$0x3FB6] =	sst s10  }
0x35: {  	s10 =	sld [smem:$0x3FB5];
	_ =	sdelay $0x3  }
0x36: {  	p1 =	seq.s32 s10, $0x1;
	s10 =	sld [smem:$0x3FB6];
	_ =	sdelay $0x3  }
0x37: {  	[smem:$0x3FB6] =	sst s10  }
0x38: {  	s10 =	sld [smem:$0x3FB7]  }
0x39: {  	_ = 	snop;
	(pc) =	sbr.ind lr, $3  }
0x3a: {  	_ = 	snop  }
0x3b: {  	_ = 	snop  }
0x3c: {  	p2 =	seq.s32 s10, $0x1;
	s10 =	sld [smem:$0x3FB6]  }
0x3d: {  	_ =	shalt  }
0x3e: {  	_ =	shalt  }
0x3f: {  	_ =	shalt  }
0x40: {  	_ =	shalt  }
0x41: {  	_ =	shalt  }
0x42: {  	_ =	shalt  }
0x43: {  	_ =	shalt  }
0x44: {  	_ =	shalt  }
0x45: {  	_ =	shalt  }
0x46: {  	_ =	shalt  }
0x47: {  	_ =	shalt  }
0x48: {  	_ =	shalt  }
0x49: {  	_ =	shalt  }
0x4a: {  	_ =	shalt  }
0x4b: {  	_ =	shalt  }
0x4c: {  	_ =	shalt  }
0x4d: {  	_ =	shalt  }
0x4e: {  	_ =	shalt  }
0x4f: {  	_ =	shalt  }
0x50: {  	_ =	shalt  }
0x51: {  	_ =	shalt  }
0x52: {  	_ =	shalt  }
0x53: {  	_ =	shalt  }
0x54: {  	_ =	shalt  }
0x55: {  	_ =	shalt  }
0x56: {  	_ =	shalt  }
0x57: {  	_ =	shalt  }
0x58: {  	_ =	shalt  }
0x59: {  	_ =	shalt  }
0x5a: {  	_ =	shalt  }
0x5b: {  	_ =	shalt  }
0x5c: {  	_ =	shalt  }
0x5d: {  	_ =	shalt  }
0x5e: {  	_ =	shalt  }
0x5f: {  	_ =	shalt  }
0x60: {  	_ =	shalt  }
0x61: {  	_ =	shalt  }
0x62: {  	_ =	shalt  }
0x63: {  	_ =	shalt  }
0x64: {  	_ =	shalt  }
0x65: {  	_ =	shalt  }
0x66: {  	_ =	shalt  }
0x67: {  	_ =	shalt  }
0x68: {  	_ =	shalt  }
0x69: {  	_ =	shalt  }
0x6a: {  	_ =	shalt  }
0x6b: {  	_ =	shalt  }
0x6c: {  	_ =	shalt  }
0x6d: {  	_ =	shalt  }
0x6e: {  	_ =	shalt  }
0x6f: {  	_ =	shalt  }
0x70: {  	_ =	shalt  }
0x71: {  	_ =	shalt  }
0x72: {  	_ =	shalt  }
0x73: {  	_ =	shalt  }
0x74: {  	_ =	shalt  }
0x75: {  	_ =	shalt  }
0x76: {  	_ =	shalt  }
0x77: {  	_ =	shalt  }
0x78: {  	_ =	shalt  }
0x79: {  	_ =	shalt  }
0x7a: {  	_ =	shalt  }
0x7b: {  	_ =	shalt  }
0x7c: {  	_ =	shalt  }
0x7d: {  	_ =	shalt  }
0x7e: {  	_ =	shalt  }
0x7f: {  	_ =	shalt  }
0x80: {  	_ =	shalt  }
0x81: {  	_ =	shalt  }
0x82: {  	_ =	shalt  }
0x83: {  	_ =	shalt  }
0x84: {  	_ =	shalt  }
0x85: {  	_ =	shalt  }
0x86: {  	_ =	shalt  }
0x87: {  	_ =	shalt  }
.Lfunc_end0:
.L_simem_size_0:
called_computation_lowered:
.L_overlay_start_0:
0x88: {  	s2 =	sld [smem:$0x3FD9]  }
0x89: {  	s3 =	sld [smem:$0x3FFE];
	_ =	sdelay $0x1  }
0x8a: {  	s1 =	srdreg.scid  }
0x8b: {  	s0 =	sand.u32 $0x1, s1  }
0x8c: {  	s14 =	sshll.u32 s0, $0xA;
	s2 =	sadd.s32 s3, s2  }
0x8d: {  	s2 =	sadd.s32 s2, s14  }
0x8e: {  	[smem:$0x3FC2] =	sst s2  }
0x8f: {  	_ = 	snop  }
0x90: {  	s2 =	sld [smem:$0x3FC9]  }
0x91: {  	s15 =	sld [smem:$0x3FC8]  }
0x92: {  	s4 =	sld [smem:$0x3FC7]  }
0x93: {  	s5 =	sld [smem:$0x3FD0]  }
0x94: {  	s6 =	sld [smem:$0x3FC6]  }
0x95: {  	s7 =	sld [smem:$0x3FC5]  }
0x96: {  	s9 =	simm.s32 $0xA;
	s10 =	simm.s32 $0x10;
	s8 =	sld [smem:$0x3FC4]  }
0x97: {  	[smem:s10], [sflag:s9] =	dma.local [hbm:s5], $0x1  }
0x98: {  	_ =	swait.eq [sflag:s9], $0x1  }
0x99: {  	[sflag:s9] =	ssyncset.done $0x0  }
0x9a: {  	[sflag:s9] =	ssyncadd.s32 $0xFFFFFFFF  }
0x9b: {  	s16 =	sld [smem:$0x11];
	(tm) =	ssettm $0x1  }
0x9c: {  	s17 =	sld [smem:$0x3FFB];
	_ =	sdelay $0x3  }
0x9d: {  	_ =	strace s17  }
0x9e: {  	s9 =	sld [smem:$0x3FFC];
	_ =	sdelay $0x3  }
0x9f: {  	_ =	strace s9  }
0xa0: {  	s9 =	sld [smem:$0x3FFD];
	_ =	sdelay $0x3  }
0xa1: {  	_ =	strace s9  }
0xa2: {  	_ =	strace $0x8FFFFFFF  }
0xa3: {  	s18 =	sld [smem:$0x3FDB];
	_ =	sdelay $0x1  }
0xa4: {  	s19 =	simm.s32 $_scs_section_size  }
0xa5: {  	s11 =	simm.s32 $_size__tile_overlayer_lowered;
	s12 =	simm.s32 $_tile_overlayer_lowered  }
0xa6: {  	s22 =	simm.s32 $0x1BFF;
	s21 =	sshll.u32 s12, $0x1;
	s9 =	sadd.s32 s19, s18  }
0xa7: {  	s13 =	simm.s32 $0x0;
	s20 =	sshll.u32 s11, $0x1;
	s11 =	sadd.s32 s21, s9  }
0xa8: {  	[timem:s13], [sflag:s22] =	dma.local [hbm:s11], s20  }
0xa9: {  	_ =	swait.ge [sflag:s22], s20  }
0xaa: {  	s10 =	ssub.s32 $0x0, s20;
	[sflag:s22] =	ssyncset.done $0x0  }
0xab: {  	[sflag:s22] =	ssyncadd.s32 s10;
	_ =	sdelay $0x1  }
0xac: {  	s23 =	simm.s32 $0x1B8B  }
0xad: {  	_ =	swait.ge [sflag:s23], $0x1  }
0xae: {  	[sflag:s23] =	ssyncset.done $0x0  }
0xaf: {  	s25 =	simm.s32 $0x1B8E;
	s24 =	sld [smem:$0x3FFE];
	[sflag:s23] =	ssyncadd.s32 $0xFFFFFFFF  }
0xb0: {  	s26 =	simm.s32 $execute0_lowered;
	[smem:$0x3FD2] =	sst s25  }
0xb1: {  	s11 =	sshll.u32 s26, $0x1;
	_ =	strace $0x80000046;
	[dreg:$0x1] =	wrdreg $0xFFFFFFFF  }
0xb2: {  	s28 =	simm.s32 $_size_execute0_lowered;
	s9 =	sadd.s32 s9, s11;
	[dreg:$0x0] =	wrdreg $0x0  }
0xb3: {  	s11 =	sshll.u32 s28, $0x1;
	[dreg:$0x2] =	wrdreg s9  }
0xb4: {  	[dreg:$0x3] =	wrdreg s11  }
0xb5: {  	[dreg:$0x4] =	wrdreg $0xC0  }
0xb6: {  	_ =	task [dreg:s13], $0x5FFFF  }
0xb7: {  	[dreg:$0x1] =	wrdreg $0xFFFFFFFF  }
0xb8: {  	[dreg:$0x0] =	wrdreg $0x60  }
0xb9: {  	[dreg:$0x2] =	wrdreg s2  }
0xba: {  	[dreg:$0x3] =	wrdreg s15  }
0xbb: {  	[dreg:$0x4] =	wrdreg s4  }
0xbc: {  	[dreg:$0x5] =	wrdreg s6  }
0xbd: {  	[dreg:$0x6] =	wrdreg s7  }
0xbe: {  	[dreg:$0x7] =	wrdreg s8  }
0xbf: {  	[dreg:$0x8] =	wrdreg s24  }
0xc0: {  	[dreg:$0x9] =	wrdreg s16  }
0xc1: {  	[dreg:$0xa] =	wrdreg $0x69000  }
0xc2: {  	[dreg:$0xb] =	wrdreg $0x71000  }
0xc3: {  	[dreg:$0xc] =	wrdreg $0x9  }
0xc4: {  	_ =	task.clear_ibuf [dreg:s13], $0xDFFFF;
	_ =	strace $0x90000046  }
0xc5: {  	s29 =	simm.s32 $0x9;
	_ =	strace $0x80000048  }
0xc6: {  	_ =	swait.ge [sflag:s29], $0x1  }
0xc7: {  	[sflag:s29] =	ssyncadd.s32 $0xFFFFFFFF  }
0xc8: {  	_ =	strace $0x90000048  }
0xc9: {  	_ =	sfence  }
0xca: {  	s30 =	sld [smem:$0x0];
	_ =	sdelay $0x2  }
0xcb: {  	s31 =	sshll.u32 s1, $0xD;
	s1 =	sshrl.u32 s1, $0x2  }
0xcc: {  	s3 =	sand.u32 $0x4000, s31;
	s1 =	sadd.s32 s1, s30  }
0xcd: {  	s0 =	sor.u32 s3, s0;
	s1 =	sshll.u32 s1, $0x11  }
0xce: {  	s0 =	sor.u32 s1, s0  }
0xcf: {  	s0 =	sadd.s32 $0x8F2B, s0  }
0xd0: {  	[sflag:s0] =	ssyncadd.remote.s32 $0x1  }
0xd1: {  	_ =	sfence.sel $0xFFFF  }
0xd2: {  	[dreg:$0x0] =	wrdreg $0xFFFFFFFF;
	(pc) =	sbr.abs _section_cstart, $3  }
0xd3: {  	[dreg:$0x1] =	wrdreg $0xFFFFFFFF  }
0xd4: {  	_ =	task.clear_ibuf [dreg:s13], $0x2FFFF;
	_ =	strace $0x9FFFFFFF  }
0xd5: {  	(tm) =	ssettm $0x7FFFFFFF  }
tec
execute0_lowered:
.L_overlay_start_1:
0x0: {  	(tag) =	ssettag $0x1  }
0x1: {  	s0 =	rddreg [dreg:$0x0]  }
0x2: {  	s1 =	rddreg [dreg:$0x1]  }
0x3: {  	s2 =	rddreg [dreg:$0x2]  }
0x4: {  	s3 =	rddreg [dreg:$0x3]  }
0x5: {  	s4 =	rddreg [dreg:$0x4]  }
0x6: {  	s8 =	rddreg [dreg:$0x6]  }
0x7: {  	s5 =	srdreg.scid;
	s9 =	rddreg [dreg:$0x7]  }
0x8: {  	s15 =	stileid.u32;
	s10 =	rddreg [dreg:$0x8]  }
0x9: {  	s12 =	rddreg [dreg:$0x9];
	s7 =	simm.s32 $0x1;
	s28 =	simm.s32 $0x1100  }
0xa: {  	s29 =	simm.s32 $0x80;
	s30 =	simm.s32 $0x900;
	s31 =	simm.s32 $0x1900  }
0xb: {  	s6 =	sand.u32 $0x1, s5;
	s19 =	sand.u32 $0x3, s15;
	s20 =	sadd.s32 $0x5400, s8  }
0xc: {  	s5 =	sshll.u32 s6, $0x4;
	p0 =	sne.s32 s19, $0x0;
	s6 =	ssub.s32 $0x2, s6  }
0xd: {  	s11 =	sor.u32 s15, s5;
	s5 =	simm.s32 $0x0;
	s21 =	sshrl.u32 s6, $0x1  }
0xe: {  	s15 =	sshll.u32 s15, $0xB;
	p1 =	seq.s32 s11, $0x0;
	[smem:$0x7FF] =	sst s5  }
0xf: {  	s13 =	sshrl.u32 s11, $0x2;
	s17 =	sshll.u32 s11, $0x9;
	s19 =	ssub.s32 s6, s21  }
0x10: {  	s21 =	sshllo.u32 s11, $0x1;
	s6 =	sadd.s32 s15, s10;
	s16 =	sor.u32 $0x800, s15  }
0x11: {  	s22 =	sor.u32 $0x1000, s15;
	s11 =	sshll.u32 s11, $0xD;
	p1 =	por !p0, !p1  }
0x12: {  	_ =	strace $0x80000047;
	s18 =	sadd.s32 s16, s10;
	s16 =	sadd.s32 s16, s12  }
0x13: {  	s23 =	sadd.s32 s22, s10;
	s25 =	sshll.u32 s21, $0x8;
	[dreg:$0xb] =	wrdreg s18  }
0x14: {  	v1 =	vmov s11;
	s11 =	simm.s32 $0x5900;
	p1 =	por !p1, !p1;
	[dreg:$0xc] =	wrdreg s16  }
0x15: {  	[dreg:$0xd] =	wrdreg s23;
	s16 =	sadd.s32 s22, s12;
	s22 =	sshll.u32 s21, $0xC  }
0x16: {  	s23 =	smax.u32 s19, $0x1;
	s7 =	simm.s32 @!p1 $0x0;
	[dreg:$0xe] =	wrdreg s16  }
0x17: {  	s16 =	sadd.s32 s20, s17;
	s7 =	ssub.s32 s13, s7;
	s13 =	sadd.s32 s17, s8  }
0x18: {  	s14 =	sshll.u32 s7, $0x8;
	s7 =	sadd.s32 s15, s12;
	s15 =	sor.u32 $0x1800, s15  }
0x19: {  	s21 =	sadd.s32 $0xC00, s13;
	s13 =	simm.s32 $0x0;
	s10 =	sadd.s32 s15, s10  }
0x1a: {  	s24 =	sadd.s32 s15, s12;
	s26 =	sand.u32 $0x1FFFFF00, s14;
	s14 =	sadd.s32 s2, s17  }
0x1b: {  	s15 =	sadd.s32 s20, s25;
	s25 =	simm.s32 $0x10;
	[dreg:$0xf] =	wrdreg s10  }
0x1c: {  	s12 =	simm.s32 $0x6100;
	[dreg:$0x10] =	wrdreg s24;
	s8 =	sadd.s32 s26, s8  }
.Ltmp0:
0x1d: {  	s17 =	sadd.s32 s3, s26;
	s18 =	sadd.s32 s4, s26;
	(pc) =	sbr.rel .LBB2_1-.Ltmp0, $4  }
0x1e: {  	s20 =	sadd.s32 s9, s26;
	s24 =	simm.s32 $0x2;
	s4 =	simm.s32 $0x2100  }
0x1f: {  	s3 =	simm.s32 $0x3100;
	s9 =	simm.s32 $0x4100;
	s10 =	simm.s32 $0x5100  }
0x20: {  	[dreg:$0x11] =	wrdreg s20;
	s20 =	simm.s32 $0x1;
	s26 =	sadd.s32 $0x4C00, s8  }
0x21: {  	v0 =	vmov s22;
	s8 =	simm.s32 $0x3900;
	[dreg:$0x12] =	wrdreg s26;
	s26 =	simm.s32 $0x100  }
.LBB2_18:
0x22: {  	v2 =	vld [tilespmem:s2+$0x6170]  }
0x23: {  	v3 =	vld [tilespmem:s2+$0x6100]  }
0x24: {  	v4 =	vld [tilespmem:s2+$0x6110]  }
0x25: {  	v5 =	vld [tilespmem:s2+$0x6120]  }
0x26: {  	v6 =	vld [tilespmem:s2+$0x6130]  }
0x27: {  	v7 =	vld [tilespmem:s2+$0x6150]  }
0x28: {  	v8 =	vld [tilespmem:s2+$0x6160]  }
0x29: {  	[tilespmem:s2+$0x5970] =	vst.add.f32.msk $0xffff, v2  }
0x2a: {  	v2 =	vld [tilespmem:s2+$0x6140]  }
0x2b: {  	[tilespmem:s2+$0x5900] =	vst.add.f32.msk $0xffff, v3  }
0x2c: {  	[tilespmem:s2+$0x5910] =	vst.add.f32.msk $0xffff, v4  }
0x2d: {  	[tilespmem:s2+$0x5920] =	vst.add.f32.msk $0xffff, v5  }
0x2e: {  	[tilespmem:s2+$0x5930] =	vst.add.f32.msk $0xffff, v6  }
0x2f: {  	[tilespmem:s2+$0x5950] =	vst.add.f32.msk $0xffff, v7  }
0x30: {  	[tilespmem:s2+$0x5960] =	vst.add.f32.msk $0xffff, v8  }
0x31: {  	s19 =	rddreg [dreg:$0x11];
	[tilespmem:s2+$0x5940] =	vst.add.f32.msk $0xffff, v2  }
0x32: {  	[hbm4b:s19+s5] =	stream.linear.scatter [tilespmem:s10], [sflag:$0x2], $0x800, $0x38;
	[tilespmem:$0x7900] =	vst v63  }
0x33: {  	_ =	swait.ge [sflag:s24], $0x800  }
0x34: {  	[sflag:s24] =	ssyncset.done $0x0  }
0x35: {  	s22 =	rddreg [dreg:$0x12];
	[sflag:s24] =	ssyncadd.s32 $0xFFFFF800  }
0x36: {  	[hbm4b:s22+s5] =	stream.linear.scatter [tilespmem:s11], [sflag:$0x2], $0x800, $0x38;
	[tilespmem:$0x7900] =	vst v63  }
0x37: {  	_ =	swait.ge [sflag:s24], $0x800  }
0x38: {  	[sflag:s24] =	ssyncset.done $0x0  }
0x39: {  	[sflag:s24] =	ssyncadd.s32 $0xFFFFF800  }
.LBB2_19:
0x3a: {  	s13 =	sadd.s32 $0x1, s13  }
0x3b: {  	p1 =	sne.s32 s13, s23  }
.Ltmp1:
0x3c: {  	_ = 	snop;
	(pc) =	sbr.rel @!p1 .LBB2_20-.Ltmp1, $1  }
0x3d: {  	_ =	sdelay $0x3  }
.LBB2_1:
0x3e: {  	s2 =	rddreg [dreg:$0x5]  }
0x3f: {  	[tilespmem:s5], [sflag:$0x2] =	stream.linear.gather [hbm4b:s2+s5], $0x80, $0x38;
	[tilespmem:$0x7900] =	vst v63  }
0x40: {  	_ =	swait.ge [sflag:s24], $0x80  }
0x41: {  	[sflag:s24] =	ssyncset.done $0x0  }
0x42: {  	[sflag:s24] =	ssyncadd.s32 $0xFFFFFF80  }
0x43: {  	v2 =	vld [tilespmem:$0x0];
	_ =	sdelay $0x4  }
0x44: {  	v3 =	vadd.s32 v0, v2  }
0x45: {  	v2 =	vadd.s32 v1, v2;
	[tilespmem:$0x80] =	vst v3  }
0x46: {  	[tilespmem:$0x0] =	vst v2  }
0x47: {  	[tilespmem:s26], [sflag:$0x1] =	stream.indirect.gather [hbm4b:s0+s25], $0x80, s5, s25, $0xb8;
	[tilespmem:$0x7900] =	vst v63  }
0x48: {  	_ = 	snop  }
0x49: {  	[tilespmem:s28], [sflag:$0x1] =	stream.indirect.gather [hbm4b:s1+s25], $0x80, s5, s25, $0xb8;
	[tilespmem:$0x7900] =	vst v63  }
0x4a: {  	_ = 	snop  }
0x4b: {  	[tilespmem:s30], [sflag:$0x1] =	stream.indirect.gather [hbm4b:s0+s25], $0x80, s29, s25, $0xb8;
	[tilespmem:$0x7900] =	vst v63  }
0x4c: {  	_ = 	snop  }
0x4d: {  	[tilespmem:s31], [sflag:$0x1] =	stream.indirect.gather [hbm4b:s1+s25], $0x80, s29, s25, $0xb8;
	[tilespmem:$0x7900] =	vst v63  }
0x4e: {  	_ = 	snop  }
0x4f: {  	[tilespmem:s4], [sflag:$0x2] =	stream.linear.gather [hbm4b:s14+s5], $0x1000, $0x38;
	[tilespmem:$0x7900] =	vst v63  }
0x50: {  	_ =	swait.ge [sflag:s24], $0x1000  }
0x51: {  	[sflag:s24] =	ssyncset.done $0x0  }
0x52: {  	[sflag:s24] =	ssyncadd.s32 $0xFFFFF000  }
0x53: {  	[tilespmem:s3], [sflag:$0x2] =	stream.linear.gather [hbm4b:s17+s5], $0x800, $0x38;
	[tilespmem:$0x7900] =	vst v63  }
0x54: {  	_ =	swait.ge [sflag:s24], $0x800  }
0x55: {  	[sflag:s24] =	ssyncset.done $0x0  }
0x56: {  	[sflag:s24] =	ssyncadd.s32 $0xFFFFF800  }
0x57: {  	[tilespmem:s8], [sflag:$0x2] =	stream.linear.gather [hbm4b:s18+s5], $0x800, $0x38;
	[tilespmem:$0x7900] =	vst v63  }
0x58: {  	_ =	swait.ge [sflag:s24], $0x800  }
0x59: {  	[sflag:s24] =	ssyncset.done $0x0  }
0x5a: {  	[sflag:s24] =	ssyncadd.s32 $0xFFFFF800  }
0x5b: {  	_ =	swait.ge [sflag:s20], $0x800  }
0x5c: {  	[sflag:s20] =	ssyncset.done $0x0  }
0x5d: {  	[sflag:s20] =	ssyncadd.s32 $0xFFFFF800  }
0x5e: {  	_ =	swait.ge [sflag:s20], $0x800  }
0x5f: {  	[sflag:s20] =	ssyncset.done $0x0  }
0x60: {  	[sflag:s20] =	ssyncadd.s32 $0xFFFFF800  }
0x61: {  	_ =	swait.ge [sflag:s20], $0x800  }
0x62: {  	[sflag:s20] =	ssyncset.done $0x0  }
0x63: {  	[sflag:s20] =	ssyncadd.s32 $0xFFFFF800  }
0x64: {  	_ =	swait.ge [sflag:s20], $0x800  }
0x65: {  	[sflag:s20] =	ssyncset.done $0x0  }
0x66: {  	[sflag:s20] =	ssyncadd.s32 $0xFFFFF800  }
0x67: {  	[hbm4b:s16+s5] =	stream.linear.scatter [tilespmem:s28], [sflag:$0x2], $0x800, $0x38;
	[tilespmem:$0x7900] =	vst v63  }
0x68: {  	_ =	swait.ge [sflag:s24], $0x800  }
0x69: {  	[sflag:s24] =	ssyncset.done $0x0  }
0x6a: {  	[sflag:s24] =	ssyncadd.s32 $0xFFFFF800  }
0x6b: {  	[hbm4b:s15+s5] =	stream.linear.scatter [tilespmem:s31], [sflag:$0x2], $0x800, $0x38;
	[tilespmem:$0x7900] =	vst v63  }
0x6c: {  	_ =	swait.ge [sflag:s24], $0x800  }
0x6d: {  	[sflag:s24] =	ssyncset.done $0x0  }
0x6e: {  	s19 =	simm.s32 $0x0;
	[sflag:s24] =	ssyncadd.s32 $0xFFFFF800  }
0x6f: {  	v2 =	vld [tilespmem:s19+$0x130]  }
0x70: {  	v9 =	vld [tilespmem:s19+$0x2170]  }
0x71: {  	v3 =	vld [tilespmem:s19+$0x100]  }
0x72: {  	v4 =	vld [tilespmem:s19+$0x140]  }
0x73: {  	v7 =	vld [tilespmem:s19+$0x3100]  }
0x74: {  	v8 =	vld [tilespmem:s19+$0x3940];
	_ =	sdelay $0x1  }
0x75: {  	v10 =	vld [tilespmem:s19+$0x3140]  }
0x76: {  	v11 =	vld [tilespmem:s19+$0x3900]  }
0x77: {  	v12 =	vld [tilespmem:s19+$0x2140];
	v5 =	vmul.f32 v9, v2  }
0x78: {  	v6 =	vld [tilespmem:s19+$0x150];
	v7 =	vmul.f32 v7, v3;
	v8 =	vmul.f32 v8, v4  }
0x79: {  	v13 =	vsub.f32 $0.0e+00, v5;
	v5 =	vld [tilespmem:s19+$0x110]  }
0x7a: {  	v7 =	vadd.f32 v8, v7;
	v8 =	vld [tilespmem:s19+$0x3950]  }
0x7b: {  	v10 =	vmul.f32 v10, v4;
	v11 =	vmul.f32 v11, v3;
	[tilespmem:s19+$0x5930] =	vst v13;
	v13 =	vld [tilespmem:s19+$0x3110]  }
0x7c: {  	v14 =	vld [tilespmem:s19+$0x3150];
	[tilespmem:s19+$0x4100] =	vst v7;
	v7 =	vmul.f32 v12, v3  }
0x7d: {  	v16 =	vld [tilespmem:s19+$0x3910];
	v10 =	vsub.f32 v10, v11  }
0x7e: {  	v15 =	vmul.f32 v12, v4;
	v11 =	vld [tilespmem:s19+$0x2150];
	v12 =	vsub.f32 $0.0e+00, v7  }
0x7f: {  	[tilespmem:s19+$0x4140] =	vst v10;
	v7 =	vld [tilespmem:s19+$0x120]  }
0x80: {  	[tilespmem:s19+$0x5900] =	vst v12;
	v12 =	vmul.f32 v8, v6;
	v8 =	vld [tilespmem:s19+$0x160];
	v10 =	vmul.f32 v13, v5  }
0x81: {  	v13 =	vld [tilespmem:s19+$0x3120]  }
0x82: {  	v10 =	vadd.f32 v12, v10;
	v12 =	vld [tilespmem:s19+$0x3960];
	_ =	sdelay $0x1  }
0x83: {  	v18 =	vld [tilespmem:s19+$0x3920];
	v14 =	vmul.f32 v14, v6;
	v16 =	vmul.f32 v16, v5  }
0x84: {  	[tilespmem:s19+$0x5140] =	vst v15;
	v15 =	vld [tilespmem:s19+$0x3160]  }
0x85: {  	v17 =	vmul.f32 v11, v6;
	[tilespmem:s19+$0x4110] =	vst v10;
	v10 =	vmul.f32 v11, v5;
	v11 =	vsub.f32 v14, v16;
	v14 =	vld [tilespmem:s19+$0x2160]  }
0x86: {  	v13 =	vmul.f32 v13, v7;
	v12 =	vmul.f32 v12, v8  }
0x87: {  	v16 =	vsub.f32 $0.0e+00, v10;
	v10 =	vld [tilespmem:s19+$0x170]  }
0x88: {  	[tilespmem:s19+$0x4150] =	vst v11;
	v11 =	vld [tilespmem:s19+$0x3130];
	v12 =	vadd.f32 v12, v13  }
0x89: {  	v18 =	vmul.f32 v18, v7;
	v15 =	vmul.f32 v15, v8;
	[tilespmem:s19+$0x5910] =	vst v16;
	v16 =	vld [tilespmem:s19+$0x3970]  }
0x8a: {  	v19 =	vld [tilespmem:s19+$0x3930];
	[tilespmem:s19+$0x4120] =	vst v12;
	v12 =	vmul.f32 v14, v7  }
0x8b: {  	[tilespmem:s19+$0x5150] =	vst v17;
	v17 =	vld [tilespmem:s19+$0x3170];
	v15 =	vsub.f32 v15, v18  }
0x8c: {  	v13 =	vld [tilespmem:s19+$0x2100];
	v18 =	vsub.f32 $0.0e+00, v12  }
0x8d: {  	[tilespmem:s19+$0x4160] =	vst v15;
	v20 =	vmul.f32 v14, v8;
	v14 =	vld [tilespmem:s19+$0x2110];
	v63 =	vmul.f32 v9, v10  }
0x8e: {  	v12 =	vld [tilespmem:s19+$0x2120];
	v16 =	vmul.f32 v16, v10;
	[tilespmem:s19+$0x5920] =	vst v18;
	v18 =	vmul.f32 v11, v2  }
0x8f: {  	s22 =	simm.s32 $0x80;
	[tilespmem:s19+$0x5160] =	vst v20;
	v11 =	vld [tilespmem:s19+$0x2130]  }
0x90: {  	s2 =	simm.s32 $0x400;
	v15 =	vmul.f32 v17, v10;
	v9 =	vld [tilespmem:s22+$0x130];
	[tilespmem:s19+$0x5170] =	vst v63;
	v17 =	vadd.f32 v16, v18;
	v16 =	vmul.f32 v19, v2  }
.LBB2_2:
0x91: {  	p1 =	sne.s32 s2, $0x1E00;
	v18 =	vld [tilespmem:s22+$0x2170];
	v19 =	vmul.f32 v13, v3;
	v13 =	vmul.f32 v13, v4  }
0x92: {  	v3 =	vld [tilespmem:s22+$0x100];
	v5 =	vmul.f32 v14, v5;
	v6 =	vmul.f32 v14, v6;
	[tilespmem:s19+$0x4130] =	vst v17;
	v14 =	vsub.f32 v15, v16  }
0x93: {  	v4 =	vld [tilespmem:s22+$0x140];
	[tilespmem:s19+$0x5100] =	vst v19;
	v7 =	vmul.f32 v12, v7;
	v8 =	vmul.f32 v12, v8  }
0x94: {  	v12 =	vld [tilespmem:s22+$0x3100];
	[tilespmem:s19+$0x4170] =	vst v14;
	v14 =	vmul.f32 v11, v2;
	v10 =	vmul.f32 v11, v10  }
0x95: {  	v11 =	vld [tilespmem:s22+$0x3940];
	[tilespmem:s19+$0x5940] =	vst v13;
	v2 =	vmov v9  }
0x96: {  	v9 =	vld [tilespmem:s22+$0x3140];
	v13 =	vmul.f32 v18, v2;
	[tilespmem:s19+$0x5110] =	vst v5  }
0x97: {  	v15 =	vld [tilespmem:s22+$0x3900];
	[tilespmem:s19+$0x5950] =	vst v6  }
0x98: {  	v16 =	vld [tilespmem:s22+$0x2140];
	v13 =	vsub.f32 $0.0e+00, v13;
	[tilespmem:s19+$0x5120] =	vst v7  }
0x99: {  	v7 =	vmul.f32 v12, v3;
	v5 =	vld [tilespmem:s22+$0x110];
	[tilespmem:s19+$0x5960] =	vst v8  }
0x9a: {  	v8 =	vmul.f32 v11, v4;
	v6 =	vld [tilespmem:s22+$0x150];
	[tilespmem:s22+$0x5930] =	vst v13  }
0x9b: {  	v9 =	vmul.f32 v9, v4;
	v11 =	vld [tilespmem:s22+$0x3110];
	[tilespmem:s19+$0x5130] =	vst v14  }
0x9c: {  	v7 =	vadd.f32 v8, v7;
	v8 =	vmul.f32 v15, v3;
	v12 =	vld [tilespmem:s22+$0x3950];
	[tilespmem:s19+$0x5970] =	vst v10;
	s19 =	smov.u32 s22  }
0x9d: {  	v10 =	vmul.f32 v16, v4;
	v13 =	vmul.f32 v16, v3;
	v14 =	vld [tilespmem:s19+$0x3150]  }
0x9e: {  	[tilespmem:s19+$0x4100] =	vst v7;
	v7 =	vsub.f32 v9, v8;
	v9 =	vld [tilespmem:s19+$0x3910]  }
0x9f: {  	v8 =	vsub.f32 $0.0e+00, v13;
	[tilespmem:s19+$0x5140] =	vst v10;
	v10 =	vld [tilespmem:s19+$0x2150]  }
0xa0: {  	[tilespmem:s19+$0x4140] =	vst v7;
	v11 =	vmul.f32 v11, v5;
	v7 =	vld [tilespmem:s19+$0x120]  }
0xa1: {  	[tilespmem:s19+$0x5900] =	vst v8;
	v12 =	vmul.f32 v12, v6;
	v8 =	vld [tilespmem:s19+$0x160]  }
0xa2: {  	v13 =	vmul.f32 v14, v6;
	v14 =	vld [tilespmem:s19+$0x3120]  }
0xa3: {  	v11 =	vadd.f32 v12, v11;
	v9 =	vmul.f32 v9, v5;
	v12 =	vld [tilespmem:s19+$0x3960]  }
0xa4: {  	v15 =	vmul.f32 v10, v6;
	v10 =	vmul.f32 v10, v5;
	v16 =	vld [tilespmem:s19+$0x3160]  }
0xa5: {  	[tilespmem:s19+$0x4110] =	vst v11;
	v9 =	vsub.f32 v13, v9;
	v11 =	vld [tilespmem:s19+$0x3920]  }
0xa6: {  	v13 =	vsub.f32 $0.0e+00, v10;
	[tilespmem:s19+$0x5150] =	vst v15;
	v15 =	vld [tilespmem:s19+$0x2160]  }
0xa7: {  	[tilespmem:s19+$0x4150] =	vst v9;
	v9 =	vmul.f32 v14, v7;
	v10 =	vld [tilespmem:s19+$0x170]  }
0xa8: {  	[tilespmem:s19+$0x5910] =	vst v13;
	v12 =	vmul.f32 v12, v8;
	v17 =	vld [tilespmem:s19+$0x3130]  }
0xa9: {  	v14 =	vmul.f32 v16, v8;
	v16 =	vld [tilespmem:s19+$0x3970]  }
0xaa: {  	v9 =	vadd.f32 v12, v9;
	v11 =	vmul.f32 v11, v7;
	v19 =	vld [tilespmem:s19+$0x3170]  }
0xab: {  	v12 =	vmul.f32 v15, v8;
	v15 =	vmul.f32 v15, v7;
	v20 =	vld [tilespmem:s19+$0x3930]  }
.Ltmp2:
0xac: {  	v13 =	vld [tilespmem:s19+$0x2100];
	[tilespmem:s19+$0x4120] =	vst v9;
	v9 =	vsub.f32 v14, v11;
	v18 =	vmul.f32 v18, v10;
	(pc) =	sbr.rel @p1 .LBB2_2-.Ltmp2, $4  }
0xad: {  	v14 =	vld [tilespmem:s19+$0x2110];
	v11 =	vsub.f32 $0.0e+00, v15;
	[tilespmem:s19+$0x5160] =	vst v12;
	v17 =	vmul.f32 v17, v2  }
0xae: {  	[tilespmem:s19+$0x4160] =	vst v9;
	v12 =	vld [tilespmem:s19+$0x2120];
	v16 =	vmul.f32 v16, v10  }
0xaf: {  	s22 =	sshra.s32 s2, $0x2;
	[tilespmem:s19+$0x5920] =	vst v11;
	v15 =	vmul.f32 v19, v10;
	v11 =	vld [tilespmem:s19+$0x2130]  }
0xb0: {  	s2 =	sadd.s32 $0x200, s2;
	v9 =	vld [tilespmem:s22+$0x130];
	v17 =	vadd.f32 v16, v17;
	v16 =	vmul.f32 v20, v2;
	[tilespmem:s19+$0x5170] =	vst v18  }
0xb1: {  	v18 =	vld [tilespmem:s22+$0x2170];
	v3 =	vmul.f32 v13, v3  }
0xb2: {  	v19 =	vld [tilespmem:s22+$0x100];
	[tilespmem:s19+$0x4130] =	vst v17;
	v15 =	vsub.f32 v15, v16  }
0xb3: {  	v4 =	vmul.f32 v13, v4;
	v17 =	vld [tilespmem:s22+$0x140];
	[tilespmem:s19+$0x5100] =	vst v3  }
0xb4: {  	v5 =	vmul.f32 v14, v5;
	v3 =	vld [tilespmem:s22+$0x3100];
	[tilespmem:s19+$0x4170] =	vst v15  }
0xb5: {  	v6 =	vmul.f32 v14, v6;
	v28 =	vld [tilespmem:s22+$0x3940];
	[tilespmem:s19+$0x5940] =	vst v4  }
0xb6: {  	v7 =	vmul.f32 v12, v7;
	v4 =	vld [tilespmem:s22+$0x3140];
	[tilespmem:s19+$0x5110] =	vst v5;
	v29 =	vmul.f32 v18, v9  }
0xb7: {  	v8 =	vmul.f32 v12, v8;
	v5 =	vld [tilespmem:s22+$0x3900];
	[tilespmem:s19+$0x5950] =	vst v6  }
0xb8: {  	v6 =	vld [tilespmem:s22+$0x2140];
	[tilespmem:s19+$0x5120] =	vst v7;
	v12 =	vsub.f32 $0.0e+00, v29  }
0xb9: {  	v2 =	vmul.f32 v11, v2;
	v7 =	vld [tilespmem:s22+$0x110];
	[tilespmem:s19+$0x5960] =	vst v8  }
0xba: {  	v10 =	vmul.f32 v11, v10;
	v8 =	vld [tilespmem:s22+$0x150];
	[tilespmem:s22+$0x5930] =	vst v12  }
0xbb: {  	v11 =	vld [tilespmem:s22+$0x3110];
	[tilespmem:s19+$0x5130] =	vst v2  }
0xbc: {  	v3 =	vmul.f32 v3, v19;
	v30 =	vmul.f32 v28, v17;
	v2 =	vld [tilespmem:s22+$0x3950];
	[tilespmem:s19+$0x5970] =	vst v10  }
0xbd: {  	v10 =	vld [tilespmem:s22+$0x3150]  }
0xbe: {  	v3 =	vadd.f32 v30, v3;
	v31 =	vmul.f32 v6, v17;
	v6 =	vmul.f32 v6, v19;
	v32 =	vld [tilespmem:s22+$0x3120]  }
0xbf: {  	v4 =	vmul.f32 v4, v17;
	v5 =	vmul.f32 v5, v19;
	v33 =	vld [tilespmem:s22+$0x3160]  }
0xc0: {  	[tilespmem:s22+$0x4100] =	vst v3;
	v3 =	vld [tilespmem:s22+$0x3910];
	v6 =	vsub.f32 $0.0e+00, v6  }
0xc1: {  	v4 =	vsub.f32 v4, v5;
	v5 =	vld [tilespmem:s22+$0x2150]  }
0xc2: {  	v37 =	vld [tilespmem:s22+$0x2100];
	[tilespmem:s22+$0x5900] =	vst v6;
	v6 =	vmul.f32 v11, v7;
	v2 =	vmul.f32 v2, v8  }
0xc3: {  	[tilespmem:s22+$0x4140] =	vst v4;
	v4 =	vld [tilespmem:s22+$0x120]  }
0xc4: {  	v11 =	vld [tilespmem:s22+$0x160];
	v2 =	vadd.f32 v2, v6  }
0xc5: {  	v10 =	vmul.f32 v10, v8;
	v6 =	vld [tilespmem:s22+$0x3960];
	v3 =	vmul.f32 v3, v7  }
0xc6: {  	v34 =	vmul.f32 v5, v8;
	v5 =	vmul.f32 v5, v7;
	[tilespmem:s22+$0x4110] =	vst v2;
	v2 =	vld [tilespmem:s22+$0x3920]  }
0xc7: {  	v35 =	vld [tilespmem:s22+$0x3970];
	v3 =	vsub.f32 v10, v3  }
0xc8: {  	v10 =	vld [tilespmem:s22+$0x2160];
	v5 =	vsub.f32 $0.0e+00, v5  }
0xc9: {  	v41 =	vmul.f32 v37, v19;
	[tilespmem:s22+$0x4150] =	vst v3;
	v3 =	vld [tilespmem:s22+$0x170]  }
0xca: {  	v12 =	vmul.f32 v32, v4;
	[tilespmem:s22+$0x5910] =	vst v5;
	v5 =	vld [tilespmem:s22+$0x3130];
	v6 =	vmul.f32 v6, v11  }
0xcb: {  	v15 =	vld [tilespmem:s22+$0x3170];
	[tilespmem:s22+$0x5140] =	vst v31;
	v13 =	vmul.f32 v33, v11;
	v2 =	vmul.f32 v2, v4  }
0xcc: {  	v36 =	vld [tilespmem:s22+$0x3930];
	[tilespmem:s22+$0x5100] =	vst v41;
	v6 =	vadd.f32 v6, v12  }
0xcd: {  	v40 =	vld [tilespmem:s22+$0x2130];
	[tilespmem:s22+$0x5150] =	vst v34;
	v20 =	vmul.f32 v10, v11;
	v2 =	vsub.f32 v13, v2  }
0xce: {  	[tilespmem:s22+$0x4120] =	vst v6;
	v6 =	vmul.f32 v10, v4;
	v10 =	vld [tilespmem:s22+$0x2110];
	v38 =	vmul.f32 v35, v3  }
0xcf: {  	v39 =	vmul.f32 v18, v3;
	[tilespmem:s22+$0x4160] =	vst v2;
	v2 =	vmul.f32 v5, v9  }
0xd0: {  	[tilespmem:s22+$0x5160] =	vst v20;
	v6 =	vsub.f32 $0.0e+00, v6  }
0xd1: {  	v12 =	vmul.f32 v36, v9;
	v5 =	vld [tilespmem:s22+$0x2120];
	[tilespmem:s22+$0x5170] =	vst v39;
	v2 =	vadd.f32 v38, v2  }
0xd2: {  	[tilespmem:s22+$0x5920] =	vst v6;
	v6 =	vmul.f32 v15, v3;
	v3 =	vmul.f32 v40, v3  }
0xd3: {  	v7 =	vmul.f32 v10, v7;
	[tilespmem:s22+$0x4130] =	vst v2  }
0xd4: {  	v2 =	vsub.f32 v6, v12;
	[tilespmem:s22+$0x5970] =	vst v3  }
0xd5: {  	v6 =	vmul.f32 v37, v17;
	[tilespmem:s22+$0x5110] =	vst v7  }
0xd6: {  	v4 =	vmul.f32 v5, v4;
	[tilespmem:s22+$0x4170] =	vst v2  }
0xd7: {  	v2 =	vmul.f32 v10, v8;
	[tilespmem:s22+$0x5940] =	vst v6  }
0xd8: {  	v5 =	vmul.f32 v5, v11;
	[tilespmem:s22+$0x5120] =	vst v4  }
0xd9: {  	[tilespmem:s22+$0x5950] =	vst v2;
	v2 =	vmul.f32 v40, v9  }
0xda: {  	[tilespmem:s22+$0x5960] =	vst v5  }
0xdb: {  	s19 =	simm.s32 $0x0;
	[tilespmem:s22+$0x5130] =	vst v2  }
0xdc: {  	v3 =	vld [tilespmem:s19+$0x3170]  }
0xdd: {  	v6 =	vld [tilespmem:s19+$0x3930]  }
0xde: {  	v4 =	vld [tilespmem:s19+$0x3970]  }
0xdf: {  	v5 =	vld [tilespmem:s19+$0x3130]  }
0xe0: {  	v7 =	vld [tilespmem:s19+$0x2960]  }
0xe1: {  	v8 =	vld [tilespmem:s19+$0x970]  }
0xe2: {  	v9 =	vld [tilespmem:s19+$0x930]  }
0xe3: {  	v10 =	vld [tilespmem:s19+$0x960]  }
0xe4: {  	v2 =	vld [tilespmem:s19+$0x3920]  }
0xe5: {  	v11 =	vld [tilespmem:s19+$0x3150]  }
0xe6: {  	v42 =	vld [tilespmem:s19+$0x3960]  }
0xe7: {  	v13 =	vld [tilespmem:s19+$0x3120]  }
0xe8: {  	v14 =	vld [tilespmem:s19+$0x920]  }
0xe9: {  	v43 =	vld [tilespmem:s19+$0x2950]  }
0xea: {  	v44 =	vld [tilespmem:s19+$0x2970]  }
0xeb: {  	v45 =	vld [tilespmem:s19+$0x3950]  }
0xec: {  	v46 =	vld [tilespmem:s19+$0x3900]  }
0xed: {  	v47 =	vld [tilespmem:s19+$0x3140]  }
0xee: {  	v20 =	vld [tilespmem:s19+$0x3940]  }
0xef: {  	v21 =	vld [tilespmem:s19+$0x950]  }
0xf0: {  	v22 =	vld [tilespmem:s19+$0x3100]  }
0xf1: {  	v23 =	vld [tilespmem:s19+$0x910]  }
0xf2: {  	v24 =	vld [tilespmem:s19+$0x2900]  }
0xf3: {  	v25 =	vld [tilespmem:s19+$0x2930]  }
0xf4: {  	v26 =	vld [tilespmem:s19+$0x2910]  }
0xf5: {  	v27 =	vld [tilespmem:s19+$0x2920]  }
0xf6: {  	v28 =	vld [tilespmem:s19+$0x940]  }
0xf7: {  	v29 =	vld [tilespmem:s19+$0x900]  }
0xf8: {  	v31 =	vld [tilespmem:s19+$0x2940]  }
0xf9: {  	v32 =	vld [tilespmem:s19+$0x3110]  }
0xfa: {  	v55 =	vld [tilespmem:s19+$0x3160];
	v30 =	vmul.f32 v43, v21  }
0xfb: {  	v59 =	vld [tilespmem:s19+$0x3910];
	v33 =	vmul.f32 v26, v23;
	v15 =	vmul.f32 v43, v23  }
0xfc: {  	v26 =	vmul.f32 v26, v21;
	v48 =	vmul.f32 v27, v14;
	[tilespmem:s19+$0x5150] =	vst.add.f32.msk $0xffff, v30  }
0xfd: {  	v13 =	vmul.f32 v13, v14;
	v12 =	vmul.f32 v42, v10;
	[tilespmem:s19+$0x5110] =	vst.add.f32.msk $0xffff, v33  }
0xfe: {  	v49 =	vmul.f32 v27, v10;
	v50 =	vmul.f32 v24, v28;
	[tilespmem:s19+$0x5950] =	vst.add.f32.msk $0xffff, v26  }
0xff: {  	v51 =	vmul.f32 v31, v29;
	v52 =	vmul.f32 v47, v28;
	[tilespmem:s19+$0x5120] =	vst.add.f32.msk $0xffff, v48  }
0x100: {  	v18 =	vmul.f32 v46, v29;
	v58 =	vmul.f32 v24, v29;
	[tilespmem:s19+$0x5960] =	vst.add.f32.msk $0xffff, v49  }
0x101: {  	v53 =	vmul.f32 v7, v14;
	v7 =	vmul.f32 v7, v10;
	[tilespmem:s19+$0x5940] =	vst.add.f32.msk $0xffff, v50  }
0x102: {  	v14 =	vmul.f32 v2, v14;
	v56 =	vmul.f32 v25, v9;
	[tilespmem:s19+$0x5100] =	vst.add.f32.msk $0xffff, v58  }
0x103: {  	v54 =	vmul.f32 v45, v21;
	v62 =	vmul.f32 v31, v28;
	[tilespmem:s19+$0x5160] =	vst.add.f32.msk $0xffff, v7  }
0x104: {  	v2 =	vmul.f32 v11, v21;
	v57 =	vmul.f32 v44, v9;
	v15 =	vsub.f32 $0.0e+00, v15;
	[tilespmem:s19+$0x5130] =	vst.add.f32.msk $0xffff, v56  }
0x105: {  	v5 =	vmul.f32 v5, v9;
	v60 =	vmul.f32 v4, v8;
	v12 =	vadd.f32 v12, v13;
	[tilespmem:s19+$0x5140] =	vst.add.f32.msk $0xffff, v62  }
0x106: {  	v4 =	vmul.f32 v44, v8;
	v61 =	vmul.f32 v20, v28;
	v13 =	vsub.f32 $0.0e+00, v51;
	[tilespmem:s19+$0x5910] =	vst.add.f32.msk $0xffff, v15  }
0x107: {  	v63 =	vmul.f32 v3, v8;
	v9 =	vmul.f32 v6, v9;
	v11 =	vsub.f32 v52, v18;
	[tilespmem:s19+$0x4920] =	vst v12  }
0x108: {  	v10 =	vmul.f32 v55, v10;
	v19 =	vsub.f32 $0.0e+00, v53;
	v7 =	vmul.f32 v32, v23;
	[tilespmem:s19+$0x5900] =	vst.add.f32.msk $0xffff, v13  }
0x109: {  	v5 =	vadd.f32 v60, v5;
	[tilespmem:s19+$0x4940] =	vst v11;
	v11 =	vmul.f32 v22, v29;
	v13 =	vsub.f32 $0.0e+00, v57  }
0x10a: {  	v6 =	vmul.f32 v25, v8;
	v8 =	vsub.f32 v63, v9;
	v10 =	vsub.f32 v10, v14;
	[tilespmem:s19+$0x5920] =	vst.add.f32.msk $0xffff, v19  }
0x10b: {  	s22 =	simm.s32 $0x200;
	v9 =	vmul.f32 v59, v23;
	v7 =	vadd.f32 v54, v7;
	v3 =	vadd.f32 v61, v11;
	[tilespmem:s19+$0x5930] =	vst.add.f32.msk $0xffff, v13  }
.LBB2_4:
0x10c: {  	s2 =	sshra.s32 s22, $0x2;
	p1 =	sne.s32 s22, $0x1E00;
	s22 =	sadd.s32 $0x200, s22;
	[tilespmem:s19+$0x5170] =	vst.add.f32.msk $0xffff, v4  }
0x10d: {  	[tilespmem:s19+$0x5970] =	vst.add.f32.msk $0xffff, v6  }
0x10e: {  	v11 =	vld [tilespmem:s2+$0x3170];
	[tilespmem:s19+$0x4960] =	vst v10  }
0x10f: {  	v2 =	vsub.f32 v2, v9;
	v10 =	vld [tilespmem:s2+$0x3930];
	[tilespmem:s19+$0x4930] =	vst v5  }
0x110: {  	v4 =	vld [tilespmem:s2+$0x3970];
	[tilespmem:s19+$0x4910] =	vst v7  }
0x111: {  	v5 =	vld [tilespmem:s2+$0x3130];
	[tilespmem:s19+$0x4950] =	vst v2  }
0x112: {  	v6 =	vld [tilespmem:s2+$0x2960];
	[tilespmem:s19+$0x4970] =	vst v8  }
0x113: {  	v7 =	vld [tilespmem:s2+$0x970];
	[tilespmem:s19+$0x4900] =	vst v3;
	s19 =	smov.u32 s2  }
0x114: {  	v8 =	vld [tilespmem:s19+$0x930]  }
0x115: {  	v9 =	vld [tilespmem:s19+$0x960]  }
0x116: {  	v2 =	vld [tilespmem:s19+$0x3920]  }
0x117: {  	v3 =	vld [tilespmem:s19+$0x3150]  }
0x118: {  	v12 =	vld [tilespmem:s19+$0x3960]  }
0x119: {  	v13 =	vld [tilespmem:s19+$0x3120]  }
0x11a: {  	v14 =	vld [tilespmem:s19+$0x920]  }
0x11b: {  	v15 =	vld [tilespmem:s19+$0x2950]  }
0x11c: {  	v16 =	vld [tilespmem:s19+$0x2970]  }
0x11d: {  	v17 =	vld [tilespmem:s19+$0x3950]  }
0x11e: {  	v18 =	vld [tilespmem:s19+$0x3900]  }
0x11f: {  	v19 =	vld [tilespmem:s19+$0x3140];
	v13 =	vmul.f32 v13, v14;
	v20 =	vmul.f32 v6, v14  }
0x120: {  	v22 =	vmul.f32 v2, v14;
	v21 =	vld [tilespmem:s19+$0x3940]  }
0x121: {  	v23 =	vld [tilespmem:s19+$0x950]  }
0x122: {  	v24 =	vld [tilespmem:s19+$0x3100]  }
0x123: {  	v25 =	vld [tilespmem:s19+$0x910]  }
0x124: {  	v26 =	vld [tilespmem:s19+$0x2900]  }
0x125: {  	v27 =	vld [tilespmem:s19+$0x2930]  }
0x126: {  	v17 =	vmul.f32 v17, v23;
	v28 =	vld [tilespmem:s19+$0x2910];
	v29 =	vmul.f32 v15, v23  }
0x127: {  	v2 =	vmul.f32 v3, v23;
	v3 =	vld [tilespmem:s19+$0x2920]  }
0x128: {  	v30 =	vld [tilespmem:s19+$0x940];
	v15 =	vmul.f32 v15, v25  }
0x129: {  	v12 =	vmul.f32 v12, v9;
	v31 =	vld [tilespmem:s19+$0x900]  }
0x12a: {  	v32 =	vld [tilespmem:s19+$0x2940]  }
0x12b: {  	v12 =	vadd.f32 v12, v13;
	v33 =	vld [tilespmem:s19+$0x3110];
	v34 =	vmul.f32 v28, v25;
	v23 =	vmul.f32 v28, v23  }
0x12c: {  	[tilespmem:s19+$0x5150] =	vst.add.f32.msk $0xffff, v29;
	v13 =	vmul.f32 v3, v14;
	v14 =	vmul.f32 v6, v9  }
0x12d: {  	v6 =	vsub.f32 $0.0e+00, v15;
	v15 =	vmul.f32 v27, v8;
	[tilespmem:s19+$0x5110] =	vst.add.f32.msk $0xffff, v34  }
0x12e: {  	v3 =	vmul.f32 v3, v9;
	v19 =	vmul.f32 v19, v30;
	[tilespmem:s19+$0x5950] =	vst.add.f32.msk $0xffff, v23  }
0x12f: {  	v23 =	vmul.f32 v26, v30;
	[tilespmem:s19+$0x5120] =	vst.add.f32.msk $0xffff, v13;
	v13 =	vmul.f32 v16, v8  }
0x130: {  	v5 =	vmul.f32 v5, v8;
	v28 =	vmul.f32 v32, v31;
	[tilespmem:s19+$0x5910] =	vst.add.f32.msk $0xffff, v6  }
0x131: {  	v24 =	vmul.f32 v24, v31;
	v6 =	vmul.f32 v18, v31;
	[tilespmem:s19+$0x5960] =	vst.add.f32.msk $0xffff, v3;
	v13 =	vsub.f32 $0.0e+00, v13  }
0x132: {  	v18 =	vmul.f32 v4, v7;
	v4 =	vmul.f32 v16, v7;
	v3 =	vsub.f32 $0.0e+00, v28;
	[tilespmem:s19+$0x5940] =	vst.add.f32.msk $0xffff, v23  }
0x133: {  	v16 =	vmul.f32 v21, v30;
	v19 =	vsub.f32 v19, v6;
	v6 =	vmul.f32 v27, v7;
	[tilespmem:s19+$0x4920] =	vst v12;
	v12 =	vld [tilespmem:s19+$0x3160]  }
0x134: {  	v21 =	vmul.f32 v26, v31;
	v23 =	vmul.f32 v32, v30;
	v5 =	vadd.f32 v18, v5;
	[tilespmem:s19+$0x5900] =	vst.add.f32.msk $0xffff, v3  }
0x135: {  	v3 =	vadd.f32 v16, v24;
	v16 =	vmul.f32 v33, v25;
	[tilespmem:s19+$0x4940] =	vst v19;
	v18 =	vld [tilespmem:s19+$0x3910]  }
0x136: {  	v11 =	vmul.f32 v11, v7;
	[tilespmem:s19+$0x5100] =	vst.add.f32.msk $0xffff, v21  }
.Ltmp3:
0x137: {  	v8 =	vmul.f32 v10, v8;
	v7 =	vadd.f32 v17, v16;
	v16 =	vsub.f32 $0.0e+00, v20;
	[tilespmem:s19+$0x5160] =	vst.add.f32.msk $0xffff, v14;
	(pc) =	sbr.rel @p1 .LBB2_4-.Ltmp3, $4  }
0x138: {  	v10 =	vmul.f32 v12, v9;
	[tilespmem:s19+$0x5130] =	vst.add.f32.msk $0xffff, v15  }
0x139: {  	v8 =	vsub.f32 v11, v8;
	[tilespmem:s19+$0x5920] =	vst.add.f32.msk $0xffff, v16  }
0x13a: {  	[tilespmem:s19+$0x5140] =	vst.add.f32.msk $0xffff, v23;
	v9 =	vmul.f32 v18, v25;
	v10 =	vsub.f32 v10, v22  }
0x13b: {  	[tilespmem:s19+$0x5930] =	vst.add.f32.msk $0xffff, v13  }
0x13c: {  	[tilespmem:s19+$0x5170] =	vst.add.f32.msk $0xffff, v4  }
0x13d: {  	[tilespmem:s19+$0x5970] =	vst.add.f32.msk $0xffff, v6  }
0x13e: {  	[tilespmem:s19+$0x4960] =	vst v10  }
0x13f: {  	[tilespmem:s19+$0x4930] =	vst v5  }
0x140: {  	[tilespmem:s19+$0x4910] =	vst v7  }
0x141: {  	v2 =	vsub.f32 v2, v9;
	[tilespmem:s19+$0x4970] =	vst v8  }
0x142: {  	[tilespmem:s19+$0x4900] =	vst v3  }
0x143: {  	[tilespmem:s19+$0x4950] =	vst v2  }
0x144: {  	[hbm4b:s21+s5] =	stream.linear.scatter [tilespmem:s9], [sflag:$0x2], $0x1000, $0x38;
	[tilespmem:$0x7900] =	vst v63  }
0x145: {  	_ =	swait.ge [sflag:s24], $0x1000  }
0x146: {  	[sflag:s24] =	ssyncset.done $0x0  }
0x147: {  	[sflag:s24] =	ssyncadd.s32 $0xFFFFF000  }
0x148: {  	[spmem:s6] =	stream.linear.scatter [tilespmem:s10], [sflag:$0x2], $0x800, $0x38;
	[tilespmem:$0x7900] =	vst v63  }
0x149: {  	_ =	swait.ge [sflag:s24], $0x800  }
0x14a: {  	[sflag:s24] =	ssyncset.done $0x0  }
0x14b: {  	[sflag:s24] =	ssyncadd.s32 $0xFFFFF800  }
0x14c: {  	[spmem:s7] =	stream.linear.scatter [tilespmem:s11], [sflag:$0x2], $0x800, $0x38;
	[tilespmem:$0x7900] =	vst v63  }
.Ltmp4:
0x14d: {  	_ =	swait.ge [sflag:s24], $0x800;
	(pc) =	sbr.rel @p0 .LBB2_19-.Ltmp4, $3  }
0x14e: {  	[sflag:s24] =	ssyncset.done $0x0  }
0x14f: {  	[sflag:s24] =	ssyncadd.s32 $0xFFFFF800  }
0x150: {  	[bflag:$0x0] =	sbarrier.arrive $0xFFFF;
	_ =	sdelay $0x1  }
0x151: {  	s2 =	rddreg [dreg:$0xb]  }
0x152: {  	[tilespmem:s12], [sflag:$0x2] =	stream.linear.gather [spmem:s2], $0x800, $0x38;
	[tilespmem:$0x7900] =	vst v63  }
0x153: {  	_ =	swait.ge [sflag:s24], $0x800  }
0x154: {  	[sflag:s24] =	ssyncset.done $0x0  }
0x155: {  	s19 =	simm.s32 $0x200;
	s2 =	simm.s32 $0x0;
	[sflag:s24] =	ssyncadd.s32 $0xFFFFF800  }
.LBB2_7:
0x156: {  	p1 =	sne.s32 s19, $0x1E00;
	v2 =	vld [tilespmem:s2+$0x6170]  }
0x157: {  	v3 =	vld [tilespmem:s2+$0x6100]  }
0x158: {  	v4 =	vld [tilespmem:s2+$0x6110]  }
0x159: {  	v5 =	vld [tilespmem:s2+$0x6120]  }
0x15a: {  	v6 =	vld [tilespmem:s2+$0x6130]  }
0x15b: {  	[tilespmem:s2+$0x5170] =	vst.add.f32.msk $0xffff, v2  }
0x15c: {  	v2 =	vld [tilespmem:s2+$0x6140]  }
0x15d: {  	v7 =	vld [tilespmem:s2+$0x6150]  }
0x15e: {  	v8 =	vld [tilespmem:s2+$0x6160]  }
0x15f: {  	[tilespmem:s2+$0x5100] =	vst.add.f32.msk $0xffff, v3  }
0x160: {  	[tilespmem:s2+$0x5110] =	vst.add.f32.msk $0xffff, v4  }
.Ltmp5:
0x161: {  	[tilespmem:s2+$0x5120] =	vst.add.f32.msk $0xffff, v5;
	(pc) =	sbr.rel @p1 .LBB2_7-.Ltmp5, $4  }
0x162: {  	[tilespmem:s2+$0x5130] =	vst.add.f32.msk $0xffff, v6  }
0x163: {  	[tilespmem:s2+$0x5140] =	vst.add.f32.msk $0xffff, v2  }
0x164: {  	[tilespmem:s2+$0x5150] =	vst.add.f32.msk $0xffff, v7  }
0x165: {  	[tilespmem:s2+$0x5160] =	vst.add.f32.msk $0xffff, v8;
	s2 =	sshra.s32 s19, $0x2;
	s19 =	sadd.s32 $0x200, s19  }
0x166: {  	v2 =	vld [tilespmem:s2+$0x6170]  }
0x167: {  	v3 =	vld [tilespmem:s2+$0x6100]  }
0x168: {  	v4 =	vld [tilespmem:s2+$0x6110]  }
0x169: {  	v5 =	vld [tilespmem:s2+$0x6120]  }
0x16a: {  	v6 =	vld [tilespmem:s2+$0x6130]  }
0x16b: {  	v7 =	vld [tilespmem:s2+$0x6150]  }
0x16c: {  	v8 =	vld [tilespmem:s2+$0x6160]  }
0x16d: {  	[tilespmem:s2+$0x5170] =	vst.add.f32.msk $0xffff, v2  }
0x16e: {  	v2 =	vld [tilespmem:s2+$0x6140]  }
0x16f: {  	[tilespmem:s2+$0x5100] =	vst.add.f32.msk $0xffff, v3  }
0x170: {  	[tilespmem:s2+$0x5110] =	vst.add.f32.msk $0xffff, v4  }
0x171: {  	[tilespmem:s2+$0x5120] =	vst.add.f32.msk $0xffff, v5  }
0x172: {  	[tilespmem:s2+$0x5130] =	vst.add.f32.msk $0xffff, v6  }
0x173: {  	[tilespmem:s2+$0x5150] =	vst.add.f32.msk $0xffff, v7  }
0x174: {  	[tilespmem:s2+$0x5160] =	vst.add.f32.msk $0xffff, v8  }
0x175: {  	s22 =	rddreg [dreg:$0xc];
	[tilespmem:s2+$0x5140] =	vst.add.f32.msk $0xffff, v2  }
0x176: {  	[tilespmem:s12], [sflag:$0x2] =	stream.linear.gather [spmem:s22], $0x800, $0x38;
	[tilespmem:$0x7900] =	vst v63  }
0x177: {  	_ =	swait.ge [sflag:s24], $0x800  }
0x178: {  	[sflag:s24] =	ssyncset.done $0x0  }
0x179: {  	s19 =	simm.s32 $0x200;
	s2 =	simm.s32 $0x0;
	[sflag:s24] =	ssyncadd.s32 $0xFFFFF800  }
.LBB2_9:
0x17a: {  	p1 =	sne.s32 s19, $0x1E00;
	v2 =	vld [tilespmem:s2+$0x6170]  }
0x17b: {  	v3 =	vld [tilespmem:s2+$0x6100]  }
0x17c: {  	v4 =	vld [tilespmem:s2+$0x6110]  }
0x17d: {  	v5 =	vld [tilespmem:s2+$0x6120]  }
0x17e: {  	v6 =	vld [tilespmem:s2+$0x6130]  }
0x17f: {  	[tilespmem:s2+$0x5970] =	vst.add.f32.msk $0xffff, v2  }
0x180: {  	v2 =	vld [tilespmem:s2+$0x6140]  }
0x181: {  	v7 =	vld [tilespmem:s2+$0x6150]  }
0x182: {  	v8 =	vld [tilespmem:s2+$0x6160]  }
0x183: {  	[tilespmem:s2+$0x5900] =	vst.add.f32.msk $0xffff, v3  }
0x184: {  	[tilespmem:s2+$0x5910] =	vst.add.f32.msk $0xffff, v4  }
.Ltmp6:
0x185: {  	[tilespmem:s2+$0x5920] =	vst.add.f32.msk $0xffff, v5;
	(pc) =	sbr.rel @p1 .LBB2_9-.Ltmp6, $4  }
0x186: {  	[tilespmem:s2+$0x5930] =	vst.add.f32.msk $0xffff, v6  }
0x187: {  	[tilespmem:s2+$0x5940] =	vst.add.f32.msk $0xffff, v2  }
0x188: {  	[tilespmem:s2+$0x5950] =	vst.add.f32.msk $0xffff, v7  }
0x189: {  	[tilespmem:s2+$0x5960] =	vst.add.f32.msk $0xffff, v8;
	s2 =	sshra.s32 s19, $0x2;
	s19 =	sadd.s32 $0x200, s19  }
0x18a: {  	v2 =	vld [tilespmem:s2+$0x6170]  }
0x18b: {  	v3 =	vld [tilespmem:s2+$0x6100]  }
0x18c: {  	v4 =	vld [tilespmem:s2+$0x6110]  }
0x18d: {  	v5 =	vld [tilespmem:s2+$0x6120]  }
0x18e: {  	v6 =	vld [tilespmem:s2+$0x6130]  }
0x18f: {  	v7 =	vld [tilespmem:s2+$0x6150]  }
0x190: {  	v8 =	vld [tilespmem:s2+$0x6160]  }
0x191: {  	[tilespmem:s2+$0x5970] =	vst.add.f32.msk $0xffff, v2  }
0x192: {  	v2 =	vld [tilespmem:s2+$0x6140]  }
0x193: {  	[tilespmem:s2+$0x5900] =	vst.add.f32.msk $0xffff, v3  }
0x194: {  	[tilespmem:s2+$0x5910] =	vst.add.f32.msk $0xffff, v4  }
0x195: {  	[tilespmem:s2+$0x5920] =	vst.add.f32.msk $0xffff, v5  }
0x196: {  	[tilespmem:s2+$0x5930] =	vst.add.f32.msk $0xffff, v6  }
0x197: {  	[tilespmem:s2+$0x5950] =	vst.add.f32.msk $0xffff, v7  }
0x198: {  	[tilespmem:s2+$0x5960] =	vst.add.f32.msk $0xffff, v8  }
0x199: {  	s22 =	rddreg [dreg:$0xd];
	[tilespmem:s2+$0x5940] =	vst.add.f32.msk $0xffff, v2  }
0x19a: {  	[tilespmem:s12], [sflag:$0x2] =	stream.linear.gather [spmem:s22], $0x800, $0x38;
	[tilespmem:$0x7900] =	vst v63  }
0x19b: {  	_ =	swait.ge [sflag:s24], $0x800  }
0x19c: {  	[sflag:s24] =	ssyncset.done $0x0  }
0x19d: {  	s19 =	simm.s32 $0x200;
	s2 =	simm.s32 $0x0;
	[sflag:s24] =	ssyncadd.s32 $0xFFFFF800  }
.LBB2_11:
0x19e: {  	p1 =	sne.s32 s19, $0x1E00;
	v2 =	vld [tilespmem:s2+$0x6170]  }
0x19f: {  	v3 =	vld [tilespmem:s2+$0x6100]  }
0x1a0: {  	v4 =	vld [tilespmem:s2+$0x6110]  }
0x1a1: {  	v5 =	vld [tilespmem:s2+$0x6120]  }
0x1a2: {  	v6 =	vld [tilespmem:s2+$0x6130]  }
0x1a3: {  	[tilespmem:s2+$0x5170] =	vst.add.f32.msk $0xffff, v2  }
0x1a4: {  	v2 =	vld [tilespmem:s2+$0x6140]  }
0x1a5: {  	v7 =	vld [tilespmem:s2+$0x6150]  }
0x1a6: {  	v8 =	vld [tilespmem:s2+$0x6160]  }
0x1a7: {  	[tilespmem:s2+$0x5100] =	vst.add.f32.msk $0xffff, v3  }
0x1a8: {  	[tilespmem:s2+$0x5110] =	vst.add.f32.msk $0xffff, v4  }
.Ltmp7:
0x1a9: {  	[tilespmem:s2+$0x5120] =	vst.add.f32.msk $0xffff, v5;
	(pc) =	sbr.rel @p1 .LBB2_11-.Ltmp7, $4  }
0x1aa: {  	[tilespmem:s2+$0x5130] =	vst.add.f32.msk $0xffff, v6  }
0x1ab: {  	[tilespmem:s2+$0x5140] =	vst.add.f32.msk $0xffff, v2  }
0x1ac: {  	[tilespmem:s2+$0x5150] =	vst.add.f32.msk $0xffff, v7  }
0x1ad: {  	[tilespmem:s2+$0x5160] =	vst.add.f32.msk $0xffff, v8;
	s2 =	sshra.s32 s19, $0x2;
	s19 =	sadd.s32 $0x200, s19  }
0x1ae: {  	v2 =	vld [tilespmem:s2+$0x6170]  }
0x1af: {  	v3 =	vld [tilespmem:s2+$0x6100]  }
0x1b0: {  	v4 =	vld [tilespmem:s2+$0x6110]  }
0x1b1: {  	v5 =	vld [tilespmem:s2+$0x6120]  }
0x1b2: {  	v6 =	vld [tilespmem:s2+$0x6130]  }
0x1b3: {  	v7 =	vld [tilespmem:s2+$0x6150]  }
0x1b4: {  	v8 =	vld [tilespmem:s2+$0x6160]  }
0x1b5: {  	[tilespmem:s2+$0x5170] =	vst.add.f32.msk $0xffff, v2  }
0x1b6: {  	v2 =	vld [tilespmem:s2+$0x6140]  }
0x1b7: {  	[tilespmem:s2+$0x5100] =	vst.add.f32.msk $0xffff, v3  }
0x1b8: {  	[tilespmem:s2+$0x5110] =	vst.add.f32.msk $0xffff, v4  }
0x1b9: {  	[tilespmem:s2+$0x5120] =	vst.add.f32.msk $0xffff, v5  }
0x1ba: {  	[tilespmem:s2+$0x5130] =	vst.add.f32.msk $0xffff, v6  }
0x1bb: {  	[tilespmem:s2+$0x5150] =	vst.add.f32.msk $0xffff, v7  }
0x1bc: {  	[tilespmem:s2+$0x5160] =	vst.add.f32.msk $0xffff, v8  }
0x1bd: {  	s22 =	rddreg [dreg:$0xe];
	[tilespmem:s2+$0x5140] =	vst.add.f32.msk $0xffff, v2  }
0x1be: {  	[tilespmem:s12], [sflag:$0x2] =	stream.linear.gather [spmem:s22], $0x800, $0x38;
	[tilespmem:$0x7900] =	vst v63  }
0x1bf: {  	_ =	swait.ge [sflag:s24], $0x800  }
0x1c0: {  	[sflag:s24] =	ssyncset.done $0x0  }
0x1c1: {  	s19 =	simm.s32 $0x200;
	s2 =	simm.s32 $0x0;
	[sflag:s24] =	ssyncadd.s32 $0xFFFFF800  }
.LBB2_13:
0x1c2: {  	p1 =	sne.s32 s19, $0x1E00;
	v2 =	vld [tilespmem:s2+$0x6170]  }
0x1c3: {  	v3 =	vld [tilespmem:s2+$0x6100]  }
0x1c4: {  	v4 =	vld [tilespmem:s2+$0x6110]  }
0x1c5: {  	v5 =	vld [tilespmem:s2+$0x6120]  }
0x1c6: {  	v6 =	vld [tilespmem:s2+$0x6130]  }
0x1c7: {  	[tilespmem:s2+$0x5970] =	vst.add.f32.msk $0xffff, v2  }
0x1c8: {  	v2 =	vld [tilespmem:s2+$0x6140]  }
0x1c9: {  	v7 =	vld [tilespmem:s2+$0x6150]  }
0x1ca: {  	v8 =	vld [tilespmem:s2+$0x6160]  }
0x1cb: {  	[tilespmem:s2+$0x5900] =	vst.add.f32.msk $0xffff, v3  }
0x1cc: {  	[tilespmem:s2+$0x5910] =	vst.add.f32.msk $0xffff, v4  }
.Ltmp8:
0x1cd: {  	[tilespmem:s2+$0x5920] =	vst.add.f32.msk $0xffff, v5;
	(pc) =	sbr.rel @p1 .LBB2_13-.Ltmp8, $4  }
0x1ce: {  	[tilespmem:s2+$0x5930] =	vst.add.f32.msk $0xffff, v6  }
0x1cf: {  	[tilespmem:s2+$0x5940] =	vst.add.f32.msk $0xffff, v2  }
0x1d0: {  	[tilespmem:s2+$0x5950] =	vst.add.f32.msk $0xffff, v7  }
0x1d1: {  	[tilespmem:s2+$0x5960] =	vst.add.f32.msk $0xffff, v8;
	s2 =	sshra.s32 s19, $0x2;
	s19 =	sadd.s32 $0x200, s19  }
0x1d2: {  	v2 =	vld [tilespmem:s2+$0x6170]  }
0x1d3: {  	v3 =	vld [tilespmem:s2+$0x6100]  }
0x1d4: {  	v4 =	vld [tilespmem:s2+$0x6110]  }
0x1d5: {  	v5 =	vld [tilespmem:s2+$0x6120]  }
0x1d6: {  	v6 =	vld [tilespmem:s2+$0x6130]  }
0x1d7: {  	v7 =	vld [tilespmem:s2+$0x6150]  }
0x1d8: {  	v8 =	vld [tilespmem:s2+$0x6160]  }
0x1d9: {  	[tilespmem:s2+$0x5970] =	vst.add.f32.msk $0xffff, v2  }
0x1da: {  	v2 =	vld [tilespmem:s2+$0x6140]  }
0x1db: {  	[tilespmem:s2+$0x5900] =	vst.add.f32.msk $0xffff, v3  }
0x1dc: {  	[tilespmem:s2+$0x5910] =	vst.add.f32.msk $0xffff, v4  }
0x1dd: {  	[tilespmem:s2+$0x5920] =	vst.add.f32.msk $0xffff, v5  }
0x1de: {  	[tilespmem:s2+$0x5930] =	vst.add.f32.msk $0xffff, v6  }
0x1df: {  	[tilespmem:s2+$0x5950] =	vst.add.f32.msk $0xffff, v7  }
0x1e0: {  	[tilespmem:s2+$0x5960] =	vst.add.f32.msk $0xffff, v8  }
0x1e1: {  	s22 =	rddreg [dreg:$0xf];
	[tilespmem:s2+$0x5940] =	vst.add.f32.msk $0xffff, v2  }
0x1e2: {  	[tilespmem:s12], [sflag:$0x2] =	stream.linear.gather [spmem:s22], $0x800, $0x38;
	[tilespmem:$0x7900] =	vst v63  }
0x1e3: {  	_ =	swait.ge [sflag:s24], $0x800  }
0x1e4: {  	[sflag:s24] =	ssyncset.done $0x0  }
0x1e5: {  	s19 =	simm.s32 $0x200;
	s2 =	simm.s32 $0x0;
	[sflag:s24] =	ssyncadd.s32 $0xFFFFF800  }
.LBB2_15:
0x1e6: {  	p1 =	sne.s32 s19, $0x1E00;
	v2 =	vld [tilespmem:s2+$0x6170]  }
0x1e7: {  	v3 =	vld [tilespmem:s2+$0x6100]  }
0x1e8: {  	v4 =	vld [tilespmem:s2+$0x6110]  }
0x1e9: {  	v5 =	vld [tilespmem:s2+$0x6120]  }
0x1ea: {  	v6 =	vld [tilespmem:s2+$0x6130]  }
0x1eb: {  	[tilespmem:s2+$0x5170] =	vst.add.f32.msk $0xffff, v2  }
0x1ec: {  	v2 =	vld [tilespmem:s2+$0x6140]  }
0x1ed: {  	v7 =	vld [tilespmem:s2+$0x6150]  }
0x1ee: {  	v8 =	vld [tilespmem:s2+$0x6160]  }
0x1ef: {  	[tilespmem:s2+$0x5100] =	vst.add.f32.msk $0xffff, v3  }
0x1f0: {  	[tilespmem:s2+$0x5110] =	vst.add.f32.msk $0xffff, v4  }
.Ltmp9:
0x1f1: {  	[tilespmem:s2+$0x5120] =	vst.add.f32.msk $0xffff, v5;
	(pc) =	sbr.rel @p1 .LBB2_15-.Ltmp9, $4  }
0x1f2: {  	[tilespmem:s2+$0x5130] =	vst.add.f32.msk $0xffff, v6  }
0x1f3: {  	[tilespmem:s2+$0x5140] =	vst.add.f32.msk $0xffff, v2  }
0x1f4: {  	[tilespmem:s2+$0x5150] =	vst.add.f32.msk $0xffff, v7  }
0x1f5: {  	[tilespmem:s2+$0x5160] =	vst.add.f32.msk $0xffff, v8;
	s2 =	sshra.s32 s19, $0x2;
	s19 =	sadd.s32 $0x200, s19  }
0x1f6: {  	v2 =	vld [tilespmem:s2+$0x6170]  }
0x1f7: {  	v3 =	vld [tilespmem:s2+$0x6100]  }
0x1f8: {  	v4 =	vld [tilespmem:s2+$0x6110]  }
0x1f9: {  	v5 =	vld [tilespmem:s2+$0x6120]  }
0x1fa: {  	v6 =	vld [tilespmem:s2+$0x6130]  }
0x1fb: {  	v7 =	vld [tilespmem:s2+$0x6150]  }
0x1fc: {  	v8 =	vld [tilespmem:s2+$0x6160]  }
0x1fd: {  	[tilespmem:s2+$0x5170] =	vst.add.f32.msk $0xffff, v2  }
0x1fe: {  	v2 =	vld [tilespmem:s2+$0x6140]  }
0x1ff: {  	[tilespmem:s2+$0x5100] =	vst.add.f32.msk $0xffff, v3  }
0x200: {  	[tilespmem:s2+$0x5110] =	vst.add.f32.msk $0xffff, v4  }
0x201: {  	[tilespmem:s2+$0x5120] =	vst.add.f32.msk $0xffff, v5  }
0x202: {  	[tilespmem:s2+$0x5130] =	vst.add.f32.msk $0xffff, v6  }
0x203: {  	[tilespmem:s2+$0x5150] =	vst.add.f32.msk $0xffff, v7  }
0x204: {  	[tilespmem:s2+$0x5160] =	vst.add.f32.msk $0xffff, v8  }
0x205: {  	s22 =	rddreg [dreg:$0x10];
	[tilespmem:s2+$0x5140] =	vst.add.f32.msk $0xffff, v2  }
0x206: {  	[tilespmem:s12], [sflag:$0x2] =	stream.linear.gather [spmem:s22], $0x800, $0x38;
	[tilespmem:$0x7900] =	vst v63  }
0x207: {  	_ =	swait.ge [sflag:s24], $0x800  }
0x208: {  	[sflag:s24] =	ssyncset.done $0x0  }
0x209: {  	s19 =	simm.s32 $0x200;
	s2 =	simm.s32 $0x0;
	[sflag:s24] =	ssyncadd.s32 $0xFFFFF800  }
.LBB2_17:
0x20a: {  	p1 =	sne.s32 s19, $0x1E00;
	v2 =	vld [tilespmem:s2+$0x6170]  }
0x20b: {  	v3 =	vld [tilespmem:s2+$0x6100]  }
0x20c: {  	v4 =	vld [tilespmem:s2+$0x6110]  }
0x20d: {  	v5 =	vld [tilespmem:s2+$0x6120]  }
0x20e: {  	v6 =	vld [tilespmem:s2+$0x6130]  }
0x20f: {  	[tilespmem:s2+$0x5970] =	vst.add.f32.msk $0xffff, v2  }
0x210: {  	v2 =	vld [tilespmem:s2+$0x6140]  }
0x211: {  	v7 =	vld [tilespmem:s2+$0x6150]  }
0x212: {  	v8 =	vld [tilespmem:s2+$0x6160]  }
0x213: {  	[tilespmem:s2+$0x5900] =	vst.add.f32.msk $0xffff, v3  }
0x214: {  	[tilespmem:s2+$0x5910] =	vst.add.f32.msk $0xffff, v4  }
.Ltmp10:
0x215: {  	[tilespmem:s2+$0x5920] =	vst.add.f32.msk $0xffff, v5;
	(pc) =	sbr.rel @p1 .LBB2_17-.Ltmp10, $4  }
0x216: {  	[tilespmem:s2+$0x5930] =	vst.add.f32.msk $0xffff, v6  }
0x217: {  	[tilespmem:s2+$0x5940] =	vst.add.f32.msk $0xffff, v2  }
0x218: {  	[tilespmem:s2+$0x5950] =	vst.add.f32.msk $0xffff, v7  }
0x219: {  	[tilespmem:s2+$0x5960] =	vst.add.f32.msk $0xffff, v8;
	s2 =	sshra.s32 s19, $0x2;
	s19 =	sadd.s32 $0x200, s19  }
.Ltmp11:
0x21a: {  	_ = 	snop;
	(pc) =	sbr.rel .LBB2_18-.Ltmp11, $1  }
0x21b: {  	_ =	sdelay $0x3  }
.LBB2_20:
0x21c: {  	_ =	sfence.sel $0x180000  }
0x21d: {  	[bflag:$0x0] =	sbarrier.arrive $0xFFFF  }
0x21e: {  	_ =	strace $0x90000047  }
0x21f: {  	s0 =	stileid.u32;
	[bflag:$0x2] =	sbarrier.arrive $0xFFFF  }
0x220: {  	p0 =	sne.s32 s0, $0x0;
	s0 =	rddreg [dreg:$0xa]  }
0x221: {  	s0 =	sadd.s32 @!p0 $0x100000, s0  }
0x222: {  	[sflag:s0] =	ssyncadd.tile.s32 @!p0 $0x1;
	_ =	shalt  }
.Lfunc_end2:
_tile_overlayer_lowered:
.L_overlay_start_2:
0x223: {  	(tag) =	ssettag $0x2  }
0x224: {  	s0 =	rddreg [dreg:$0x0];
	s2 =	stileid.u32  }
0x225: {  	s1 =	rddreg [dreg:$0x1];
	p0 =	sne.s32 s2, $0x0  }
0x226: {  	s3 =	rddreg [dreg:$0x2];
	[bflag:$0x3] =	sbarrier.arrive $0xFFFF;
	s2 =	simm.s32 @!p0 $0x1C02  }
0x227: {  	[timem:s3], [sflag:s2] =	dma.local @!p0 [hbm:s0], s1  }
0x228: {  	s0 =	simm.s32 @!p0 $0x2  }
0x229: {  	_ =	swait.ge @!p0 [sflag:s0], s1  }
0x22a: {  	s1 =	ssub.s32 @!p0 $0x0, s1;
	[sflag:s0] =	ssyncset.done @!p0 $0x0  }
0x22b: {  	[sflag:s0] =	ssyncadd.s32 @!p0 s1  }
0x22c: {  	[bflag:$0x3] =	sbarrier.arrive $0xFFFF  }
0x22d: {  	_ =	shalt  }

</sc_bundles>
